<compile_context>
chip_gen: v7x
topology: tpu7x:2x2x1
jax: 0.10.2.dev20260603
libtpu: 0.0.44.dev20260713+nightly
codegen_flags: <defaults>
</compile_context>

<pallas_src>
import dataclasses
import functools

import jax
import jax.numpy as jnp
from jax import lax
from jax.experimental import pallas as pl
from jax.experimental.pallas import tpu as pltpu
from jax.experimental.pallas import tpu_sc as plsc

D = 128
L = 16
NS = 16
NC = 2
CHUNK = 80
ROWB = 80


def _sc_compiler_params():
    cp = pltpu.CompilerParams()
    if "needs_layout_passes" in pltpu.CompilerParams.__dataclass_fields__:
        cp = dataclasses.replace(cp, needs_layout_passes=False)
    return cp


TBLK = 1000


def _logit_tables_kernel(ent_ref, rel_ref, v02_ref, v1_ref, b1_ref,
                         s02_ref, s1_ref):
    hi = jax.lax.Precision.HIGHEST
    s02_ref[...] = jnp.dot(ent_ref[...], v02_ref[...], precision=hi,
                           preferred_element_type=jnp.float32)
    s1_ref[...] = jnp.dot(rel_ref[...], v1_ref[...], precision=hi,
                          preferred_element_type=jnp.float32) + b1_ref[0, 0]


def _p_tables_kernel(ent_ref, rel_ref, w0t_ref, w1t_ref, w2t_ref, ba_ref,
                     p0_ref, p1_ref, p2_ref):
    hi = jax.lax.Precision.HIGHEST
    p0_ref[...] = jnp.dot(ent_ref[...], w0t_ref[...], precision=hi,
                          preferred_element_type=jnp.float32)
    p1_ref[...] = jnp.dot(rel_ref[...], w1t_ref[...], precision=hi,
                          preferred_element_type=jnp.float32) + ba_ref[...]
    p2_ref[...] = jnp.dot(ent_ref[...], w2t_ref[...], precision=hi,
                          preferred_element_type=jnp.float32)


def _build_tables(ent, rel, w0t, w1t, w2t, ba_row, w2col, ba2):
    n = ent.shape[0]
    f32 = jnp.float32
    row_spec = pl.BlockSpec((TBLK, D), lambda i: (i, 0))
    s_spec = pl.BlockSpec((TBLK, 1), lambda i: (i, 0))
    s2_spec = pl.BlockSpec((TBLK, 2), lambda i: (i, 0))
    full = lambda shape: pl.BlockSpec(shape, lambda i: tuple(0 for _ in shape))
    v02 = jnp.concatenate([w0t @ w2col, w2t @ w2col], axis=1)
    v1 = w1t @ w2col
    s1_bias = (ba_row @ w2col + ba2).reshape(1, 1)
    s02, s1 = pl.pallas_call(
        _logit_tables_kernel,
        grid=(n // TBLK,),
        in_specs=[row_spec, row_spec, full((D, 2)), full((D, 1)),
                  full((1, 1))],
        out_specs=[s2_spec, s_spec],
        out_shape=[
            jax.ShapeDtypeStruct((n, 2), f32),
            jax.ShapeDtypeStruct((n, 1), f32),
        ],
    )(ent, rel, v02, v1, s1_bias)
    p0, p1, p2 = pl.pallas_call(
        _p_tables_kernel,
        grid=(n // TBLK,),
        in_specs=[row_spec, row_spec, full((D, D)), full((D, D)),
                  full((D, D)), full((1, D))],
        out_specs=[row_spec, row_spec, row_spec],
        out_shape=[
            jax.ShapeDtypeStruct((n, D), f32),
            jax.ShapeDtypeStruct((n, D), f32),
            jax.ShapeDtypeStruct((n, D), f32),
        ],
    )(ent, rel, w0t, w1t, w2t, ba_row)
    return p0, p1, p2, s02[:, 0], s1[:, 0], s02[:, 1]


def _finalize_kernel(hs_ref, hr_ref, p0_ref, p1_ref, aux0_ref, aux1_ref,
                     aux2_ref, hent_ref, hrel_ref):
    f32 = jnp.float32
    ebs = jnp.sum(aux0_ref[...], axis=0)[:, None]
    ews = jnp.sum(aux1_ref[...], axis=0)[:, None]
    cnt = jnp.sum(aux2_ref[...], axis=0)[:, None]
    hs = hs_ref[...] + p0_ref[...] * ebs
    hr = hr_ref[...] + p1_ref[...] * ews
    den = jnp.where(ebs == 0, f32(1e-12), ebs)
    hent_ref[...] = jnp.maximum(hs / den, f32(0.0))
    hrel_ref[...] = jnp.maximum(hr / jnp.maximum(cnt, f32(1.0)), f32(0.0))


def _finalize(hs, hr, p0, p1, aux0, aux1, aux2):
    f32 = jnp.float32
    return pl.pallas_call(
        _finalize_kernel,
        out_shape=[
            jax.ShapeDtypeStruct(hs.shape, f32),
            jax.ShapeDtypeStruct(hr.shape, f32),
        ],
    )(hs, hr, p0, p1, aux0, aux1, aux2)


def _make_sc_weights(n_ent, n_rel, n_edges):
    nw = NC * NS
    epw = n_edges // nw
    n_chunks = epw // CHUNK
    f32 = jnp.float32
    mesh = plsc.VectorSubcoreMesh(core_axis_name="c", subcore_axis_name="s")

    @functools.partial(
        pl.kernel,
        compiler_params=_sc_compiler_params(),
        out_type=[
            jax.ShapeDtypeStruct((n_edges,), f32),
            jax.ShapeDtypeStruct((nw, n_ent), f32),
            jax.ShapeDtypeStruct((nw, n_rel), f32),
            jax.ShapeDtypeStruct((nw, n_rel), f32),
        ],
        mesh=mesh,
        scratch_types=[
            pltpu.VMEM((CHUNK,), jnp.int32),
            pltpu.VMEM((CHUNK,), jnp.int32),
            pltpu.VMEM((CHUNK,), jnp.int32),
            pltpu.VMEM((CHUNK,), jnp.int32),
            pltpu.VMEM((CHUNK,), jnp.int32),
            pltpu.VMEM((CHUNK,), jnp.int32),
            pltpu.VMEM((CHUNK,), f32),
            pltpu.VMEM((CHUNK,), f32),
            pltpu.VMEM((n_ent,), f32),
            pltpu.VMEM((n_rel,), f32),
            pltpu.VMEM((n_ent,), f32),
            pltpu.VMEM((n_ent,), f32),
            pltpu.VMEM((n_rel,), f32),
            pltpu.VMEM((n_rel,), f32),
            pltpu.SemaphoreType.DMA,
            pltpu.SemaphoreType.DMA,
            pltpu.SemaphoreType.DMA,
            pltpu.SemaphoreType.DMA,
        ],
    )
    def sc_weights(t0_hbm, t1_hbm, t2_hbm, s0_hbm, s1_hbm, s2_hbm,
                   e_hbm, aux0_hbm, aux1_hbm, aux2_hbm,
                   i0a, i1a, i2a, i0b, i1b, i2b, ea, eb,
                   s0t, s1t, s2t, a0l, a1l, a2l,
                   semia, semib, semwa, semwb):
        c = lax.axis_index("c")
        s = lax.axis_index("s")
        wid = c * NS + s
        zero16 = jnp.zeros((L,), f32)
        one16 = jnp.ones((L,), f32)
        ebase = wid * epw

        bufs = [(i0a, i1a, i2a, ea, semia, semwa),
                (i0b, i1b, i2b, eb, semib, semwb)]

        def idx_descs(ci, B):
            i0v, i1v, i2v, _, semi, _ = bufs[B]
            off = ebase + ci * CHUNK
            return [
                pltpu.make_async_copy(t0_hbm.at[pl.ds(off, CHUNK)], i0v, semi),
                pltpu.make_async_copy(t1_hbm.at[pl.ds(off, CHUNK)], i1v, semi),
                pltpu.make_async_copy(t2_hbm.at[pl.ds(off, CHUNK)], i2v, semi),
            ]

        def wb_desc(ci, B):
            _, _, _, e80, _, semw = bufs[B]
            off = ebase + ci * CHUNK
            return pltpu.make_async_copy(e80, e_hbm.at[pl.ds(off, CHUNK)], semw)

        pltpu.sync_copy(s0_hbm, s0t)
        pltpu.sync_copy(s1_hbm, s1t)
        pltpu.sync_copy(s2_hbm, s2t)

        @pl.loop(0, n_ent // L)
        def _(q):
            a0l[pl.ds(q * L, L)] = zero16

        @pl.loop(0, n_rel // L)
        def _(q):
            a1l[pl.ds(q * L, L)] = zero16
            a2l[pl.ds(q * L, L)] = zero16

        def compute_chunk(B):
            i0v, i1v, i2v, e80, _, _ = bufs[B]

            @pl.loop(0, CHUNK // L)
            def _(q):
                sl = pl.ds(q * L, L)
                a0 = i0v[sl]
                a1 = i1v[sl]
                a2 = i2v[sl]
                d = (plsc.load_gather(s0t, [a0]) +
                     plsc.load_gather(s1t, [a1]) +
                     plsc.load_gather(s2t, [a2]))
                lk = jnp.where(d >= 0, d, d * f32(0.01))
                e = jnp.exp(-lk)
                e80[sl] = e
                plsc.addupdate_scatter(a0l, [a0], e)
                plsc.addupdate_scatter(a1l, [a1], e)
                plsc.addupdate_scatter(a2l, [a1], one16)

        for dsc in idx_descs(0, 0):
            dsc.start()
        for dsc in idx_descs(1, 1):
            dsc.start()

        @pl.loop(0, n_chunks // 2)
        def _(gg):
            for b in (0, 1):
                ci = gg * 2 + b
                for dsc in idx_descs(ci, b):
                    dsc.wait()

                @pl.when(gg >= 1)
                def _():
                    wb_desc(ci - 2, b).wait()

                compute_chunk(b)
                wb_desc(ci, b).start()

                @pl.when(ci + 2 < n_chunks)
                def _():
                    for dsc in idx_descs(ci + 2, b):
                        dsc.start()

        if n_chunks % 2 == 1:
            last = n_chunks - 1
            for dsc in idx_descs(last, 0):
                dsc.wait()
            wb_desc(last - 2, 0).wait()
            compute_chunk(0)
            wb_desc(last, 0).start()
            wb_desc(last - 1, 1).wait()
            wb_desc(last, 0).wait()
        else:
            wb_desc(n_chunks - 2, 0).wait()
            wb_desc(n_chunks - 1, 1).wait()

        pltpu.sync_copy(a0l, aux0_hbm.at[wid])
        pltpu.sync_copy(a1l, aux1_hbm.at[wid])
        pltpu.sync_copy(a2l, aux2_hbm.at[wid])

    return sc_weights


def _make_sc_agg(n_ent, n_rel, n_edges):
    edges_per_tile = n_edges // NS
    n_chunks = edges_per_tile // CHUNK
    assert n_chunks % 2 == 0
    nrb_ent = n_ent // ROWB
    nrb_rel = n_rel // ROWB
    n_max = max(n_ent, n_rel)
    f32 = jnp.float32
    mesh = plsc.VectorSubcoreMesh(core_axis_name="c", subcore_axis_name="s")

    idx_t = pltpu.VMEM((CHUNK,), jnp.int32)
    row_t = pltpu.VMEM((CHUNK, D), f32)
    e_t = pltpu.VMEM((CHUNK + L,), f32)

    @functools.partial(
        pl.kernel,
        compiler_params=_sc_compiler_params(),
        out_type=[
            jax.ShapeDtypeStruct((n_ent, D), f32),
            jax.ShapeDtypeStruct((n_rel, D), f32),
        ],
        mesh=mesh,
        scratch_types=(
            [idx_t] * 6 + [idx_t] * 2 + [row_t] * 4 + [e_t] * 2 +
            [pltpu.VMEM_SHARED((n_max, D), f32)] +
            [pltpu.SemaphoreType.DMA] * 6
        ),
    )
    def sc_agg(t0_hbm, t1_hbm, t2_hbm, e_hbm, p0_hbm, p1_hbm, p2_hbm,
               hent_hbm, hrel_hbm,
               i0a, i1a, i2a, i0b, i1b, i2b, ka, kb, gaa, gba, gab, gbb,
               ea, eb, accum,
               semia, semib, semga, semgb, semsa, semsb):
        c = lax.axis_index("c")
        s = lax.axis_index("s")
        zero16 = jnp.zeros((L,), f32)
        ebase = s * edges_per_tile

        bufs = [
            (i0a, i1a, i2a, ka, gaa, gba, ea, semia, semga, semsa),
            (i0b, i1b, i2b, kb, gab, gbb, eb, semib, semgb, semsb),
        ]

        def idx_descs(ci, B):
            i0v, i1v, i2v, _, _, _, e80, semi, _, _ = bufs[B]
            off = ebase + ci * CHUNK
            return [
                pltpu.make_async_copy(t0_hbm.at[pl.ds(off, CHUNK)], i0v, semi),
                pltpu.make_async_copy(t1_hbm.at[pl.ds(off, CHUNK)], i1v, semi),
                pltpu.make_async_copy(t2_hbm.at[pl.ds(off, CHUNK)], i2v, semi),
                pltpu.make_async_copy(e_hbm.at[pl.ds(off, CHUNK)],
                                      e80.at[pl.ds(0, CHUNK)], semi),
            ]

        def issue_idx(ci, B):
            for dsc in idx_descs(ci, B):
                dsc.start()

        def wait_idx(ci, B):
            for dsc in idx_descs(ci, B):
                dsc.wait()

        def gather_descs(core, B):
            i0v, i1v, i2v, _, gav, gbv, _, _, semg, _ = bufs[B]
            if core == 0:
                return [pltpu.make_async_copy(p1_hbm.at[i1v], gav, semg),
                        pltpu.make_async_copy(p2_hbm.at[i2v], gbv, semg)]
            return [pltpu.make_async_copy(p0_hbm.at[i0v], gav, semg),
                    pltpu.make_async_copy(p2_hbm.at[i2v], gbv, semg)]

        def for_core(fn):
            @pl.when(c == 0)
            def _():
                fn(0)

            @pl.when(c == 1)
            def _():
                fn(1)

        def issue_gather(B):
            for_core(lambda core: [d.start() for d in gather_descs(core, B)])

        def wait_gather(B):
            for_core(lambda core: [d.wait() for d in gather_descs(core, B)])

        def scatter_desc(B):
            _, _, _, kv, gav, _, _, _, _, sems = bufs[B]
            return pltpu.make_async_copy(gav, accum.at[kv], sems)

        def copy_key(B):
            i0v, i1v, _, kv, _, _, _, _, _, _ = bufs[B]

            @pl.when(c == 0)
            def _():
                for q in range(CHUNK // L):
                    sl = pl.ds(q * L, L)
                    kv[sl] = i0v[sl]

            @pl.when(c == 1)
            def _():
                for q in range(CHUNK // L):
                    sl = pl.ds(q * L, L)
                    kv[sl] = i1v[sl]

        def compute(B):
            _, _, _, _, gav, gbv, e80, _, _, _ = bufs[B]

            @pl.loop(0, CHUNK)
            def _(j):
                es = e80[pl.ds(j, L)][0]
                for k in range(D // L):
                    sl = pl.ds(k * L, L)
                    gav[j, sl] = (gav[j, sl] + gbv[j, sl]) * es

        @pl.loop(0, ROWB)
        def _(rr):
            for k in range(D // L):
                gaa[rr, pl.ds(k * L, L)] = zero16

        nrb = jnp.where(c == 0, nrb_ent, nrb_rel)

        @pl.loop(s, nrb, step=NS)
        def _(bi):
            pltpu.sync_copy(gaa, accum.at[pl.ds(bi * ROWB, ROWB)])

        plsc.subcore_barrier()

        issue_idx(0, 0)
        issue_idx(1, 1)
        wait_idx(0, 0)
        issue_gather(0)

        @pl.loop(0, n_chunks // 2)
        def _(gg):
            for b in (0, 1):
                bn = 1 - b
                ci = gg * 2 + b
                wait_gather(b)
                copy_key(b)

                @pl.when(ci + 1 < n_chunks)
                def _():
                    wait_idx(ci + 1, bn)

                    @pl.when(ci >= 1)
                    def _():
                        scatter_desc(bn).wait()
                    issue_gather(bn)

                compute(b)

                @pl.when(ci + 2 < n_chunks)
                def _():
                    issue_idx(ci + 2, b)

                pltpu.async_copy(bufs[b][4], accum.at[bufs[b][3]],
                                 bufs[b][9], add=True)

        scatter_desc(0).wait()
        scatter_desc(1).wait()

        plsc.subcore_barrier()

        @pl.when(c == 0)
        def _():
            @pl.loop(s, nrb_ent, step=NS)
            def _(bi):
                base = bi * ROWB
                pltpu.sync_copy(accum.at[pl.ds(base, ROWB)],
                                hent_hbm.at[pl.ds(base, ROWB)])

        @pl.when(c == 1)
        def _():
            @pl.loop(s, nrb_rel, step=NS)
            def _(bi):
                base = bi * ROWB
                pltpu.sync_copy(accum.at[pl.ds(base, ROWB)],
                                hrel_hbm.at[pl.ds(base, ROWB)])

    return sc_agg


def kernel(triplets, ent_embed, rel_embed, W_a, b_a, W_a2, b_a2):
    n_ent = ent_embed.shape[0]
    n_rel = rel_embed.shape[0]
    n_edges = triplets.shape[0]

    t0 = triplets[:, 0]
    t1 = triplets[:, 1]
    t2 = triplets[:, 2]

    w0t = W_a[:, 0:D].T
    w1t = W_a[:, D:2 * D].T
    w2t = W_a[:, 2 * D:3 * D].T
    ba_row = b_a.reshape(1, D)
    w2col = W_a2.T
    ba2 = b_a2.reshape(1, 1)

    p0, p1, p2, s0, s1, s2 = _build_tables(
        ent_embed, rel_embed, w0t, w1t, w2t, ba_row, w2col, ba2)

    sc_weights = _make_sc_weights(n_ent, n_rel, n_edges)
    e_all, aux0, aux1, aux2 = sc_weights(t0, t1, t2, s0, s1, s2)

    sc_agg = _make_sc_agg(n_ent, n_rel, n_edges)
    hs, hr = sc_agg(t0, t1, t2, e_all, p0, p1, p2)

    return _finalize(hs, hr, p0, p1, aux0, aux1, aux2)

# --- scband reference (transcript-rebuilt; emitter-appended) ---
"""Pipeline reference for scband-kglayer-16630113370617 (READ-ONLY COPY).

The authoritative reference and input builder live on the scoring server;
editing this copy changes nothing except your own understanding.
"""

import jax, jax.numpy as jnp
import numpy as np

N_ENT = 10000
N_REL = 10000
IN_DIM = 128
OUT_DIM = 128
E = 320000
MARGIN = 6.0
EPSILON = 2.0


def _renorm(w, max_norm=1.0):
    # emulate nn.Embedding(max_norm=1, norm_type=2) row renorm
    n = jnp.linalg.norm(w, axis=1, keepdims=True)
    scale = jnp.minimum(1.0, max_norm / jnp.maximum(n, 1e-7))
    return w * scale


def setup_inputs(seed: int = 0) -> dict:
    key = jax.random.key(seed)
    k1, k2, k3, k4, k5, k6, k7 = jax.random.split(key, 7)
    triplets = jax.random.randint(k1, (E, 3), 0, N_ENT, dtype=jnp.int32)
    rng = (MARGIN + EPSILON) / OUT_DIM  # 0.0625
    ent_embed = jax.random.uniform(k2, (N_ENT, IN_DIM), minval=-rng, maxval=rng, dtype=jnp.float32)
    rel_embed = jax.random.uniform(k3, (N_REL, IN_DIM), minval=-rng, maxval=rng, dtype=jnp.float32)
    ent_embed = _renorm(ent_embed)
    rel_embed = _renorm(rel_embed)
    # a: Linear(3*in_dim -> out_dim), xavier_normal gain=1.414
    fan_in_a, fan_out_a = 3 * IN_DIM, OUT_DIM
    std_a = 1.414 * np.sqrt(2.0 / (fan_in_a + fan_out_a))
    W_a = jax.random.normal(k4, (OUT_DIM, 3 * IN_DIM), dtype=jnp.float32) * std_a
    b_a = jax.random.uniform(k5, (OUT_DIM,), minval=-1.0 / np.sqrt(fan_in_a), maxval=1.0 / np.sqrt(fan_in_a), dtype=jnp.float32)
    # a_2: Linear(out_dim -> 1), xavier_normal gain=1.414
    std_a2 = 1.414 * np.sqrt(2.0 / (OUT_DIM + 1))
    W_a2 = jax.random.normal(k6, (1, OUT_DIM), dtype=jnp.float32) * std_a2
    b_a2 = jax.random.uniform(k7, (1,), minval=-1.0 / np.sqrt(OUT_DIM), maxval=1.0 / np.sqrt(OUT_DIM), dtype=jnp.float32)
    return {"triplets": triplets, "ent_embed": ent_embed, "rel_embed": rel_embed,
            "W_a": W_a, "b_a": b_a, "W_a2": W_a2, "b_a2": b_a2}


def reference(triplets, ent_embed, rel_embed, W_a, b_a, W_a2, b_a2):
    t0 = triplets[:, 0]
    t1 = triplets[:, 1]
    t2 = triplets[:, 2]
    # h = cat(ent[h], rel[r], ent[t]); dropout p=0.0 is identity
    h = jnp.concatenate([jnp.take(ent_embed, t0, axis=0),
                         jnp.take(rel_embed, t1, axis=0),
                         jnp.take(ent_embed, t2, axis=0)], axis=1)
    c = h @ W_a.T + b_a
    b = -jax.nn.leaky_relu(c @ W_a2.T + b_a2, negative_slope=0.01)
    e_b = jnp.exp(b)  # [E, 1]
    # SparseNeighborhoodAggregation: sparse sum over dim=1 (tail) -> segment-sum by head
    ebs = jax.ops.segment_sum(e_b, t0, num_segments=N_ENT)            # [N, 1]
    temp1 = e_b * c                                                    # [E, out_dim]
    hs = jax.ops.segment_sum(temp1, t0, num_segments=N_ENT)           # [N, out_dim]
    ebs = jnp.where(ebs == 0, 1e-12, ebs)
    h_ent = hs / ebs
    # scatter mean over relation index
    cnt = jax.ops.segment_sum(jnp.ones((E,), dtype=jnp.float32), t1, num_segments=N_REL)
    h_rel = jax.ops.segment_sum(temp1, t1, num_segments=N_REL) / jnp.maximum(cnt, 1.0)[:, None]
    return (jax.nn.relu(h_ent), jax.nn.relu(h_rel))

if __name__ == "__main__":
    import jax
    _d = setup_inputs()
    print(jax.jit(kernel)(*tuple(_d.values())))

</pallas_src>

<mosaic_0001>
#map = affine_map<(d0, d1) -> (0)>
#map1 = affine_map<(d0, d1) -> (0, 0)>
module attributes {stable_mosaic.version = 14 : i64} {
  func.func @sc_weights(%arg0: i32, %arg1: i32, %arg2: memref<320000xi32, #tpu.memory_space<hbm>>, %arg3: memref<320000xi32, #tpu.memory_space<hbm>>, %arg4: memref<320000xi32, #tpu.memory_space<hbm>>, %arg5: memref<10000xf32, #tpu.memory_space<hbm>>, %arg6: memref<10000xf32, #tpu.memory_space<hbm>>, %arg7: memref<10000xf32, #tpu.memory_space<hbm>>, %arg8: memref<320000xf32, #tpu.memory_space<hbm>>, %arg9: memref<32x10000xf32, #tpu.memory_space<hbm>>, %arg10: memref<32x10000xf32, #tpu.memory_space<hbm>>, %arg11: memref<32x10000xf32, #tpu.memory_space<hbm>>, %arg12: memref<80xi32, #tpu.memory_space<vmem>>, %arg13: memref<80xi32, #tpu.memory_space<vmem>>, %arg14: memref<80xi32, #tpu.memory_space<vmem>>, %arg15: memref<80xi32, #tpu.memory_space<vmem>>, %arg16: memref<80xi32, #tpu.memory_space<vmem>>, %arg17: memref<80xi32, #tpu.memory_space<vmem>>, %arg18: memref<80xf32, #tpu.memory_space<vmem>>, %arg19: memref<80xf32, #tpu.memory_space<vmem>>, %arg20: memref<10000xf32, #tpu.memory_space<vmem>>, %arg21: memref<10000xf32, #tpu.memory_space<vmem>>, %arg22: memref<10000xf32, #tpu.memory_space<vmem>>, %arg23: memref<10000xf32, #tpu.memory_space<vmem>>, %arg24: memref<10000xf32, #tpu.memory_space<vmem>>, %arg25: memref<10000xf32, #tpu.memory_space<vmem>>, %arg26: memref<!tpu.dma_semaphore, #tpu.memory_space<semaphore_mem>>, %arg27: memref<!tpu.dma_semaphore, #tpu.memory_space<semaphore_mem>>, %arg28: memref<!tpu.dma_semaphore, #tpu.memory_space<semaphore_mem>>, %arg29: memref<!tpu.dma_semaphore, #tpu.memory_space<semaphore_mem>>) attributes {dimension_semantics = [#tpu.dimension_semantics<core_parallel>, #tpu.dimension_semantics<subcore_parallel>], iteration_bounds = array<i64: 2, 16>, scalar_prefetch = 0 : i64, scratch_operands = 18 : i64, tpu.core_type = #tpu.core_type<sc_vector_subcore>, window_params = [{transform_indices = #map}, {transform_indices = #map}, {transform_indices = #map}, {transform_indices = #map}, {transform_indices = #map}, {transform_indices = #map}, {transform_indices = #map}, {transform_indices = #map1}, {transform_indices = #map1}, {transform_indices = #map1}]} {
    %mul3A = arith.constant 16 : i32
    %mul3A_0 = arith.muli %arg0, %mul3A : i32
    %add3A = arith.addi %mul3A_0, %arg1 : i32
    %broadcast_in_dim3A = arith.constant 0.000000e+00 : f32
    %broadcast_in_dim3A_1 = vector.broadcast %broadcast_in_dim3A : f32 to vector<16xf32>
    %broadcast_in_dim3A_2 = arith.constant 1.000000e+00 : f32
    %broadcast_in_dim3A_3 = vector.broadcast %broadcast_in_dim3A_2 : f32 to vector<16xf32>
    %mul3A_4 = arith.constant 10000 : i32
    %mul3A_5 = arith.muli %add3A, %mul3A_4 : i32
    "tpu.region"() ({
      %run_scoped3A = tpu.sem_alloc : memref<!tpu.dma_semaphore, #tpu.memory_space<semaphore_mem>>
      tpu.enqueue_dma source(%arg5 : memref<10000xf32, #tpu.memory_space<hbm>>) target(%arg20 : memref<10000xf32, #tpu.memory_space<vmem>>) target_semaphore(%run_scoped3A : memref<!tpu.dma_semaphore, #tpu.memory_space<semaphore_mem>>)
      tpu.wait_dma2 semaphore(%run_scoped3A : memref<!tpu.dma_semaphore, #tpu.memory_space<semaphore_mem>>) src(%arg5 : memref<10000xf32, #tpu.memory_space<hbm>>) dst(%arg20 : memref<10000xf32, #tpu.memory_space<vmem>>)
      tpu.yield
    }) : () -> ()
    "tpu.region"() ({
      %run_scoped3A = tpu.sem_alloc : memref<!tpu.dma_semaphore, #tpu.memory_space<semaphore_mem>>
      tpu.enqueue_dma source(%arg6 : memref<10000xf32, #tpu.memory_space<hbm>>) target(%arg21 : memref<10000xf32, #tpu.memory_space<vmem>>) target_semaphore(%run_scoped3A : memref<!tpu.dma_semaphore, #tpu.memory_space<semaphore_mem>>)
      tpu.wait_dma2 semaphore(%run_scoped3A : memref<!tpu.dma_semaphore, #tpu.memory_space<semaphore_mem>>) src(%arg6 : memref<10000xf32, #tpu.memory_space<hbm>>) dst(%arg21 : memref<10000xf32, #tpu.memory_space<vmem>>)
      tpu.yield
    }) : () -> ()
    "tpu.region"() ({
      %run_scoped3A = tpu.sem_alloc : memref<!tpu.dma_semaphore, #tpu.memory_space<semaphore_mem>>
      tpu.enqueue_dma source(%arg7 : memref<10000xf32, #tpu.memory_space<hbm>>) target(%arg22 : memref<10000xf32, #tpu.memory_space<vmem>>) target_semaphore(%run_scoped3A : memref<!tpu.dma_semaphore, #tpu.memory_space<semaphore_mem>>)
      tpu.wait_dma2 semaphore(%run_scoped3A : memref<!tpu.dma_semaphore, #tpu.memory_space<semaphore_mem>>) src(%arg7 : memref<10000xf32, #tpu.memory_space<hbm>>) dst(%arg22 : memref<10000xf32, #tpu.memory_space<vmem>>)
      tpu.yield
    }) : () -> ()
    %scan3A = arith.constant 0 : i32
    %scan3A_6 = arith.constant 625 : i32
    %scan3A_7 = arith.addi %scan3A, %scan3A_6 : i32
    %scan3A_8 = arith.constant 1 : i32
    scf.for %scan3A_63 = %scan3A to %scan3A_7 step %scan3A_8  : i32 {
      %mul3A_64 = arith.constant 1 : i32
      %mul3A_65 = arith.muli %scan3A_63, %mul3A_64 : i32
      %add3A_66 = arith.constant 0 : i32
      %add3A_67 = arith.addi %add3A_66, %mul3A_65 : i32
      %mul3A_68 = arith.constant 16 : i32
      %mul3A_69 = arith.muli %add3A_67, %mul3A_68 : i32
      %swap3A = arith.index_cast %mul3A_69 : i32 to index
      %swap3A_70 = tpu.vector_load %arg23[%swap3A] {strides = array<i32>} : memref<10000xf32, #tpu.memory_space<vmem>>, vector<16xf32>,
      tpu.vector_store %arg23[%swap3A], %broadcast_in_dim3A_1 {strides = array<i32>} : memref<10000xf32, #tpu.memory_space<vmem>>, vector<16xf32>,
    }
    %scan3A_9 = arith.constant 625 : i32
    %scan3A_10 = arith.constant 0 : i32
    %scan3A_11 = arith.constant 625 : i32
    %scan3A_12 = arith.addi %scan3A_10, %scan3A_11 : i32
    %scan3A_13 = arith.constant 1 : i32
    scf.for %scan3A_63 = %scan3A_10 to %scan3A_12 step %scan3A_13  : i32 {
      %mul3A_64 = arith.constant 1 : i32
      %mul3A_65 = arith.muli %scan3A_63, %mul3A_64 : i32
      %add3A_66 = arith.constant 0 : i32
      %add3A_67 = arith.addi %add3A_66, %mul3A_65 : i32
      %mul3A_68 = arith.constant 16 : i32
      %mul3A_69 = arith.muli %add3A_67, %mul3A_68 : i32
      %swap3A = arith.index_cast %mul3A_69 : i32 to index
      %swap3A_70 = tpu.vector_load %arg24[%swap3A] {strides = array<i32>} : memref<10000xf32, #tpu.memory_space<vmem>>, vector<16xf32>,
      tpu.vector_store %arg24[%swap3A], %broadcast_in_dim3A_1 {strides = array<i32>} : memref<10000xf32, #tpu.memory_space<vmem>>, vector<16xf32>,
      %mul3A_71 = arith.constant 16 : i32
      %mul3A_72 = arith.muli %add3A_67, %mul3A_71 : i32
      %swap3A_73 = arith.index_cast %mul3A_72 : i32 to index
      %swap3A_74 = tpu.vector_load %arg25[%swap3A_73] {strides = array<i32>} : memref<10000xf32, #tpu.memory_space<vmem>>, vector<16xf32>,
      tpu.vector_store %arg25[%swap3A_73], %broadcast_in_dim3A_1 {strides = array<i32>} : memref<10000xf32, #tpu.memory_space<vmem>>, vector<16xf32>,
    }
    %scan3A_14 = arith.constant 625 : i32
    %add3A_15 = arith.constant 0 : i32
    %add3A_16 = arith.addi %mul3A_5, %add3A_15 : i32
    %dma_start3A = tpu.memref_slice %arg2[%add3A_16] : memref<320000xi32, #tpu.memory_space<hbm>> -> memref<80xi32, #tpu.memory_space<hbm>>
    %dma_start3A_17 = tpu.memref_slice %arg2[%add3A_16] : memref<320000xi32, #tpu.memory_space<hbm>> -> memref<80xi32, #tpu.memory_space<hbm>>
    tpu.enqueue_dma source(%dma_start3A_17 : memref<80xi32, #tpu.memory_space<hbm>>) target(%arg12 : memref<80xi32, #tpu.memory_space<vmem>>) target_semaphore(%arg26 : memref<!tpu.dma_semaphore, #tpu.memory_space<semaphore_mem>>)
    %dma_start3A_18 = tpu.memref_slice %arg3[%add3A_16] : memref<320000xi32, #tpu.memory_space<hbm>> -> memref<80xi32, #tpu.memory_space<hbm>>
    %dma_start3A_19 = tpu.memref_slice %arg3[%add3A_16] : memref<320000xi32, #tpu.memory_space<hbm>> -> memref<80xi32, #tpu.memory_space<hbm>>
    tpu.enqueue_dma source(%dma_start3A_19 : memref<80xi32, #tpu.memory_space<hbm>>) target(%arg13 : memref<80xi32, #tpu.memory_space<vmem>>) target_semaphore(%arg26 : memref<!tpu.dma_semaphore, #tpu.memory_space<semaphore_mem>>)
    %dma_start3A_20 = tpu.memref_slice %arg4[%add3A_16] : memref<320000xi32, #tpu.memory_space<hbm>> -> memref<80xi32, #tpu.memory_space<hbm>>
    %dma_start3A_21 = tpu.memref_slice %arg4[%add3A_16] : memref<320000xi32, #tpu.memory_space<hbm>> -> memref<80xi32, #tpu.memory_space<hbm>>
    tpu.enqueue_dma source(%dma_start3A_21 : memref<80xi32, #tpu.memory_space<hbm>>) target(%arg14 : memref<80xi32, #tpu.memory_space<vmem>>) target_semaphore(%arg26 : memref<!tpu.dma_semaphore, #tpu.memory_space<semaphore_mem>>)
    %add3A_22 = arith.constant 80 : i32
    %add3A_23 = arith.addi %mul3A_5, %add3A_22 : i32
    %dma_start3A_24 = tpu.memref_slice %arg2[%add3A_23] : memref<320000xi32, #tpu.memory_space<hbm>> -> memref<80xi32, #tpu.memory_space<hbm>>
    %dma_start3A_25 = tpu.memref_slice %arg2[%add3A_23] : memref<320000xi32, #tpu.memory_space<hbm>> -> memref<80xi32, #tpu.memory_space<hbm>>
    tpu.enqueue_dma source(%dma_start3A_25 : memref<80xi32, #tpu.memory_space<hbm>>) target(%arg15 : memref<80xi32, #tpu.memory_space<vmem>>) target_semaphore(%arg27 : memref<!tpu.dma_semaphore, #tpu.memory_space<semaphore_mem>>)
    %dma_start3A_26 = tpu.memref_slice %arg3[%add3A_23] : memref<320000xi32, #tpu.memory_space<hbm>> -> memref<80xi32, #tpu.memory_space<hbm>>
    %dma_start3A_27 = tpu.memref_slice %arg3[%add3A_23] : memref<320000xi32, #tpu.memory_space<hbm>> -> memref<80xi32, #tpu.memory_space<hbm>>
    tpu.enqueue_dma source(%dma_start3A_27 : memref<80xi32, #tpu.memory_space<hbm>>) target(%arg16 : memref<80xi32, #tpu.memory_space<vmem>>) target_semaphore(%arg27 : memref<!tpu.dma_semaphore, #tpu.memory_space<semaphore_mem>>)
    %dma_start3A_28 = tpu.memref_slice %arg4[%add3A_23] : memref<320000xi32, #tpu.memory_space<hbm>> -> memref<80xi32, #tpu.memory_space<hbm>>
    %dma_start3A_29 = tpu.memref_slice %arg4[%add3A_23] : memref<320000xi32, #tpu.memory_space<hbm>> -> memref<80xi32, #tpu.memory_space<hbm>>
    tpu.enqueue_dma source(%dma_start3A_29 : memref<80xi32, #tpu.memory_space<hbm>>) target(%arg17 : memref<80xi32, #tpu.memory_space<vmem>>) target_semaphore(%arg27 : memref<!tpu.dma_semaphore, #tpu.memory_space<semaphore_mem>>)
    %scan3A_30 = arith.constant 0 : i32
    %scan3A_31 = arith.constant 62 : i32
    %scan3A_32 = arith.addi %scan3A_30, %scan3A_31 : i32
    %scan3A_33 = arith.constant 1 : i32
    scf.for %scan3A_63 = %scan3A_30 to %scan3A_32 step %scan3A_33  : i32 {
      %mul3A_64 = arith.constant 1 : i32
      %mul3A_65 = arith.muli %scan3A_63, %mul3A_64 : i32
      %add3A_66 = arith.constant 0 : i32
      %add3A_67 = arith.addi %add3A_66, %mul3A_65 : i32
      %mul3A_68 = arith.constant 2 : i32
      %mul3A_69 = arith.muli %add3A_67, %mul3A_68 : i32
      %add3A_70 = arith.constant 0 : i32
      %add3A_71 = arith.addi %mul3A_69, %add3A_70 : i32
      %mul3A_72 = arith.constant 80 : i32
      %mul3A_73 = arith.muli %add3A_71, %mul3A_72 : i32
      %add3A_74 = arith.addi %mul3A_5, %mul3A_73 : i32
      %dma_wait3A_75 = tpu.memref_slice %arg2[%add3A_74] : memref<320000xi32, #tpu.memory_space<hbm>> -> memref<80xi32, #tpu.memory_space<hbm>>
      %dma_wait3A_76 = tpu.memref_slice %arg2[%add3A_74] : memref<320000xi32, #tpu.memory_space<hbm>> -> memref<80xi32, #tpu.memory_space<hbm>>
      tpu.wait_dma2 semaphore(%arg26 : memref<!tpu.dma_semaphore, #tpu.memory_space<semaphore_mem>>) src(%dma_wait3A_76 : memref<80xi32, #tpu.memory_space<hbm>>) dst(%arg12 : memref<80xi32, #tpu.memory_space<vmem>>)
      %dma_wait3A_77 = tpu.memref_slice %arg3[%add3A_74] : memref<320000xi32, #tpu.memory_space<hbm>> -> memref<80xi32, #tpu.memory_space<hbm>>
      %dma_wait3A_78 = tpu.memref_slice %arg3[%add3A_74] : memref<320000xi32, #tpu.memory_space<hbm>> -> memref<80xi32, #tpu.memory_space<hbm>>
      tpu.wait_dma2 semaphore(%arg26 : memref<!tpu.dma_semaphore, #tpu.memory_space<semaphore_mem>>) src(%dma_wait3A_78 : memref<80xi32, #tpu.memory_space<hbm>>) dst(%arg13 : memref<80xi32, #tpu.memory_space<vmem>>)
      %dma_wait3A_79 = tpu.memref_slice %arg4[%add3A_74] : memref<320000xi32, #tpu.memory_space<hbm>> -> memref<80xi32, #tpu.memory_space<hbm>>
      %dma_wait3A_80 = tpu.memref_slice %arg4[%add3A_74] : memref<320000xi32, #tpu.memory_space<hbm>> -> memref<80xi32, #tpu.memory_space<hbm>>
      tpu.wait_dma2 semaphore(%arg26 : memref<!tpu.dma_semaphore, #tpu.memory_space<semaphore_mem>>) src(%dma_wait3A_80 : memref<80xi32, #tpu.memory_space<hbm>>) dst(%arg14 : memref<80xi32, #tpu.memory_space<vmem>>)
      %ge3A = arith.constant 1 : i32
      %ge3A_81 = arith.cmpi sge, %add3A_67, %ge3A : i32
      %convert_element_type3A = arith.extui %ge3A_81 : i1 to i32
      %cond3A = arith.constant 0 : i32
      %cond3A_82 = arith.cmpi ne, %convert_element_type3A, %cond3A : i32
      scf.if %cond3A_82 {
        %sub3A = arith.constant 2 : i32
        %sub3A_134 = arith.subi %add3A_71, %sub3A : i32
        %mul3A_135 = arith.constant 80 : i32
        %mul3A_136 = arith.muli %sub3A_134, %mul3A_135 : i32
        %add3A_137 = arith.addi %mul3A_5, %mul3A_136 : i32
        %dma_wait3A_138 = tpu.memref_slice %arg8[%add3A_137] : memref<320000xf32, #tpu.memory_space<hbm>> -> memref<80xf32, #tpu.memory_space<hbm>>
        %dma_wait3A_139 = tpu.memref_slice %arg8[%add3A_137] : memref<320000xf32, #tpu.memory_space<hbm>> -> memref<80xf32, #tpu.memory_space<hbm>>
        tpu.wait_dma2 semaphore(%arg28 : memref<!tpu.dma_semaphore, #tpu.memory_space<semaphore_mem>>) src(%arg18 : memref<80xf32, #tpu.memory_space<vmem>>) dst(%dma_wait3A_139 : memref<80xf32, #tpu.memory_space<hbm>>)
      } else {
      }
      %scan3A_83 = arith.constant 0 : i32
      %scan3A_84 = arith.constant 5 : i32
      %scan3A_85 = arith.addi %scan3A_83, %scan3A_84 : i32
      %scan3A_86 = arith.constant 1 : i32
      scf.for %scan3A_134 = %scan3A_83 to %scan3A_85 step %scan3A_86  : i32 {
        %mul3A_135 = arith.constant 1 : i32
        %mul3A_136 = arith.muli %scan3A_134, %mul3A_135 : i32
        %add3A_137 = arith.constant 0 : i32
        %add3A_138 = arith.addi %add3A_137, %mul3A_136 : i32
        %mul3A_139 = arith.constant 16 : i32
        %mul3A_140 = arith.muli %add3A_138, %mul3A_139 : i32
        %get3A = arith.index_cast %mul3A_140 : i32 to index
        %get3A_141 = tpu.vector_load %arg12[%get3A] {strides = array<i32>} : memref<80xi32, #tpu.memory_space<vmem>>, vector<16xi32>,
        %get3A_142 = arith.index_cast %mul3A_140 : i32 to index
        %get3A_143 = tpu.vector_load %arg13[%get3A_142] {strides = array<i32>} : memref<80xi32, #tpu.memory_space<vmem>>, vector<16xi32>,
        %get3A_144 = arith.index_cast %mul3A_140 : i32 to index
        %get3A_145 = tpu.vector_load %arg14[%get3A_144] {strides = array<i32>} : memref<80xi32, #tpu.memory_space<vmem>>, vector<16xi32>,
        %gather3A = tpu.vector_load_idx %arg20[%get3A_141] : memref<10000xf32, #tpu.memory_space<vmem>>[vector<16xi32>], vector<16xf32>,
        %gather3A_146 = tpu.vector_load_idx %arg21[%get3A_143] : memref<10000xf32, #tpu.memory_space<vmem>>[vector<16xi32>], vector<16xf32>,
        %add3A_147 = arith.addf %gather3A, %gather3A_146 : vector<16xf32>
        %gather3A_148 = tpu.vector_load_idx %arg22[%get3A_145] : memref<10000xf32, #tpu.memory_space<vmem>>[vector<16xi32>], vector<16xf32>,
        %add3A_149 = arith.addf %add3A_147, %gather3A_148 : vector<16xf32>
        %ge3A_150 = arith.constant 0.000000e+00 : f32
        %ge3A_151 = vector.broadcast %ge3A_150 : f32 to vector<16xf32>
        %ge3A_152 = arith.cmpf oge, %add3A_149, %ge3A_151 : vector<16xf32>
        %mul3A_153 = arith.constant 0.00999999977 : f32
        %mul3A_154 = vector.broadcast %mul3A_153 : f32 to vector<16xf32>
        %mul3A_155 = arith.mulf %add3A_149, %mul3A_154 : vector<16xf32>
        %select_n3A = arith.select %ge3A_152, %add3A_149, %mul3A_155 : vector<16xi1>, vector<16xf32>
        %neg3A = arith.constant 0.000000e+00 : f32
        %neg3A_156 = vector.broadcast %neg3A : f32 to vector<16xf32>
        %neg3A_157 = arith.subf %neg3A_156, %select_n3A : vector<16xf32>
        %exp3A = math.exp %neg3A_157 : vector<16xf32>
        %swap3A = arith.index_cast %mul3A_140 : i32 to index
        %swap3A_158 = tpu.vector_load %arg18[%swap3A] {strides = array<i32>} : memref<80xf32, #tpu.memory_space<vmem>>, vector<16xf32>,
        tpu.vector_store %arg18[%swap3A], %exp3A {strides = array<i32>} : memref<80xf32, #tpu.memory_space<vmem>>, vector<16xf32>,
        tpu.vector_store_idx %arg23[%get3A_141], %exp3A {add = true} : memref<10000xf32, #tpu.memory_space<vmem>>[vector<16xi32>], vector<16xf32>,
        tpu.vector_store_idx %arg24[%get3A_143], %exp3A {add = true} : memref<10000xf32, #tpu.memory_space<vmem>>[vector<16xi32>], vector<16xf32>,
        tpu.vector_store_idx %arg25[%get3A_143], %broadcast_in_dim3A_3 {add = true} : memref<10000xf32, #tpu.memory_space<vmem>>[vector<16xi32>], vector<16xf32>,
      }
      %scan3A_87 = arith.constant 5 : i32
      %mul3A_88 = arith.constant 80 : i32
      %mul3A_89 = arith.muli %add3A_71, %mul3A_88 : i32
      %add3A_90 = arith.addi %mul3A_5, %mul3A_89 : i32
      %dma_start3A_91 = tpu.memref_slice %arg8[%add3A_90] : memref<320000xf32, #tpu.memory_space<hbm>> -> memref<80xf32, #tpu.memory_space<hbm>>
      %dma_start3A_92 = tpu.memref_slice %arg8[%add3A_90] : memref<320000xf32, #tpu.memory_space<hbm>> -> memref<80xf32, #tpu.memory_space<hbm>>
      tpu.enqueue_dma source(%arg18 : memref<80xf32, #tpu.memory_space<vmem>>) target(%dma_start3A_92 : memref<80xf32, #tpu.memory_space<hbm>>) target_semaphore(%arg28 : memref<!tpu.dma_semaphore, #tpu.memory_space<semaphore_mem>>)
      %add3A_93 = arith.constant 2 : i32
      %add3A_94 = arith.addi %add3A_71, %add3A_93 : i32
      %lt3A = arith.constant 125 : i32
      %lt3A_95 = arith.cmpi slt, %add3A_94, %lt3A : i32
      %convert_element_type3A_96 = arith.extui %lt3A_95 : i1 to i32
      %cond3A_97 = arith.constant 0 : i32
      %cond3A_98 = arith.cmpi ne, %convert_element_type3A_96, %cond3A_97 : i32
      scf.if %cond3A_98 {
        %add3A_134 = arith.constant 2 : i32
        %add3A_135 = arith.addi %add3A_71, %add3A_134 : i32
        %mul3A_136 = arith.constant 80 : i32
        %mul3A_137 = arith.muli %add3A_135, %mul3A_136 : i32
        %add3A_138 = arith.addi %mul3A_5, %mul3A_137 : i32
        %dma_start3A_139 = tpu.memref_slice %arg2[%add3A_138] : memref<320000xi32, #tpu.memory_space<hbm>> -> memref<80xi32, #tpu.memory_space<hbm>>
        %dma_start3A_140 = tpu.memref_slice %arg2[%add3A_138] : memref<320000xi32, #tpu.memory_space<hbm>> -> memref<80xi32, #tpu.memory_space<hbm>>
        tpu.enqueue_dma source(%dma_start3A_140 : memref<80xi32, #tpu.memory_space<hbm>>) target(%arg12 : memref<80xi32, #tpu.memory_space<vmem>>) target_semaphore(%arg26 : memref<!tpu.dma_semaphore, #tpu.memory_space<semaphore_mem>>)
        %dma_start3A_141 = tpu.memref_slice %arg3[%add3A_138] : memref<320000xi32, #tpu.memory_space<hbm>> -> memref<80xi32, #tpu.memory_space<hbm>>
        %dma_start3A_142 = tpu.memref_slice %arg3[%add3A_138] : memref<320000xi32, #tpu.memory_space<hbm>> -> memref<80xi32, #tpu.memory_space<hbm>>
        tpu.enqueue_dma source(%dma_start3A_142 : memref<80xi32, #tpu.memory_space<hbm>>) target(%arg13 : memref<80xi32, #tpu.memory_space<vmem>>) target_semaphore(%arg26 : memref<!tpu.dma_semaphore, #tpu.memory_space<semaphore_mem>>)
        %dma_start3A_143 = tpu.memref_slice %arg4[%add3A_138] : memref<320000xi32, #tpu.memory_space<hbm>> -> memref<80xi32, #tpu.memory_space<hbm>>
        %dma_start3A_144 = tpu.memref_slice %arg4[%add3A_138] : memref<320000xi32, #tpu.memory_space<hbm>> -> memref<80xi32, #tpu.memory_space<hbm>>
        tpu.enqueue_dma source(%dma_start3A_144 : memref<80xi32, #tpu.memory_space<hbm>>) target(%arg14 : memref<80xi32, #tpu.memory_space<vmem>>) target_semaphore(%arg26 : memref<!tpu.dma_semaphore, #tpu.memory_space<semaphore_mem>>)
      } else {
      }
      %mul3A_99 = arith.constant 2 : i32
      %mul3A_100 = arith.muli %add3A_67, %mul3A_99 : i32
      %add3A_101 = arith.constant 1 : i32
      %add3A_102 = arith.addi %mul3A_100, %add3A_101 : i32
      %mul3A_103 = arith.constant 80 : i32
      %mul3A_104 = arith.muli %add3A_102, %mul3A_103 : i32
      %add3A_105 = arith.addi %mul3A_5, %mul3A_104 : i32
      %dma_wait3A_106 = tpu.memref_slice %arg2[%add3A_105] : memref<320000xi32, #tpu.memory_space<hbm>> -> memref<80xi32, #tpu.memory_space<hbm>>
      %dma_wait3A_107 = tpu.memref_slice %arg2[%add3A_105] : memref<320000xi32, #tpu.memory_space<hbm>> -> memref<80xi32, #tpu.memory_space<hbm>>
      tpu.wait_dma2 semaphore(%arg27 : memref<!tpu.dma_semaphore, #tpu.memory_space<semaphore_mem>>) src(%dma_wait3A_107 : memref<80xi32, #tpu.memory_space<hbm>>) dst(%arg15 : memref<80xi32, #tpu.memory_space<vmem>>)
      %dma_wait3A_108 = tpu.memref_slice %arg3[%add3A_105] : memref<320000xi32, #tpu.memory_space<hbm>> -> memref<80xi32, #tpu.memory_space<hbm>>
      %dma_wait3A_109 = tpu.memref_slice %arg3[%add3A_105] : memref<320000xi32, #tpu.memory_space<hbm>> -> memref<80xi32, #tpu.memory_space<hbm>>
      tpu.wait_dma2 semaphore(%arg27 : memref<!tpu.dma_semaphore, #tpu.memory_space<semaphore_mem>>) src(%dma_wait3A_109 : memref<80xi32, #tpu.memory_space<hbm>>) dst(%arg16 : memref<80xi32, #tpu.memory_space<vmem>>)
      %dma_wait3A_110 = tpu.memref_slice %arg4[%add3A_105] : memref<320000xi32, #tpu.memory_space<hbm>> -> memref<80xi32, #tpu.memory_space<hbm>>
      %dma_wait3A_111 = tpu.memref_slice %arg4[%add3A_105] : memref<320000xi32, #tpu.memory_space<hbm>> -> memref<80xi32, #tpu.memory_space<hbm>>
      tpu.wait_dma2 semaphore(%arg27 : memref<!tpu.dma_semaphore, #tpu.memory_space<semaphore_mem>>) src(%dma_wait3A_111 : memref<80xi32, #tpu.memory_space<hbm>>) dst(%arg17 : memref<80xi32, #tpu.memory_space<vmem>>)
      %ge3A_112 = arith.constant 1 : i32
      %ge3A_113 = arith.cmpi sge, %add3A_67, %ge3A_112 : i32
      %convert_element_type3A_114 = arith.extui %ge3A_113 : i1 to i32
      %cond3A_115 = arith.constant 0 : i32
      %cond3A_116 = arith.cmpi ne, %convert_element_type3A_114, %cond3A_115 : i32
      scf.if %cond3A_116 {
        %sub3A = arith.constant 2 : i32
        %sub3A_134 = arith.subi %add3A_102, %sub3A : i32
        %mul3A_135 = arith.constant 80 : i32
        %mul3A_136 = arith.muli %sub3A_134, %mul3A_135 : i32
        %add3A_137 = arith.addi %mul3A_5, %mul3A_136 : i32
        %dma_wait3A_138 = tpu.memref_slice %arg8[%add3A_137] : memref<320000xf32, #tpu.memory_space<hbm>> -> memref<80xf32, #tpu.memory_space<hbm>>
        %dma_wait3A_139 = tpu.memref_slice %arg8[%add3A_137] : memref<320000xf32, #tpu.memory_space<hbm>> -> memref<80xf32, #tpu.memory_space<hbm>>
        tpu.wait_dma2 semaphore(%arg29 : memref<!tpu.dma_semaphore, #tpu.memory_space<semaphore_mem>>) src(%arg19 : memref<80xf32, #tpu.memory_space<vmem>>) dst(%dma_wait3A_139 : memref<80xf32, #tpu.memory_space<hbm>>)
      } else {
      }
      %scan3A_117 = arith.constant 0 : i32
      %scan3A_118 = arith.constant 5 : i32
      %scan3A_119 = arith.addi %scan3A_117, %scan3A_118 : i32
      %scan3A_120 = arith.constant 1 : i32
      scf.for %scan3A_134 = %scan3A_117 to %scan3A_119 step %scan3A_120  : i32 {
        %mul3A_135 = arith.constant 1 : i32
        %mul3A_136 = arith.muli %scan3A_134, %mul3A_135 : i32
        %add3A_137 = arith.constant 0 : i32
        %add3A_138 = arith.addi %add3A_137, %mul3A_136 : i32
        %mul3A_139 = arith.constant 16 : i32
        %mul3A_140 = arith.muli %add3A_138, %mul3A_139 : i32
        %get3A = arith.index_cast %mul3A_140 : i32 to index
        %get3A_141 = tpu.vector_load %arg15[%get3A] {strides = array<i32>} : memref<80xi32, #tpu.memory_space<vmem>>, vector<16xi32>,
        %get3A_142 = arith.index_cast %mul3A_140 : i32 to index
        %get3A_143 = tpu.vector_load %arg16[%get3A_142] {strides = array<i32>} : memref<80xi32, #tpu.memory_space<vmem>>, vector<16xi32>,
        %get3A_144 = arith.index_cast %mul3A_140 : i32 to index
        %get3A_145 = tpu.vector_load %arg17[%get3A_144] {strides = array<i32>} : memref<80xi32, #tpu.memory_space<vmem>>, vector<16xi32>,
        %gather3A = tpu.vector_load_idx %arg20[%get3A_141] : memref<10000xf32, #tpu.memory_space<vmem>>[vector<16xi32>], vector<16xf32>,
        %gather3A_146 = tpu.vector_load_idx %arg21[%get3A_143] : memref<10000xf32, #tpu.memory_space<vmem>>[vector<16xi32>], vector<16xf32>,
        %add3A_147 = arith.addf %gather3A, %gather3A_146 : vector<16xf32>
        %gather3A_148 = tpu.vector_load_idx %arg22[%get3A_145] : memref<10000xf32, #tpu.memory_space<vmem>>[vector<16xi32>], vector<16xf32>,
        %add3A_149 = arith.addf %add3A_147, %gather3A_148 : vector<16xf32>
        %ge3A_150 = arith.constant 0.000000e+00 : f32
        %ge3A_151 = vector.broadcast %ge3A_150 : f32 to vector<16xf32>
        %ge3A_152 = arith.cmpf oge, %add3A_149, %ge3A_151 : vector<16xf32>
        %mul3A_153 = arith.constant 0.00999999977 : f32
        %mul3A_154 = vector.broadcast %mul3A_153 : f32 to vector<16xf32>
        %mul3A_155 = arith.mulf %add3A_149, %mul3A_154 : vector<16xf32>
        %select_n3A = arith.select %ge3A_152, %add3A_149, %mul3A_155 : vector<16xi1>, vector<16xf32>
        %neg3A = arith.constant 0.000000e+00 : f32
        %neg3A_156 = vector.broadcast %neg3A : f32 to vector<16xf32>
        %neg3A_157 = arith.subf %neg3A_156, %select_n3A : vector<16xf32>
        %exp3A = math.exp %neg3A_157 : vector<16xf32>
        %swap3A = arith.index_cast %mul3A_140 : i32 to index
        %swap3A_158 = tpu.vector_load %arg19[%swap3A] {strides = array<i32>} : memref<80xf32, #tpu.memory_space<vmem>>, vector<16xf32>,
        tpu.vector_store %arg19[%swap3A], %exp3A {strides = array<i32>} : memref<80xf32, #tpu.memory_space<vmem>>, vector<16xf32>,
        tpu.vector_store_idx %arg23[%get3A_141], %exp3A {add = true} : memref<10000xf32, #tpu.memory_space<vmem>>[vector<16xi32>], vector<16xf32>,
        tpu.vector_store_idx %arg24[%get3A_143], %exp3A {add = true} : memref<10000xf32, #tpu.memory_space<vmem>>[vector<16xi32>], vector<16xf32>,
        tpu.vector_store_idx %arg25[%get3A_143], %broadcast_in_dim3A_3 {add = true} : memref<10000xf32, #tpu.memory_space<vmem>>[vector<16xi32>], vector<16xf32>,
      }
      %scan3A_121 = arith.constant 5 : i32
      %mul3A_122 = arith.constant 80 : i32
      %mul3A_123 = arith.muli %add3A_102, %mul3A_122 : i32
      %add3A_124 = arith.addi %mul3A_5, %mul3A_123 : i32
      %dma_start3A_125 = tpu.memref_slice %arg8[%add3A_124] : memref<320000xf32, #tpu.memory_space<hbm>> -> memref<80xf32, #tpu.memory_space<hbm>>
      %dma_start3A_126 = tpu.memref_slice %arg8[%add3A_124] : memref<320000xf32, #tpu.memory_space<hbm>> -> memref<80xf32, #tpu.memory_space<hbm>>
      tpu.enqueue_dma source(%arg19 : memref<80xf32, #tpu.memory_space<vmem>>) target(%dma_start3A_126 : memref<80xf32, #tpu.memory_space<hbm>>) target_semaphore(%arg29 : memref<!tpu.dma_semaphore, #tpu.memory_space<semaphore_mem>>)
      %add3A_127 = arith.constant 2 : i32
      %add3A_128 = arith.addi %add3A_102, %add3A_127 : i32
      %lt3A_129 = arith.constant 125 : i32
      %lt3A_130 = arith.cmpi slt, %add3A_128, %lt3A_129 : i32
      %convert_element_type3A_131 = arith.extui %lt3A_130 : i1 to i32
      %cond3A_132 = arith.constant 0 : i32
      %cond3A_133 = arith.cmpi ne, %convert_element_type3A_131, %cond3A_132 : i32
      scf.if %cond3A_133 {
        %add3A_134 = arith.constant 2 : i32
        %add3A_135 = arith.addi %add3A_102, %add3A_134 : i32
        %mul3A_136 = arith.constant 80 : i32
        %mul3A_137 = arith.muli %add3A_135, %mul3A_136 : i32
        %add3A_138 = arith.addi %mul3A_5, %mul3A_137 : i32
        %dma_start3A_139 = tpu.memref_slice %arg2[%add3A_138] : memref<320000xi32, #tpu.memory_space<hbm>> -> memref<80xi32, #tpu.memory_space<hbm>>
        %dma_start3A_140 = tpu.memref_slice %arg2[%add3A_138] : memref<320000xi32, #tpu.memory_space<hbm>> -> memref<80xi32, #tpu.memory_space<hbm>>
        tpu.enqueue_dma source(%dma_start3A_140 : memref<80xi32, #tpu.memory_space<hbm>>) target(%arg15 : memref<80xi32, #tpu.memory_space<vmem>>) target_semaphore(%arg27 : memref<!tpu.dma_semaphore, #tpu.memory_space<semaphore_mem>>)
        %dma_start3A_141 = tpu.memref_slice %arg3[%add3A_138] : memref<320000xi32, #tpu.memory_space<hbm>> -> memref<80xi32, #tpu.memory_space<hbm>>
        %dma_start3A_142 = tpu.memref_slice %arg3[%add3A_138] : memref<320000xi32, #tpu.memory_space<hbm>> -> memref<80xi32, #tpu.memory_space<hbm>>
        tpu.enqueue_dma source(%dma_start3A_142 : memref<80xi32, #tpu.memory_space<hbm>>) target(%arg16 : memref<80xi32, #tpu.memory_space<vmem>>) target_semaphore(%arg27 : memref<!tpu.dma_semaphore, #tpu.memory_space<semaphore_mem>>)
        %dma_start3A_143 = tpu.memref_slice %arg4[%add3A_138] : memref<320000xi32, #tpu.memory_space<hbm>> -> memref<80xi32, #tpu.memory_space<hbm>>
        %dma_start3A_144 = tpu.memref_slice %arg4[%add3A_138] : memref<320000xi32, #tpu.memory_space<hbm>> -> memref<80xi32, #tpu.memory_space<hbm>>
        tpu.enqueue_dma source(%dma_start3A_144 : memref<80xi32, #tpu.memory_space<hbm>>) target(%arg17 : memref<80xi32, #tpu.memory_space<vmem>>) target_semaphore(%arg27 : memref<!tpu.dma_semaphore, #tpu.memory_space<semaphore_mem>>)
      } else {
      }
    }
    %scan3A_34 = arith.constant 62 : i32
    %add3A_35 = arith.constant 9920 : i32
    %add3A_36 = arith.addi %mul3A_5, %add3A_35 : i32
    %dma_wait3A = tpu.memref_slice %arg2[%add3A_36] : memref<320000xi32, #tpu.memory_space<hbm>> -> memref<80xi32, #tpu.memory_space<hbm>>
    %dma_wait3A_37 = tpu.memref_slice %arg2[%add3A_36] : memref<320000xi32, #tpu.memory_space<hbm>> -> memref<80xi32, #tpu.memory_space<hbm>>
    tpu.wait_dma2 semaphore(%arg26 : memref<!tpu.dma_semaphore, #tpu.memory_space<semaphore_mem>>) src(%dma_wait3A_37 : memref<80xi32, #tpu.memory_space<hbm>>) dst(%arg12 : memref<80xi32, #tpu.memory_space<vmem>>)
    %dma_wait3A_38 = tpu.memref_slice %arg3[%add3A_36] : memref<320000xi32, #tpu.memory_space<hbm>> -> memref<80xi32, #tpu.memory_space<hbm>>
    %dma_wait3A_39 = tpu.memref_slice %arg3[%add3A_36] : memref<320000xi32, #tpu.memory_space<hbm>> -> memref<80xi32, #tpu.memory_space<hbm>>
    tpu.wait_dma2 semaphore(%arg26 : memref<!tpu.dma_semaphore, #tpu.memory_space<semaphore_mem>>) src(%dma_wait3A_39 : memref<80xi32, #tpu.memory_space<hbm>>) dst(%arg13 : memref<80xi32, #tpu.memory_space<vmem>>)
    %dma_wait3A_40 = tpu.memref_slice %arg4[%add3A_36] : memref<320000xi32, #tpu.memory_space<hbm>> -> memref<80xi32, #tpu.memory_space<hbm>>
    %dma_wait3A_41 = tpu.memref_slice %arg4[%add3A_36] : memref<320000xi32, #tpu.memory_space<hbm>> -> memref<80xi32, #tpu.memory_space<hbm>>
    tpu.wait_dma2 semaphore(%arg26 : memref<!tpu.dma_semaphore, #tpu.memory_space<semaphore_mem>>) src(%dma_wait3A_41 : memref<80xi32, #tpu.memory_space<hbm>>) dst(%arg14 : memref<80xi32, #tpu.memory_space<vmem>>)
    %add3A_42 = arith.constant 9760 : i32
    %add3A_43 = arith.addi %mul3A_5, %add3A_42 : i32
    %dma_wait3A_44 = tpu.memref_slice %arg8[%add3A_43] : memref<320000xf32, #tpu.memory_space<hbm>> -> memref<80xf32, #tpu.memory_space<hbm>>
    %dma_wait3A_45 = tpu.memref_slice %arg8[%add3A_43] : memref<320000xf32, #tpu.memory_space<hbm>> -> memref<80xf32, #tpu.memory_space<hbm>>
    tpu.wait_dma2 semaphore(%arg28 : memref<!tpu.dma_semaphore, #tpu.memory_space<semaphore_mem>>) src(%arg18 : memref<80xf32, #tpu.memory_space<vmem>>) dst(%dma_wait3A_45 : memref<80xf32, #tpu.memory_space<hbm>>)
    %scan3A_46 = arith.constant 0 : i32
    %scan3A_47 = arith.constant 5 : i32
    %scan3A_48 = arith.addi %scan3A_46, %scan3A_47 : i32
    %scan3A_49 = arith.constant 1 : i32
    scf.for %scan3A_63 = %scan3A_46 to %scan3A_48 step %scan3A_49  : i32 {
      %mul3A_64 = arith.constant 1 : i32
      %mul3A_65 = arith.muli %scan3A_63, %mul3A_64 : i32
      %add3A_66 = arith.constant 0 : i32
      %add3A_67 = arith.addi %add3A_66, %mul3A_65 : i32
      %mul3A_68 = arith.constant 16 : i32
      %mul3A_69 = arith.muli %add3A_67, %mul3A_68 : i32
      %get3A = arith.index_cast %mul3A_69 : i32 to index
      %get3A_70 = tpu.vector_load %arg12[%get3A] {strides = array<i32>} : memref<80xi32, #tpu.memory_space<vmem>>, vector<16xi32>,
      %get3A_71 = arith.index_cast %mul3A_69 : i32 to index
      %get3A_72 = tpu.vector_load %arg13[%get3A_71] {strides = array<i32>} : memref<80xi32, #tpu.memory_space<vmem>>, vector<16xi32>,
      %get3A_73 = arith.index_cast %mul3A_69 : i32 to index
      %get3A_74 = tpu.vector_load %arg14[%get3A_73] {strides = array<i32>} : memref<80xi32, #tpu.memory_space<vmem>>, vector<16xi32>,
      %gather3A = tpu.vector_load_idx %arg20[%get3A_70] : memref<10000xf32, #tpu.memory_space<vmem>>[vector<16xi32>], vector<16xf32>,
      %gather3A_75 = tpu.vector_load_idx %arg21[%get3A_72] : memref<10000xf32, #tpu.memory_space<vmem>>[vector<16xi32>], vector<16xf32>,
      %add3A_76 = arith.addf %gather3A, %gather3A_75 : vector<16xf32>
      %gather3A_77 = tpu.vector_load_idx %arg22[%get3A_74] : memref<10000xf32, #tpu.memory_space<vmem>>[vector<16xi32>], vector<16xf32>,
      %add3A_78 = arith.addf %add3A_76, %gather3A_77 : vector<16xf32>
      %ge3A = arith.constant 0.000000e+00 : f32
      %ge3A_79 = vector.broadcast %ge3A : f32 to vector<16xf32>
      %ge3A_80 = arith.cmpf oge, %add3A_78, %ge3A_79 : vector<16xf32>
      %mul3A_81 = arith.constant 0.00999999977 : f32
      %mul3A_82 = vector.broadcast %mul3A_81 : f32 to vector<16xf32>
      %mul3A_83 = arith.mulf %add3A_78, %mul3A_82 : vector<16xf32>
      %select_n3A = arith.select %ge3A_80, %add3A_78, %mul3A_83 : vector<16xi1>, vector<16xf32>
      %neg3A = arith.constant 0.000000e+00 : f32
      %neg3A_84 = vector.broadcast %neg3A : f32 to vector<16xf32>
      %neg3A_85 = arith.subf %neg3A_84, %select_n3A : vector<16xf32>
      %exp3A = math.exp %neg3A_85 : vector<16xf32>
      %swap3A = arith.index_cast %mul3A_69 : i32 to index
      %swap3A_86 = tpu.vector_load %arg18[%swap3A] {strides = array<i32>} : memref<80xf32, #tpu.memory_space<vmem>>, vector<16xf32>,
      tpu.vector_store %arg18[%swap3A], %exp3A {strides = array<i32>} : memref<80xf32, #tpu.memory_space<vmem>>, vector<16xf32>,
      tpu.vector_store_idx %arg23[%get3A_70], %exp3A {add = true} : memref<10000xf32, #tpu.memory_space<vmem>>[vector<16xi32>], vector<16xf32>,
      tpu.vector_store_idx %arg24[%get3A_72], %exp3A {add = true} : memref<10000xf32, #tpu.memory_space<vmem>>[vector<16xi32>], vector<16xf32>,
      tpu.vector_store_idx %arg25[%get3A_72], %broadcast_in_dim3A_3 {add = true} : memref<10000xf32, #tpu.memory_space<vmem>>[vector<16xi32>], vector<16xf32>,
    }
    %scan3A_50 = arith.constant 5 : i32
    %add3A_51 = arith.constant 9920 : i32
    %add3A_52 = arith.addi %mul3A_5, %add3A_51 : i32
    %dma_start3A_53 = tpu.memref_slice %arg8[%add3A_52] : memref<320000xf32, #tpu.memory_space<hbm>> -> memref<80xf32, #tpu.memory_space<hbm>>
    %dma_start3A_54 = tpu.memref_slice %arg8[%add3A_52] : memref<320000xf32, #tpu.memory_space<hbm>> -> memref<80xf32, #tpu.memory_space<hbm>>
    tpu.enqueue_dma source(%arg18 : memref<80xf32, #tpu.memory_space<vmem>>) target(%dma_start3A_54 : memref<80xf32, #tpu.memory_space<hbm>>) target_semaphore(%arg28 : memref<!tpu.dma_semaphore, #tpu.memory_space<semaphore_mem>>)
    %add3A_55 = arith.constant 9840 : i32
    %add3A_56 = arith.addi %mul3A_5, %add3A_55 : i32
    %dma_wait3A_57 = tpu.memref_slice %arg8[%add3A_56] : memref<320000xf32, #tpu.memory_space<hbm>> -> memref<80xf32, #tpu.memory_space<hbm>>
    %dma_wait3A_58 = tpu.memref_slice %arg8[%add3A_56] : memref<320000xf32, #tpu.memory_space<hbm>> -> memref<80xf32, #tpu.memory_space<hbm>>
    tpu.wait_dma2 semaphore(%arg29 : memref<!tpu.dma_semaphore, #tpu.memory_space<semaphore_mem>>) src(%arg19 : memref<80xf32, #tpu.memory_space<vmem>>) dst(%dma_wait3A_58 : memref<80xf32, #tpu.memory_space<hbm>>)
    %add3A_59 = arith.constant 9920 : i32
    %add3A_60 = arith.addi %mul3A_5, %add3A_59 : i32
    %dma_wait3A_61 = tpu.memref_slice %arg8[%add3A_60] : memref<320000xf32, #tpu.memory_space<hbm>> -> memref<80xf32, #tpu.memory_space<hbm>>
    %dma_wait3A_62 = tpu.memref_slice %arg8[%add3A_60] : memref<320000xf32, #tpu.memory_space<hbm>> -> memref<80xf32, #tpu.memory_space<hbm>>
    tpu.wait_dma2 semaphore(%arg28 : memref<!tpu.dma_semaphore, #tpu.memory_space<semaphore_mem>>) src(%arg18 : memref<80xf32, #tpu.memory_space<vmem>>) dst(%dma_wait3A_62 : memref<80xf32, #tpu.memory_space<hbm>>)
    "tpu.region"() ({
      %run_scoped3A = tpu.sem_alloc : memref<!tpu.dma_semaphore, #tpu.memory_space<semaphore_mem>>
      %dma_start3A_63 = arith.constant 0 : i32
      %dma_start3A_64 = tpu.memref_slice %arg9[%add3A, %dma_start3A_63] : memref<32x10000xf32, #tpu.memory_space<hbm>> -> memref<1x10000xf32, #tpu.memory_space<hbm>>
      %dma_start3A_65 = tpu.memref_squeeze %dma_start3A_64 : memref<1x10000xf32, #tpu.memory_space<hbm>> -> memref<10000xf32, #tpu.memory_space<hbm>>
      %dma_start3A_66 = arith.constant 0 : i32
      %dma_start3A_67 = tpu.memref_slice %arg9[%add3A, %dma_start3A_66] : memref<32x10000xf32, #tpu.memory_space<hbm>> -> memref<1x10000xf32, #tpu.memory_space<hbm>>
      %dma_start3A_68 = tpu.memref_squeeze %dma_start3A_67 : memref<1x10000xf32, #tpu.memory_space<hbm>> -> memref<10000xf32, #tpu.memory_space<hbm>>
      tpu.enqueue_dma source(%arg23 : memref<10000xf32, #tpu.memory_space<vmem>>) target(%dma_start3A_68 : memref<10000xf32, #tpu.memory_space<hbm>>) target_semaphore(%run_scoped3A : memref<!tpu.dma_semaphore, #tpu.memory_space<semaphore_mem>>)
      %dma_wait3A_69 = arith.constant 0 : i32
      %dma_wait3A_70 = tpu.memref_slice %arg9[%add3A, %dma_wait3A_69] : memref<32x10000xf32, #tpu.memory_space<hbm>> -> memref<1x10000xf32, #tpu.memory_space<hbm>>
      %dma_wait3A_71 = tpu.memref_squeeze %dma_wait3A_70 : memref<1x10000xf32, #tpu.memory_space<hbm>> -> memref<10000xf32, #tpu.memory_space<hbm>>
      %dma_wait3A_72 = arith.constant 0 : i32
      %dma_wait3A_73 = tpu.memref_slice %arg9[%add3A, %dma_wait3A_72] : memref<32x10000xf32, #tpu.memory_space<hbm>> -> memref<1x10000xf32, #tpu.memory_space<hbm>>
      %dma_wait3A_74 = tpu.memref_squeeze %dma_wait3A_73 : memref<1x10000xf32, #tpu.memory_space<hbm>> -> memref<10000xf32, #tpu.memory_space<hbm>>
      tpu.wait_dma2 semaphore(%run_scoped3A : memref<!tpu.dma_semaphore, #tpu.memory_space<semaphore_mem>>) src(%arg23 : memref<10000xf32, #tpu.memory_space<vmem>>) dst(%dma_wait3A_74 : memref<10000xf32, #tpu.memory_space<hbm>>)
      tpu.yield
    }) : () -> ()
    "tpu.region"() ({
      %run_scoped3A = tpu.sem_alloc : memref<!tpu.dma_semaphore, #tpu.memory_space<semaphore_mem>>
      %dma_start3A_63 = arith.constant 0 : i32
      %dma_start3A_64 = tpu.memref_slice %arg10[%add3A, %dma_start3A_63] : memref<32x10000xf32, #tpu.memory_space<hbm>> -> memref<1x10000xf32, #tpu.memory_space<hbm>>
      %dma_start3A_65 = tpu.memref_squeeze %dma_start3A_64 : memref<1x10000xf32, #tpu.memory_space<hbm>> -> memref<10000xf32, #tpu.memory_space<hbm>>
      %dma_start3A_66 = arith.constant 0 : i32
      %dma_start3A_67 = tpu.memref_slice %arg10[%add3A, %dma_start3A_66] : memref<32x10000xf32, #tpu.memory_space<hbm>> -> memref<1x10000xf32, #tpu.memory_space<hbm>>
      %dma_start3A_68 = tpu.memref_squeeze %dma_start3A_67 : memref<1x10000xf32, #tpu.memory_space<hbm>> -> memref<10000xf32, #tpu.memory_space<hbm>>
      tpu.enqueue_dma source(%arg24 : memref<10000xf32, #tpu.memory_space<vmem>>) target(%dma_start3A_68 : memref<10000xf32, #tpu.memory_space<hbm>>) target_semaphore(%run_scoped3A : memref<!tpu.dma_semaphore, #tpu.memory_space<semaphore_mem>>)
      %dma_wait3A_69 = arith.constant 0 : i32
      %dma_wait3A_70 = tpu.memref_slice %arg10[%add3A, %dma_wait3A_69] : memref<32x10000xf32, #tpu.memory_space<hbm>> -> memref<1x10000xf32, #tpu.memory_space<hbm>>
      %dma_wait3A_71 = tpu.memref_squeeze %dma_wait3A_70 : memref<1x10000xf32, #tpu.memory_space<hbm>> -> memref<10000xf32, #tpu.memory_space<hbm>>
      %dma_wait3A_72 = arith.constant 0 : i32
      %dma_wait3A_73 = tpu.memref_slice %arg10[%add3A, %dma_wait3A_72] : memref<32x10000xf32, #tpu.memory_space<hbm>> -> memref<1x10000xf32, #tpu.memory_space<hbm>>
      %dma_wait3A_74 = tpu.memref_squeeze %dma_wait3A_73 : memref<1x10000xf32, #tpu.memory_space<hbm>> -> memref<10000xf32, #tpu.memory_space<hbm>>
      tpu.wait_dma2 semaphore(%run_scoped3A : memref<!tpu.dma_semaphore, #tpu.memory_space<semaphore_mem>>) src(%arg24 : memref<10000xf32, #tpu.memory_space<vmem>>) dst(%dma_wait3A_74 : memref<10000xf32, #tpu.memory_space<hbm>>)
      tpu.yield
    }) : () -> ()
    "tpu.region"() ({
      %run_scoped3A = tpu.sem_alloc : memref<!tpu.dma_semaphore, #tpu.memory_space<semaphore_mem>>
      %dma_start3A_63 = arith.constant 0 : i32
      %dma_start3A_64 = tpu.memref_slice %arg11[%add3A, %dma_start3A_63] : memref<32x10000xf32, #tpu.memory_space<hbm>> -> memref<1x10000xf32, #tpu.memory_space<hbm>>
      %dma_start3A_65 = tpu.memref_squeeze %dma_start3A_64 : memref<1x10000xf32, #tpu.memory_space<hbm>> -> memref<10000xf32, #tpu.memory_space<hbm>>
      %dma_start3A_66 = arith.constant 0 : i32
      %dma_start3A_67 = tpu.memref_slice %arg11[%add3A, %dma_start3A_66] : memref<32x10000xf32, #tpu.memory_space<hbm>> -> memref<1x10000xf32, #tpu.memory_space<hbm>>
      %dma_start3A_68 = tpu.memref_squeeze %dma_start3A_67 : memref<1x10000xf32, #tpu.memory_space<hbm>> -> memref<10000xf32, #tpu.memory_space<hbm>>
      tpu.enqueue_dma source(%arg25 : memref<10000xf32, #tpu.memory_space<vmem>>) target(%dma_start3A_68 : memref<10000xf32, #tpu.memory_space<hbm>>) target_semaphore(%run_scoped3A : memref<!tpu.dma_semaphore, #tpu.memory_space<semaphore_mem>>)
      %dma_wait3A_69 = arith.constant 0 : i32
      %dma_wait3A_70 = tpu.memref_slice %arg11[%add3A, %dma_wait3A_69] : memref<32x10000xf32, #tpu.memory_space<hbm>> -> memref<1x10000xf32, #tpu.memory_space<hbm>>
      %dma_wait3A_71 = tpu.memref_squeeze %dma_wait3A_70 : memref<1x10000xf32, #tpu.memory_space<hbm>> -> memref<10000xf32, #tpu.memory_space<hbm>>
      %dma_wait3A_72 = arith.constant 0 : i32
      %dma_wait3A_73 = tpu.memref_slice %arg11[%add3A, %dma_wait3A_72] : memref<32x10000xf32, #tpu.memory_space<hbm>> -> memref<1x10000xf32, #tpu.memory_space<hbm>>
      %dma_wait3A_74 = tpu.memref_squeeze %dma_wait3A_73 : memref<1x10000xf32, #tpu.memory_space<hbm>> -> memref<10000xf32, #tpu.memory_space<hbm>>
      tpu.wait_dma2 semaphore(%run_scoped3A : memref<!tpu.dma_semaphore, #tpu.memory_space<semaphore_mem>>) src(%arg25 : memref<10000xf32, #tpu.memory_space<vmem>>) dst(%dma_wait3A_74 : memref<10000xf32, #tpu.memory_space<hbm>>)
      tpu.yield
    }) : () -> ()
    return
  }
}

#map = affine_map<(d0, d1) -> (0)>
#map1 = affine_map<(d0, d1) -> (0, 0)>
module attributes {stable_mosaic.version = 14 : i64} {
  func.func @sc_agg(%arg0: i32, %arg1: i32, %arg2: memref<320000xi32, #tpu.memory_space<hbm>>, %arg3: memref<320000xi32, #tpu.memory_space<hbm>>, %arg4: memref<320000xi32, #tpu.memory_space<hbm>>, %arg5: memref<320000xf32, #tpu.memory_space<hbm>>, %arg6: memref<10000x128xf32, #tpu.memory_space<hbm>>, %arg7: memref<10000x128xf32, #tpu.memory_space<hbm>>, %arg8: memref<10000x128xf32, #tpu.memory_space<hbm>>, %arg9: memref<10000x128xf32, #tpu.memory_space<hbm>>, %arg10: memref<10000x128xf32, #tpu.memory_space<hbm>>, %arg11: memref<80xi32, #tpu.memory_space<vmem>>, %arg12: memref<80xi32, #tpu.memory_space<vmem>>, %arg13: memref<80xi32, #tpu.memory_space<vmem>>, %arg14: memref<80xi32, #tpu.memory_space<vmem>>, %arg15: memref<80xi32, #tpu.memory_space<vmem>>, %arg16: memref<80xi32, #tpu.memory_space<vmem>>, %arg17: memref<80xi32, #tpu.memory_space<vmem>>, %arg18: memref<80xi32, #tpu.memory_space<vmem>>, %arg19: memref<80x128xf32, #tpu.memory_space<vmem>>, %arg20: memref<80x128xf32, #tpu.memory_space<vmem>>, %arg21: memref<80x128xf32, #tpu.memory_space<vmem>>, %arg22: memref<80x128xf32, #tpu.memory_space<vmem>>, %arg23: memref<96xf32, #tpu.memory_space<vmem>>, %arg24: memref<96xf32, #tpu.memory_space<vmem>>, %arg25: memref<10000x128xf32, #tpu.memory_space<vmem_shared>>, %arg26: memref<!tpu.dma_semaphore, #tpu.memory_space<semaphore_mem>>, %arg27: memref<!tpu.dma_semaphore, #tpu.memory_space<semaphore_mem>>, %arg28: memref<!tpu.dma_semaphore, #tpu.memory_space<semaphore_mem>>, %arg29: memref<!tpu.dma_semaphore, #tpu.memory_space<semaphore_mem>>, %arg30: memref<!tpu.dma_semaphore, #tpu.memory_space<semaphore_mem>>, %arg31: memref<!tpu.dma_semaphore, #tpu.memory_space<semaphore_mem>>) attributes {dimension_semantics = [#tpu.dimension_semantics<core_parallel>, #tpu.dimension_semantics<subcore_parallel>], iteration_bounds = array<i64: 2, 16>, scalar_prefetch = 0 : i64, scratch_operands = 21 : i64, tpu.core_type = #tpu.core_type<sc_vector_subcore>, window_params = [{transform_indices = #map}, {transform_indices = #map}, {transform_indices = #map}, {transform_indices = #map}, {transform_indices = #map1}, {transform_indices = #map1}, {transform_indices = #map1}, {transform_indices = #map1}, {transform_indices = #map1}]} {
    %broadcast_in_dim3A = arith.constant 0.000000e+00 : f32
    %broadcast_in_dim3A_0 = vector.broadcast %broadcast_in_dim3A : f32 to vector<16xf32>
    %mul3A = arith.constant 20000 : i32
    %mul3A_1 = arith.muli %arg1, %mul3A : i32
    %scan3A = arith.constant 0 : i32
    %scan3A_2 = arith.constant 80 : i32
    %scan3A_3 = arith.addi %scan3A, %scan3A_2 : i32
    %scan3A_4 = arith.constant 1 : i32
    scf.for %scan3A_91 = %scan3A to %scan3A_3 step %scan3A_4  : i32 {
      %mul3A_92 = arith.constant 1 : i32
      %mul3A_93 = arith.muli %scan3A_91, %mul3A_92 : i32
      %add3A_94 = arith.constant 0 : i32
      %add3A_95 = arith.addi %add3A_94, %mul3A_93 : i32
      %swap3A = arith.index_cast %add3A_95 : i32 to index
      %swap3A_96 = arith.constant 0 : index
      %swap3A_97 = tpu.vector_load %arg19[%swap3A, %swap3A_96] {strides = array<i32>} : memref<80x128xf32, #tpu.memory_space<vmem>>, vector<16xf32>,
      tpu.vector_store %arg19[%swap3A, %swap3A_96], %broadcast_in_dim3A_0 {strides = array<i32>} : memref<80x128xf32, #tpu.memory_space<vmem>>, vector<16xf32>,
      %swap3A_98 = arith.index_cast %add3A_95 : i32 to index
      %swap3A_99 = arith.constant 16 : index
      %swap3A_100 = tpu.vector_load %arg19[%swap3A_98, %swap3A_99] {strides = array<i32>} : memref<80x128xf32, #tpu.memory_space<vmem>>, vector<16xf32>,
      tpu.vector_store %arg19[%swap3A_98, %swap3A_99], %broadcast_in_dim3A_0 {strides = array<i32>} : memref<80x128xf32, #tpu.memory_space<vmem>>, vector<16xf32>,
      %swap3A_101 = arith.index_cast %add3A_95 : i32 to index
      %swap3A_102 = arith.constant 32 : index
      %swap3A_103 = tpu.vector_load %arg19[%swap3A_101, %swap3A_102] {strides = array<i32>} : memref<80x128xf32, #tpu.memory_space<vmem>>, vector<16xf32>,
      tpu.vector_store %arg19[%swap3A_101, %swap3A_102], %broadcast_in_dim3A_0 {strides = array<i32>} : memref<80x128xf32, #tpu.memory_space<vmem>>, vector<16xf32>,
      %swap3A_104 = arith.index_cast %add3A_95 : i32 to index
      %swap3A_105 = arith.constant 48 : index
      %swap3A_106 = tpu.vector_load %arg19[%swap3A_104, %swap3A_105] {strides = array<i32>} : memref<80x128xf32, #tpu.memory_space<vmem>>, vector<16xf32>,
      tpu.vector_store %arg19[%swap3A_104, %swap3A_105], %broadcast_in_dim3A_0 {strides = array<i32>} : memref<80x128xf32, #tpu.memory_space<vmem>>, vector<16xf32>,
      %swap3A_107 = arith.index_cast %add3A_95 : i32 to index
      %swap3A_108 = arith.constant 64 : index
      %swap3A_109 = tpu.vector_load %arg19[%swap3A_107, %swap3A_108] {strides = array<i32>} : memref<80x128xf32, #tpu.memory_space<vmem>>, vector<16xf32>,
      tpu.vector_store %arg19[%swap3A_107, %swap3A_108], %broadcast_in_dim3A_0 {strides = array<i32>} : memref<80x128xf32, #tpu.memory_space<vmem>>, vector<16xf32>,
      %swap3A_110 = arith.index_cast %add3A_95 : i32 to index
      %swap3A_111 = arith.constant 80 : index
      %swap3A_112 = tpu.vector_load %arg19[%swap3A_110, %swap3A_111] {strides = array<i32>} : memref<80x128xf32, #tpu.memory_space<vmem>>, vector<16xf32>,
      tpu.vector_store %arg19[%swap3A_110, %swap3A_111], %broadcast_in_dim3A_0 {strides = array<i32>} : memref<80x128xf32, #tpu.memory_space<vmem>>, vector<16xf32>,
      %swap3A_113 = arith.index_cast %add3A_95 : i32 to index
      %swap3A_114 = arith.constant 96 : index
      %swap3A_115 = tpu.vector_load %arg19[%swap3A_113, %swap3A_114] {strides = array<i32>} : memref<80x128xf32, #tpu.memory_space<vmem>>, vector<16xf32>,
      tpu.vector_store %arg19[%swap3A_113, %swap3A_114], %broadcast_in_dim3A_0 {strides = array<i32>} : memref<80x128xf32, #tpu.memory_space<vmem>>, vector<16xf32>,
      %swap3A_116 = arith.index_cast %add3A_95 : i32 to index
      %swap3A_117 = arith.constant 112 : index
      %swap3A_118 = tpu.vector_load %arg19[%swap3A_116, %swap3A_117] {strides = array<i32>} : memref<80x128xf32, #tpu.memory_space<vmem>>, vector<16xf32>,
      tpu.vector_store %arg19[%swap3A_116, %swap3A_117], %broadcast_in_dim3A_0 {strides = array<i32>} : memref<80x128xf32, #tpu.memory_space<vmem>>, vector<16xf32>,
    }
    %scan3A_5 = arith.constant 80 : i32
    %eq3A = arith.constant 0 : i32
    %eq3A_6 = arith.cmpi eq, %arg0, %eq3A : i32
    %jit3A = arith.constant 125 : i32
    %jit3A_7 = arith.constant 125 : i32
    %select_n3A = arith.select %eq3A_6, %jit3A, %jit3A_7 : i32
    %sub3A = arith.subi %select_n3A, %arg1 : i32
    %sub3A_8 = arith.constant 16 : i32
    %sub3A_9 = arith.constant 1 : i32
    %sub3A_10 = arith.subi %sub3A_8, %sub3A_9 : i32
    %add3A = arith.addi %sub3A, %sub3A_10 : i32
    %div3A = arith.constant 16 : i32
    %div3A_11 = arith.divsi %add3A, %div3A : i32
    %while3A = arith.constant 16 : i32
    %while3A_12 = arith.constant 0 : i32
    %while3A_13 = arith.subi %div3A_11, %while3A_12 : i32
    %while3A_14 = arith.addi %while3A_12, %while3A_13 : i32
    %while3A_15 = arith.constant 1 : i32
    %while3A_16 = arith.divsi %while3A_13, %while3A_15 : i32
    %while3A_17 = arith.muli %while3A_16, %while3A_15 : i32
    %while3A_18 = arith.addi %while3A_12, %while3A_17 : i32
    %while3A_19 = arith.constant 1 : i32
    scf.for %while3A_91 = %while3A_12 to %while3A_18 step %while3A_19  : i32 {
      %mul3A_92 = arith.muli %while3A_91, %while3A : i32
      %add3A_93 = arith.addi %arg1, %mul3A_92 : i32
      %mul3A_94 = arith.constant 80 : i32
      %mul3A_95 = arith.muli %add3A_93, %mul3A_94 : i32
      "tpu.region"() ({
        %run_scoped3A = tpu.sem_alloc : memref<!tpu.dma_semaphore, #tpu.memory_space<semaphore_mem>>
        %dma_start3A_96 = arith.constant 0 : i32
        %dma_start3A_97 = tpu.memref_slice %arg25[%mul3A_95, %dma_start3A_96] : memref<10000x128xf32, #tpu.memory_space<vmem_shared>> -> memref<80x128xf32, #tpu.memory_space<vmem_shared>>
        %dma_start3A_98 = arith.constant 0 : i32
        %dma_start3A_99 = tpu.memref_slice %arg25[%mul3A_95, %dma_start3A_98] : memref<10000x128xf32, #tpu.memory_space<vmem_shared>> -> memref<80x128xf32, #tpu.memory_space<vmem_shared>>
        tpu.enqueue_dma source(%arg19 : memref<80x128xf32, #tpu.memory_space<vmem>>) target(%dma_start3A_99 : memref<80x128xf32, #tpu.memory_space<vmem_shared>>) target_semaphore(%run_scoped3A : memref<!tpu.dma_semaphore, #tpu.memory_space<semaphore_mem>>)
        %dma_wait3A_100 = arith.constant 0 : i32
        %dma_wait3A_101 = tpu.memref_slice %arg25[%mul3A_95, %dma_wait3A_100] : memref<10000x128xf32, #tpu.memory_space<vmem_shared>> -> memref<80x128xf32, #tpu.memory_space<vmem_shared>>
        %dma_wait3A_102 = arith.constant 0 : i32
        %dma_wait3A_103 = tpu.memref_slice %arg25[%mul3A_95, %dma_wait3A_102] : memref<10000x128xf32, #tpu.memory_space<vmem_shared>> -> memref<80x128xf32, #tpu.memory_space<vmem_shared>>
        tpu.wait_dma2 semaphore(%run_scoped3A : memref<!tpu.dma_semaphore, #tpu.memory_space<semaphore_mem>>) src(%arg19 : memref<80x128xf32, #tpu.memory_space<vmem>>) dst(%dma_wait3A_103 : memref<80x128xf32, #tpu.memory_space<vmem_shared>>)
        tpu.yield
      }) : () -> ()
    }
    %while3A_20 = arith.constant 1 : i32
    scf.for %while3A_91 = %while3A_18 to %while3A_14 step %while3A_20  : i32 {
      %mul3A_92 = arith.muli %while3A_91, %while3A : i32
      %add3A_93 = arith.addi %arg1, %mul3A_92 : i32
      %mul3A_94 = arith.constant 80 : i32
      %mul3A_95 = arith.muli %add3A_93, %mul3A_94 : i32
      "tpu.region"() ({
        %run_scoped3A = tpu.sem_alloc : memref<!tpu.dma_semaphore, #tpu.memory_space<semaphore_mem>>
        %dma_start3A_96 = arith.constant 0 : i32
        %dma_start3A_97 = tpu.memref_slice %arg25[%mul3A_95, %dma_start3A_96] : memref<10000x128xf32, #tpu.memory_space<vmem_shared>> -> memref<80x128xf32, #tpu.memory_space<vmem_shared>>
        %dma_start3A_98 = arith.constant 0 : i32
        %dma_start3A_99 = tpu.memref_slice %arg25[%mul3A_95, %dma_start3A_98] : memref<10000x128xf32, #tpu.memory_space<vmem_shared>> -> memref<80x128xf32, #tpu.memory_space<vmem_shared>>
        tpu.enqueue_dma source(%arg19 : memref<80x128xf32, #tpu.memory_space<vmem>>) target(%dma_start3A_99 : memref<80x128xf32, #tpu.memory_space<vmem_shared>>) target_semaphore(%run_scoped3A : memref<!tpu.dma_semaphore, #tpu.memory_space<semaphore_mem>>)
        %dma_wait3A_100 = arith.constant 0 : i32
        %dma_wait3A_101 = tpu.memref_slice %arg25[%mul3A_95, %dma_wait3A_100] : memref<10000x128xf32, #tpu.memory_space<vmem_shared>> -> memref<80x128xf32, #tpu.memory_space<vmem_shared>>
        %dma_wait3A_102 = arith.constant 0 : i32
        %dma_wait3A_103 = tpu.memref_slice %arg25[%mul3A_95, %dma_wait3A_102] : memref<10000x128xf32, #tpu.memory_space<vmem_shared>> -> memref<80x128xf32, #tpu.memory_space<vmem_shared>>
        tpu.wait_dma2 semaphore(%run_scoped3A : memref<!tpu.dma_semaphore, #tpu.memory_space<semaphore_mem>>) src(%arg19 : memref<80x128xf32, #tpu.memory_space<vmem>>) dst(%dma_wait3A_103 : memref<80x128xf32, #tpu.memory_space<vmem_shared>>)
        tpu.yield
      }) : () -> ()
    }
    %barrier3A = arith.constant 0 : index
    tpu.barrier barrier_id(%barrier3A)
    %add3A_21 = arith.constant 0 : i32
    %add3A_22 = arith.addi %mul3A_1, %add3A_21 : i32
    %dma_start3A = tpu.memref_slice %arg2[%add3A_22] : memref<320000xi32, #tpu.memory_space<hbm>> -> memref<80xi32, #tpu.memory_space<hbm>>
    %dma_start3A_23 = tpu.memref_slice %arg2[%add3A_22] : memref<320000xi32, #tpu.memory_space<hbm>> -> memref<80xi32, #tpu.memory_space<hbm>>
    tpu.enqueue_dma source(%dma_start3A_23 : memref<80xi32, #tpu.memory_space<hbm>>) target(%arg11 : memref<80xi32, #tpu.memory_space<vmem>>) target_semaphore(%arg26 : memref<!tpu.dma_semaphore, #tpu.memory_space<semaphore_mem>>)
    %dma_start3A_24 = tpu.memref_slice %arg3[%add3A_22] : memref<320000xi32, #tpu.memory_space<hbm>> -> memref<80xi32, #tpu.memory_space<hbm>>
    %dma_start3A_25 = tpu.memref_slice %arg3[%add3A_22] : memref<320000xi32, #tpu.memory_space<hbm>> -> memref<80xi32, #tpu.memory_space<hbm>>
    tpu.enqueue_dma source(%dma_start3A_25 : memref<80xi32, #tpu.memory_space<hbm>>) target(%arg12 : memref<80xi32, #tpu.memory_space<vmem>>) target_semaphore(%arg26 : memref<!tpu.dma_semaphore, #tpu.memory_space<semaphore_mem>>)
    %dma_start3A_26 = tpu.memref_slice %arg4[%add3A_22] : memref<320000xi32, #tpu.memory_space<hbm>> -> memref<80xi32, #tpu.memory_space<hbm>>
    %dma_start3A_27 = tpu.memref_slice %arg4[%add3A_22] : memref<320000xi32, #tpu.memory_space<hbm>> -> memref<80xi32, #tpu.memory_space<hbm>>
    tpu.enqueue_dma source(%dma_start3A_27 : memref<80xi32, #tpu.memory_space<hbm>>) target(%arg13 : memref<80xi32, #tpu.memory_space<vmem>>) target_semaphore(%arg26 : memref<!tpu.dma_semaphore, #tpu.memory_space<semaphore_mem>>)
    %dma_start3A_28 = arith.constant 0 : i32
    %dma_start3A_29 = tpu.memref_slice %arg23[%dma_start3A_28] : memref<96xf32, #tpu.memory_space<vmem>> -> memref<80xf32, #tpu.memory_space<vmem>>
    %dma_start3A_30 = tpu.memref_slice %arg5[%add3A_22] : memref<320000xf32, #tpu.memory_space<hbm>> -> memref<80xf32, #tpu.memory_space<hbm>>
    %dma_start3A_31 = arith.constant 0 : i32
    %dma_start3A_32 = tpu.memref_slice %arg23[%dma_start3A_31] : memref<96xf32, #tpu.memory_space<vmem>> -> memref<80xf32, #tpu.memory_space<vmem>>
    %dma_start3A_33 = tpu.memref_slice %arg5[%add3A_22] : memref<320000xf32, #tpu.memory_space<hbm>> -> memref<80xf32, #tpu.memory_space<hbm>>
    tpu.enqueue_dma source(%dma_start3A_33 : memref<80xf32, #tpu.memory_space<hbm>>) target(%dma_start3A_32 : memref<80xf32, #tpu.memory_space<vmem>>) target_semaphore(%arg26 : memref<!tpu.dma_semaphore, #tpu.memory_space<semaphore_mem>>)
    %add3A_34 = arith.constant 80 : i32
    %add3A_35 = arith.addi %mul3A_1, %add3A_34 : i32
    %dma_start3A_36 = tpu.memref_slice %arg2[%add3A_35] : memref<320000xi32, #tpu.memory_space<hbm>> -> memref<80xi32, #tpu.memory_space<hbm>>
    %dma_start3A_37 = tpu.memref_slice %arg2[%add3A_35] : memref<320000xi32, #tpu.memory_space<hbm>> -> memref<80xi32, #tpu.memory_space<hbm>>
    tpu.enqueue_dma source(%dma_start3A_37 : memref<80xi32, #tpu.memory_space<hbm>>) target(%arg14 : memref<80xi32, #tpu.memory_space<vmem>>) target_semaphore(%arg27 : memref<!tpu.dma_semaphore, #tpu.memory_space<semaphore_mem>>)
    %dma_start3A_38 = tpu.memref_slice %arg3[%add3A_35] : memref<320000xi32, #tpu.memory_space<hbm>> -> memref<80xi32, #tpu.memory_space<hbm>>
    %dma_start3A_39 = tpu.memref_slice %arg3[%add3A_35] : memref<320000xi32, #tpu.memory_space<hbm>> -> memref<80xi32, #tpu.memory_space<hbm>>
    tpu.enqueue_dma source(%dma_start3A_39 : memref<80xi32, #tpu.memory_space<hbm>>) target(%arg15 : memref<80xi32, #tpu.memory_space<vmem>>) target_semaphore(%arg27 : memref<!tpu.dma_semaphore, #tpu.memory_space<semaphore_mem>>)
    %dma_start3A_40 = tpu.memref_slice %arg4[%add3A_35] : memref<320000xi32, #tpu.memory_space<hbm>> -> memref<80xi32, #tpu.memory_space<hbm>>
    %dma_start3A_41 = tpu.memref_slice %arg4[%add3A_35] : memref<320000xi32, #tpu.memory_space<hbm>> -> memref<80xi32, #tpu.memory_space<hbm>>
    tpu.enqueue_dma source(%dma_start3A_41 : memref<80xi32, #tpu.memory_space<hbm>>) target(%arg16 : memref<80xi32, #tpu.memory_space<vmem>>) target_semaphore(%arg27 : memref<!tpu.dma_semaphore, #tpu.memory_space<semaphore_mem>>)
    %dma_start3A_42 = arith.constant 0 : i32
    %dma_start3A_43 = tpu.memref_slice %arg24[%dma_start3A_42] : memref<96xf32, #tpu.memory_space<vmem>> -> memref<80xf32, #tpu.memory_space<vmem>>
    %dma_start3A_44 = tpu.memref_slice %arg5[%add3A_35] : memref<320000xf32, #tpu.memory_space<hbm>> -> memref<80xf32, #tpu.memory_space<hbm>>
    %dma_start3A_45 = arith.constant 0 : i32
    %dma_start3A_46 = tpu.memref_slice %arg24[%dma_start3A_45] : memref<96xf32, #tpu.memory_space<vmem>> -> memref<80xf32, #tpu.memory_space<vmem>>
    %dma_start3A_47 = tpu.memref_slice %arg5[%add3A_35] : memref<320000xf32, #tpu.memory_space<hbm>> -> memref<80xf32, #tpu.memory_space<hbm>>
    tpu.enqueue_dma source(%dma_start3A_47 : memref<80xf32, #tpu.memory_space<hbm>>) target(%dma_start3A_46 : memref<80xf32, #tpu.memory_space<vmem>>) target_semaphore(%arg27 : memref<!tpu.dma_semaphore, #tpu.memory_space<semaphore_mem>>)
    %add3A_48 = arith.constant 0 : i32
    %add3A_49 = arith.addi %mul3A_1, %add3A_48 : i32
    %dma_wait3A = tpu.memref_slice %arg2[%add3A_49] : memref<320000xi32, #tpu.memory_space<hbm>> -> memref<80xi32, #tpu.memory_space<hbm>>
    %dma_wait3A_50 = tpu.memref_slice %arg2[%add3A_49] : memref<320000xi32, #tpu.memory_space<hbm>> -> memref<80xi32, #tpu.memory_space<hbm>>
    tpu.wait_dma2 semaphore(%arg26 : memref<!tpu.dma_semaphore, #tpu.memory_space<semaphore_mem>>) src(%dma_wait3A_50 : memref<80xi32, #tpu.memory_space<hbm>>) dst(%arg11 : memref<80xi32, #tpu.memory_space<vmem>>)
    %dma_wait3A_51 = tpu.memref_slice %arg3[%add3A_49] : memref<320000xi32, #tpu.memory_space<hbm>> -> memref<80xi32, #tpu.memory_space<hbm>>
    %dma_wait3A_52 = tpu.memref_slice %arg3[%add3A_49] : memref<320000xi32, #tpu.memory_space<hbm>> -> memref<80xi32, #tpu.memory_space<hbm>>
    tpu.wait_dma2 semaphore(%arg26 : memref<!tpu.dma_semaphore, #tpu.memory_space<semaphore_mem>>) src(%dma_wait3A_52 : memref<80xi32, #tpu.memory_space<hbm>>) dst(%arg12 : memref<80xi32, #tpu.memory_space<vmem>>)
    %dma_wait3A_53 = tpu.memref_slice %arg4[%add3A_49] : memref<320000xi32, #tpu.memory_space<hbm>> -> memref<80xi32, #tpu.memory_space<hbm>>
    %dma_wait3A_54 = tpu.memref_slice %arg4[%add3A_49] : memref<320000xi32, #tpu.memory_space<hbm>> -> memref<80xi32, #tpu.memory_space<hbm>>
    tpu.wait_dma2 semaphore(%arg26 : memref<!tpu.dma_semaphore, #tpu.memory_space<semaphore_mem>>) src(%dma_wait3A_54 : memref<80xi32, #tpu.memory_space<hbm>>) dst(%arg13 : memref<80xi32, #tpu.memory_space<vmem>>)
    %dma_wait3A_55 = arith.constant 0 : i32
    %dma_wait3A_56 = tpu.memref_slice %arg23[%dma_wait3A_55] : memref<96xf32, #tpu.memory_space<vmem>> -> memref<80xf32, #tpu.memory_space<vmem>>
    %dma_wait3A_57 = tpu.memref_slice %arg5[%add3A_49] : memref<320000xf32, #tpu.memory_space<hbm>> -> memref<80xf32, #tpu.memory_space<hbm>>
    %dma_wait3A_58 = arith.constant 0 : i32
    %dma_wait3A_59 = tpu.memref_slice %arg23[%dma_wait3A_58] : memref<96xf32, #tpu.memory_space<vmem>> -> memref<80xf32, #tpu.memory_space<vmem>>
    %dma_wait3A_60 = tpu.memref_slice %arg5[%add3A_49] : memref<320000xf32, #tpu.memory_space<hbm>> -> memref<80xf32, #tpu.memory_space<hbm>>
    tpu.wait_dma2 semaphore(%arg26 : memref<!tpu.dma_semaphore, #tpu.memory_space<semaphore_mem>>) src(%dma_wait3A_60 : memref<80xf32, #tpu.memory_space<hbm>>) dst(%dma_wait3A_59 : memref<80xf32, #tpu.memory_space<vmem>>)
    %eq3A_61 = arith.constant 0 : i32
    %eq3A_62 = arith.cmpi eq, %arg0, %eq3A_61 : i32
    %convert_element_type3A = arith.extui %eq3A_62 : i1 to i32
    %cond3A = arith.constant 0 : i32
    %cond3A_63 = arith.cmpi ne, %convert_element_type3A, %cond3A : i32
    scf.if %cond3A_63 {
      %dma_start3A_91 = arith.constant 0 : i32
      %dma_start3A_92 = arith.constant 0 : i32
      %dma_start3A_93 = tpu.memref_slice %arg7[%dma_start3A_91, %dma_start3A_92] : memref<10000x128xf32, #tpu.memory_space<hbm>> -> memref<10000x128xf32, #tpu.memory_space<hbm>>
      tpu.enqueue_indirect_dma source(%dma_start3A_93 : memref<10000x128xf32, #tpu.memory_space<hbm>>) target(%arg19 : memref<80x128xf32, #tpu.memory_space<vmem>>) offsets(%arg12 : memref<80xi32, #tpu.memory_space<vmem>>) semaphore(%arg28 : memref<!tpu.dma_semaphore, #tpu.memory_space<semaphore_mem>>)
      %dma_start3A_94 = arith.constant 0 : i32
      %dma_start3A_95 = arith.constant 0 : i32
      %dma_start3A_96 = tpu.memref_slice %arg8[%dma_start3A_94, %dma_start3A_95] : memref<10000x128xf32, #tpu.memory_space<hbm>> -> memref<10000x128xf32, #tpu.memory_space<hbm>>
      tpu.enqueue_indirect_dma source(%dma_start3A_96 : memref<10000x128xf32, #tpu.memory_space<hbm>>) target(%arg20 : memref<80x128xf32, #tpu.memory_space<vmem>>) offsets(%arg13 : memref<80xi32, #tpu.memory_space<vmem>>) semaphore(%arg28 : memref<!tpu.dma_semaphore, #tpu.memory_space<semaphore_mem>>)
    } else {
    }
    %eq3A_64 = arith.constant 1 : i32
    %eq3A_65 = arith.cmpi eq, %arg0, %eq3A_64 : i32
    %convert_element_type3A_66 = arith.extui %eq3A_65 : i1 to i32
    %cond3A_67 = arith.constant 0 : i32
    %cond3A_68 = arith.cmpi ne, %convert_element_type3A_66, %cond3A_67 : i32
    scf.if %cond3A_68 {
      %dma_start3A_91 = arith.constant 0 : i32
      %dma_start3A_92 = arith.constant 0 : i32
      %dma_start3A_93 = tpu.memref_slice %arg6[%dma_start3A_91, %dma_start3A_92] : memref<10000x128xf32, #tpu.memory_space<hbm>> -> memref<10000x128xf32, #tpu.memory_space<hbm>>
      tpu.enqueue_indirect_dma source(%dma_start3A_93 : memref<10000x128xf32, #tpu.memory_space<hbm>>) target(%arg19 : memref<80x128xf32, #tpu.memory_space<vmem>>) offsets(%arg11 : memref<80xi32, #tpu.memory_space<vmem>>) semaphore(%arg28 : memref<!tpu.dma_semaphore, #tpu.memory_space<semaphore_mem>>)
      %dma_start3A_94 = arith.constant 0 : i32
      %dma_start3A_95 = arith.constant 0 : i32
      %dma_start3A_96 = tpu.memref_slice %arg8[%dma_start3A_94, %dma_start3A_95] : memref<10000x128xf32, #tpu.memory_space<hbm>> -> memref<10000x128xf32, #tpu.memory_space<hbm>>
      tpu.enqueue_indirect_dma source(%dma_start3A_96 : memref<10000x128xf32, #tpu.memory_space<hbm>>) target(%arg20 : memref<80x128xf32, #tpu.memory_space<vmem>>) offsets(%arg13 : memref<80xi32, #tpu.memory_space<vmem>>) semaphore(%arg28 : memref<!tpu.dma_semaphore, #tpu.memory_space<semaphore_mem>>)
    } else {
    }
    %scan3A_69 = arith.constant 0 : i32
    %scan3A_70 = arith.constant 125 : i32
    %scan3A_71 = arith.addi %scan3A_69, %scan3A_70 : i32
    %scan3A_72 = arith.constant 1 : i32
    scf.for %scan3A_91 = %scan3A_69 to %scan3A_71 step %scan3A_72  : i32 {
      %mul3A_92 = arith.constant 1 : i32
      %mul3A_93 = arith.muli %scan3A_91, %mul3A_92 : i32
      %add3A_94 = arith.constant 0 : i32
      %add3A_95 = arith.addi %add3A_94, %mul3A_93 : i32
      %mul3A_96 = arith.constant 2 : i32
      %mul3A_97 = arith.muli %add3A_95, %mul3A_96 : i32
      %add3A_98 = arith.constant 0 : i32
      %add3A_99 = arith.addi %mul3A_97, %add3A_98 : i32
      %eq3A_100 = arith.constant 0 : i32
      %eq3A_101 = arith.cmpi eq, %arg0, %eq3A_100 : i32
      %convert_element_type3A_102 = arith.extui %eq3A_101 : i1 to i32
      %cond3A_103 = arith.constant 0 : i32
      %cond3A_104 = arith.cmpi ne, %convert_element_type3A_102, %cond3A_103 : i32
      scf.if %cond3A_104 {
        %dma_wait3A_187 = arith.constant 0 : i32
        %dma_wait3A_188 = arith.constant 0 : i32
        %dma_wait3A_189 = tpu.memref_slice %arg7[%dma_wait3A_187, %dma_wait3A_188] : memref<10000x128xf32, #tpu.memory_space<hbm>> -> memref<10000x128xf32, #tpu.memory_space<hbm>>
        tpu.wait_indirect_dma semaphore(%arg28 : memref<!tpu.dma_semaphore, #tpu.memory_space<semaphore_mem>>) src(%dma_wait3A_189 : memref<10000x128xf32, #tpu.memory_space<hbm>>) dst(%arg19 : memref<80x128xf32, #tpu.memory_space<vmem>>)
        %dma_wait3A_190 = arith.constant 0 : i32
        %dma_wait3A_191 = arith.constant 0 : i32
        %dma_wait3A_192 = tpu.memref_slice %arg8[%dma_wait3A_190, %dma_wait3A_191] : memref<10000x128xf32, #tpu.memory_space<hbm>> -> memref<10000x128xf32, #tpu.memory_space<hbm>>
        tpu.wait_indirect_dma semaphore(%arg28 : memref<!tpu.dma_semaphore, #tpu.memory_space<semaphore_mem>>) src(%dma_wait3A_192 : memref<10000x128xf32, #tpu.memory_space<hbm>>) dst(%arg20 : memref<80x128xf32, #tpu.memory_space<vmem>>)
      } else {
      }
      %eq3A_105 = arith.constant 1 : i32
      %eq3A_106 = arith.cmpi eq, %arg0, %eq3A_105 : i32
      %convert_element_type3A_107 = arith.extui %eq3A_106 : i1 to i32
      %cond3A_108 = arith.constant 0 : i32
      %cond3A_109 = arith.cmpi ne, %convert_element_type3A_107, %cond3A_108 : i32
      scf.if %cond3A_109 {
        %dma_wait3A_187 = arith.constant 0 : i32
        %dma_wait3A_188 = arith.constant 0 : i32
        %dma_wait3A_189 = tpu.memref_slice %arg6[%dma_wait3A_187, %dma_wait3A_188] : memref<10000x128xf32, #tpu.memory_space<hbm>> -> memref<10000x128xf32, #tpu.memory_space<hbm>>
        tpu.wait_indirect_dma semaphore(%arg28 : memref<!tpu.dma_semaphore, #tpu.memory_space<semaphore_mem>>) src(%dma_wait3A_189 : memref<10000x128xf32, #tpu.memory_space<hbm>>) dst(%arg19 : memref<80x128xf32, #tpu.memory_space<vmem>>)
        %dma_wait3A_190 = arith.constant 0 : i32
        %dma_wait3A_191 = arith.constant 0 : i32
        %dma_wait3A_192 = tpu.memref_slice %arg8[%dma_wait3A_190, %dma_wait3A_191] : memref<10000x128xf32, #tpu.memory_space<hbm>> -> memref<10000x128xf32, #tpu.memory_space<hbm>>
        tpu.wait_indirect_dma semaphore(%arg28 : memref<!tpu.dma_semaphore, #tpu.memory_space<semaphore_mem>>) src(%dma_wait3A_192 : memref<10000x128xf32, #tpu.memory_space<hbm>>) dst(%arg20 : memref<80x128xf32, #tpu.memory_space<vmem>>)
      } else {
      }
      %eq3A_110 = arith.constant 0 : i32
      %eq3A_111 = arith.cmpi eq, %arg0, %eq3A_110 : i32
      %convert_element_type3A_112 = arith.extui %eq3A_111 : i1 to i32
      %cond3A_113 = arith.constant 0 : i32
      %cond3A_114 = arith.cmpi ne, %convert_element_type3A_112, %cond3A_113 : i32
      scf.if %cond3A_114 {
        %get3A = arith.constant 0 : index
        %get3A_187 = tpu.vector_load %arg11[%get3A] {strides = array<i32>} : memref<80xi32, #tpu.memory_space<vmem>>, vector<16xi32>,
        %swap3A = arith.constant 0 : index
        %swap3A_188 = tpu.vector_load %arg17[%swap3A] {strides = array<i32>} : memref<80xi32, #tpu.memory_space<vmem>>, vector<16xi32>,
        tpu.vector_store %arg17[%swap3A], %get3A_187 {strides = array<i32>} : memref<80xi32, #tpu.memory_space<vmem>>, vector<16xi32>,
        %get3A_189 = arith.constant 16 : index
        %get3A_190 = tpu.vector_load %arg11[%get3A_189] {strides = array<i32>} : memref<80xi32, #tpu.memory_space<vmem>>, vector<16xi32>,
        %swap3A_191 = arith.constant 16 : index
        %swap3A_192 = tpu.vector_load %arg17[%swap3A_191] {strides = array<i32>} : memref<80xi32, #tpu.memory_space<vmem>>, vector<16xi32>,
        tpu.vector_store %arg17[%swap3A_191], %get3A_190 {strides = array<i32>} : memref<80xi32, #tpu.memory_space<vmem>>, vector<16xi32>,
        %get3A_193 = arith.constant 32 : index
        %get3A_194 = tpu.vector_load %arg11[%get3A_193] {strides = array<i32>} : memref<80xi32, #tpu.memory_space<vmem>>, vector<16xi32>,
        %swap3A_195 = arith.constant 32 : index
        %swap3A_196 = tpu.vector_load %arg17[%swap3A_195] {strides = array<i32>} : memref<80xi32, #tpu.memory_space<vmem>>, vector<16xi32>,
        tpu.vector_store %arg17[%swap3A_195], %get3A_194 {strides = array<i32>} : memref<80xi32, #tpu.memory_space<vmem>>, vector<16xi32>,
        %get3A_197 = arith.constant 48 : index
        %get3A_198 = tpu.vector_load %arg11[%get3A_197] {strides = array<i32>} : memref<80xi32, #tpu.memory_space<vmem>>, vector<16xi32>,
        %swap3A_199 = arith.constant 48 : index
        %swap3A_200 = tpu.vector_load %arg17[%swap3A_199] {strides = array<i32>} : memref<80xi32, #tpu.memory_space<vmem>>, vector<16xi32>,
        tpu.vector_store %arg17[%swap3A_199], %get3A_198 {strides = array<i32>} : memref<80xi32, #tpu.memory_space<vmem>>, vector<16xi32>,
        %get3A_201 = arith.constant 64 : index
        %get3A_202 = tpu.vector_load %arg11[%get3A_201] {strides = array<i32>} : memref<80xi32, #tpu.memory_space<vmem>>, vector<16xi32>,
        %swap3A_203 = arith.constant 64 : index
        %swap3A_204 = tpu.vector_load %arg17[%swap3A_203] {strides = array<i32>} : memref<80xi32, #tpu.memory_space<vmem>>, vector<16xi32>,
        tpu.vector_store %arg17[%swap3A_203], %get3A_202 {strides = array<i32>} : memref<80xi32, #tpu.memory_space<vmem>>, vector<16xi32>,
      } else {
      }
      %eq3A_115 = arith.constant 1 : i32
      %eq3A_116 = arith.cmpi eq, %arg0, %eq3A_115 : i32
      %convert_element_type3A_117 = arith.extui %eq3A_116 : i1 to i32
      %cond3A_118 = arith.constant 0 : i32
      %cond3A_119 = arith.cmpi ne, %convert_element_type3A_117, %cond3A_118 : i32
      scf.if %cond3A_119 {
        %get3A = arith.constant 0 : index
        %get3A_187 = tpu.vector_load %arg12[%get3A] {strides = array<i32>} : memref<80xi32, #tpu.memory_space<vmem>>, vector<16xi32>,
        %swap3A = arith.constant 0 : index
        %swap3A_188 = tpu.vector_load %arg17[%swap3A] {strides = array<i32>} : memref<80xi32, #tpu.memory_space<vmem>>, vector<16xi32>,
        tpu.vector_store %arg17[%swap3A], %get3A_187 {strides = array<i32>} : memref<80xi32, #tpu.memory_space<vmem>>, vector<16xi32>,
        %get3A_189 = arith.constant 16 : index
        %get3A_190 = tpu.vector_load %arg12[%get3A_189] {strides = array<i32>} : memref<80xi32, #tpu.memory_space<vmem>>, vector<16xi32>,
        %swap3A_191 = arith.constant 16 : index
        %swap3A_192 = tpu.vector_load %arg17[%swap3A_191] {strides = array<i32>} : memref<80xi32, #tpu.memory_space<vmem>>, vector<16xi32>,
        tpu.vector_store %arg17[%swap3A_191], %get3A_190 {strides = array<i32>} : memref<80xi32, #tpu.memory_space<vmem>>, vector<16xi32>,
        %get3A_193 = arith.constant 32 : index
        %get3A_194 = tpu.vector_load %arg12[%get3A_193] {strides = array<i32>} : memref<80xi32, #tpu.memory_space<vmem>>, vector<16xi32>,
        %swap3A_195 = arith.constant 32 : index
        %swap3A_196 = tpu.vector_load %arg17[%swap3A_195] {strides = array<i32>} : memref<80xi32, #tpu.memory_space<vmem>>, vector<16xi32>,
        tpu.vector_store %arg17[%swap3A_195], %get3A_194 {strides = array<i32>} : memref<80xi32, #tpu.memory_space<vmem>>, vector<16xi32>,
        %get3A_197 = arith.constant 48 : index
        %get3A_198 = tpu.vector_load %arg12[%get3A_197] {strides = array<i32>} : memref<80xi32, #tpu.memory_space<vmem>>, vector<16xi32>,
        %swap3A_199 = arith.constant 48 : index
        %swap3A_200 = tpu.vector_load %arg17[%swap3A_199] {strides = array<i32>} : memref<80xi32, #tpu.memory_space<vmem>>, vector<16xi32>,
        tpu.vector_store %arg17[%swap3A_199], %get3A_198 {strides = array<i32>} : memref<80xi32, #tpu.memory_space<vmem>>, vector<16xi32>,
        %get3A_201 = arith.constant 64 : index
        %get3A_202 = tpu.vector_load %arg12[%get3A_201] {strides = array<i32>} : memref<80xi32, #tpu.memory_space<vmem>>, vector<16xi32>,
        %swap3A_203 = arith.constant 64 : index
        %swap3A_204 = tpu.vector_load %arg17[%swap3A_203] {strides = array<i32>} : memref<80xi32, #tpu.memory_space<vmem>>, vector<16xi32>,
        tpu.vector_store %arg17[%swap3A_203], %get3A_202 {strides = array<i32>} : memref<80xi32, #tpu.memory_space<vmem>>, vector<16xi32>,
      } else {
      }
      %add3A_120 = arith.constant 1 : i32
      %add3A_121 = arith.addi %add3A_99, %add3A_120 : i32
      %lt3A = arith.constant 250 : i32
      %lt3A_122 = arith.cmpi slt, %add3A_121, %lt3A : i32
      %convert_element_type3A_123 = arith.extui %lt3A_122 : i1 to i32
      %cond3A_124 = arith.constant 0 : i32
      %cond3A_125 = arith.cmpi ne, %convert_element_type3A_123, %cond3A_124 : i32
      scf.if %cond3A_125 {
        %add3A_187 = arith.constant 1 : i32
        %add3A_188 = arith.addi %add3A_99, %add3A_187 : i32
        %mul3A_189 = arith.constant 80 : i32
        %mul3A_190 = arith.muli %add3A_188, %mul3A_189 : i32
        %add3A_191 = arith.addi %mul3A_1, %mul3A_190 : i32
        %dma_wait3A_192 = tpu.memref_slice %arg2[%add3A_191] : memref<320000xi32, #tpu.memory_space<hbm>> -> memref<80xi32, #tpu.memory_space<hbm>>
        %dma_wait3A_193 = tpu.memref_slice %arg2[%add3A_191] : memref<320000xi32, #tpu.memory_space<hbm>> -> memref<80xi32, #tpu.memory_space<hbm>>
        tpu.wait_dma2 semaphore(%arg27 : memref<!tpu.dma_semaphore, #tpu.memory_space<semaphore_mem>>) src(%dma_wait3A_193 : memref<80xi32, #tpu.memory_space<hbm>>) dst(%arg14 : memref<80xi32, #tpu.memory_space<vmem>>)
        %dma_wait3A_194 = tpu.memref_slice %arg3[%add3A_191] : memref<320000xi32, #tpu.memory_space<hbm>> -> memref<80xi32, #tpu.memory_space<hbm>>
        %dma_wait3A_195 = tpu.memref_slice %arg3[%add3A_191] : memref<320000xi32, #tpu.memory_space<hbm>> -> memref<80xi32, #tpu.memory_space<hbm>>
        tpu.wait_dma2 semaphore(%arg27 : memref<!tpu.dma_semaphore, #tpu.memory_space<semaphore_mem>>) src(%dma_wait3A_195 : memref<80xi32, #tpu.memory_space<hbm>>) dst(%arg15 : memref<80xi32, #tpu.memory_space<vmem>>)
        %dma_wait3A_196 = tpu.memref_slice %arg4[%add3A_191] : memref<320000xi32, #tpu.memory_space<hbm>> -> memref<80xi32, #tpu.memory_space<hbm>>
        %dma_wait3A_197 = tpu.memref_slice %arg4[%add3A_191] : memref<320000xi32, #tpu.memory_space<hbm>> -> memref<80xi32, #tpu.memory_space<hbm>>
        tpu.wait_dma2 semaphore(%arg27 : memref<!tpu.dma_semaphore, #tpu.memory_space<semaphore_mem>>) src(%dma_wait3A_197 : memref<80xi32, #tpu.memory_space<hbm>>) dst(%arg16 : memref<80xi32, #tpu.memory_space<vmem>>)
        %dma_wait3A_198 = arith.constant 0 : i32
        %dma_wait3A_199 = tpu.memref_slice %arg24[%dma_wait3A_198] : memref<96xf32, #tpu.memory_space<vmem>> -> memref<80xf32, #tpu.memory_space<vmem>>
        %dma_wait3A_200 = tpu.memref_slice %arg5[%add3A_191] : memref<320000xf32, #tpu.memory_space<hbm>> -> memref<80xf32, #tpu.memory_space<hbm>>
        %dma_wait3A_201 = arith.constant 0 : i32
        %dma_wait3A_202 = tpu.memref_slice %arg24[%dma_wait3A_201] : memref<96xf32, #tpu.memory_space<vmem>> -> memref<80xf32, #tpu.memory_space<vmem>>
        %dma_wait3A_203 = tpu.memref_slice %arg5[%add3A_191] : memref<320000xf32, #tpu.memory_space<hbm>> -> memref<80xf32, #tpu.memory_space<hbm>>
        tpu.wait_dma2 semaphore(%arg27 : memref<!tpu.dma_semaphore, #tpu.memory_space<semaphore_mem>>) src(%dma_wait3A_203 : memref<80xf32, #tpu.memory_space<hbm>>) dst(%dma_wait3A_202 : memref<80xf32, #tpu.memory_space<vmem>>)
        %ge3A = arith.constant 1 : i32
        %ge3A_204 = arith.cmpi sge, %add3A_99, %ge3A : i32
        %convert_element_type3A_205 = arith.extui %ge3A_204 : i1 to i32
        %cond3A_206 = arith.constant 0 : i32
        %cond3A_207 = arith.cmpi ne, %convert_element_type3A_205, %cond3A_206 : i32
        scf.if %cond3A_207 {
          %dma_wait3A_218 = arith.constant 0 : i32
          %dma_wait3A_219 = arith.constant 0 : i32
          %dma_wait3A_220 = tpu.memref_slice %arg25[%dma_wait3A_218, %dma_wait3A_219] : memref<10000x128xf32, #tpu.memory_space<vmem_shared>> -> memref<10000x128xf32, #tpu.memory_space<vmem_shared>>
          tpu.wait_indirect_dma semaphore(%arg31 : memref<!tpu.dma_semaphore, #tpu.memory_space<semaphore_mem>>) src(%arg21 : memref<80x128xf32, #tpu.memory_space<vmem>>) dst(%dma_wait3A_220 : memref<10000x128xf32, #tpu.memory_space<vmem_shared>>)
        } else {
        }
        %eq3A_208 = arith.constant 0 : i32
        %eq3A_209 = arith.cmpi eq, %arg0, %eq3A_208 : i32
        %convert_element_type3A_210 = arith.extui %eq3A_209 : i1 to i32
        %cond3A_211 = arith.constant 0 : i32
        %cond3A_212 = arith.cmpi ne, %convert_element_type3A_210, %cond3A_211 : i32
        scf.if %cond3A_212 {
          %dma_start3A_218 = arith.constant 0 : i32
          %dma_start3A_219 = arith.constant 0 : i32
          %dma_start3A_220 = tpu.memref_slice %arg7[%dma_start3A_218, %dma_start3A_219] : memref<10000x128xf32, #tpu.memory_space<hbm>> -> memref<10000x128xf32, #tpu.memory_space<hbm>>
          tpu.enqueue_indirect_dma source(%dma_start3A_220 : memref<10000x128xf32, #tpu.memory_space<hbm>>) target(%arg21 : memref<80x128xf32, #tpu.memory_space<vmem>>) offsets(%arg15 : memref<80xi32, #tpu.memory_space<vmem>>) semaphore(%arg29 : memref<!tpu.dma_semaphore, #tpu.memory_space<semaphore_mem>>)
          %dma_start3A_221 = arith.constant 0 : i32
          %dma_start3A_222 = arith.constant 0 : i32
          %dma_start3A_223 = tpu.memref_slice %arg8[%dma_start3A_221, %dma_start3A_222] : memref<10000x128xf32, #tpu.memory_space<hbm>> -> memref<10000x128xf32, #tpu.memory_space<hbm>>
          tpu.enqueue_indirect_dma source(%dma_start3A_223 : memref<10000x128xf32, #tpu.memory_space<hbm>>) target(%arg22 : memref<80x128xf32, #tpu.memory_space<vmem>>) offsets(%arg16 : memref<80xi32, #tpu.memory_space<vmem>>) semaphore(%arg29 : memref<!tpu.dma_semaphore, #tpu.memory_space<semaphore_mem>>)
        } else {
        }
        %eq3A_213 = arith.constant 1 : i32
        %eq3A_214 = arith.cmpi eq, %arg0, %eq3A_213 : i32
        %convert_element_type3A_215 = arith.extui %eq3A_214 : i1 to i32
        %cond3A_216 = arith.constant 0 : i32
        %cond3A_217 = arith.cmpi ne, %convert_element_type3A_215, %cond3A_216 : i32
        scf.if %cond3A_217 {
          %dma_start3A_218 = arith.constant 0 : i32
          %dma_start3A_219 = arith.constant 0 : i32
          %dma_start3A_220 = tpu.memref_slice %arg6[%dma_start3A_218, %dma_start3A_219] : memref<10000x128xf32, #tpu.memory_space<hbm>> -> memref<10000x128xf32, #tpu.memory_space<hbm>>
          tpu.enqueue_indirect_dma source(%dma_start3A_220 : memref<10000x128xf32, #tpu.memory_space<hbm>>) target(%arg21 : memref<80x128xf32, #tpu.memory_space<vmem>>) offsets(%arg14 : memref<80xi32, #tpu.memory_space<vmem>>) semaphore(%arg29 : memref<!tpu.dma_semaphore, #tpu.memory_space<semaphore_mem>>)
          %dma_start3A_221 = arith.constant 0 : i32
          %dma_start3A_222 = arith.constant 0 : i32
          %dma_start3A_223 = tpu.memref_slice %arg8[%dma_start3A_221, %dma_start3A_222] : memref<10000x128xf32, #tpu.memory_space<hbm>> -> memref<10000x128xf32, #tpu.memory_space<hbm>>
          tpu.enqueue_indirect_dma source(%dma_start3A_223 : memref<10000x128xf32, #tpu.memory_space<hbm>>) target(%arg22 : memref<80x128xf32, #tpu.memory_space<vmem>>) offsets(%arg16 : memref<80xi32, #tpu.memory_space<vmem>>) semaphore(%arg29 : memref<!tpu.dma_semaphore, #tpu.memory_space<semaphore_mem>>)
        } else {
        }
      } else {
      }
      %scan3A_126 = arith.constant 0 : i32
      %scan3A_127 = arith.constant 80 : i32
      %scan3A_128 = arith.addi %scan3A_126, %scan3A_127 : i32
      %scan3A_129 = arith.constant 1 : i32
      scf.for %scan3A_187 = %scan3A_126 to %scan3A_128 step %scan3A_129  : i32 {
        %mul3A_188 = arith.constant 1 : i32
        %mul3A_189 = arith.muli %scan3A_187, %mul3A_188 : i32
        %add3A_190 = arith.constant 0 : i32
        %add3A_191 = arith.addi %add3A_190, %mul3A_189 : i32
        %get3A = arith.index_cast %add3A_191 : i32 to index
        %get3A_192 = tpu.vector_load %arg23[%get3A] {strides = array<i32>} : memref<96xf32, #tpu.memory_space<vmem>>, vector<16xf32>,
        %slice3A = vector.extract_strided_slice %get3A_192 {offsets = [0], sizes = [1], strides = [1]} : vector<16xf32> to vector<1xf32>
        %squeeze3A = vector.extract %slice3A[0] : f32 from vector<1xf32>
        %get3A_193 = arith.index_cast %add3A_191 : i32 to index
        %get3A_194 = arith.constant 0 : index
        %get3A_195 = tpu.vector_load %arg19[%get3A_193, %get3A_194] {strides = array<i32>} : memref<80x128xf32, #tpu.memory_space<vmem>>, vector<16xf32>,
        %get3A_196 = arith.index_cast %add3A_191 : i32 to index
        %get3A_197 = arith.constant 0 : index
        %get3A_198 = tpu.vector_load %arg20[%get3A_196, %get3A_197] {strides = array<i32>} : memref<80x128xf32, #tpu.memory_space<vmem>>, vector<16xf32>,
        %add3A_199 = arith.addf %get3A_195, %get3A_198 : vector<16xf32>
        %mul3A_200 = vector.broadcast %squeeze3A : f32 to vector<16xf32>
        %mul3A_201 = arith.mulf %add3A_199, %mul3A_200 : vector<16xf32>
        %swap3A = arith.index_cast %add3A_191 : i32 to index
        %swap3A_202 = arith.constant 0 : index
        %swap3A_203 = tpu.vector_load %arg19[%swap3A, %swap3A_202] {strides = array<i32>} : memref<80x128xf32, #tpu.memory_space<vmem>>, vector<16xf32>,
        tpu.vector_store %arg19[%swap3A, %swap3A_202], %mul3A_201 {strides = array<i32>} : memref<80x128xf32, #tpu.memory_space<vmem>>, vector<16xf32>,
        %get3A_204 = arith.index_cast %add3A_191 : i32 to index
        %get3A_205 = arith.constant 16 : index
        %get3A_206 = tpu.vector_load %arg19[%get3A_204, %get3A_205] {strides = array<i32>} : memref<80x128xf32, #tpu.memory_space<vmem>>, vector<16xf32>,
        %get3A_207 = arith.index_cast %add3A_191 : i32 to index
        %get3A_208 = arith.constant 16 : index
        %get3A_209 = tpu.vector_load %arg20[%get3A_207, %get3A_208] {strides = array<i32>} : memref<80x128xf32, #tpu.memory_space<vmem>>, vector<16xf32>,
        %add3A_210 = arith.addf %get3A_206, %get3A_209 : vector<16xf32>
        %mul3A_211 = vector.broadcast %squeeze3A : f32 to vector<16xf32>
        %mul3A_212 = arith.mulf %add3A_210, %mul3A_211 : vector<16xf32>
        %swap3A_213 = arith.index_cast %add3A_191 : i32 to index
        %swap3A_214 = arith.constant 16 : index
        %swap3A_215 = tpu.vector_load %arg19[%swap3A_213, %swap3A_214] {strides = array<i32>} : memref<80x128xf32, #tpu.memory_space<vmem>>, vector<16xf32>,
        tpu.vector_store %arg19[%swap3A_213, %swap3A_214], %mul3A_212 {strides = array<i32>} : memref<80x128xf32, #tpu.memory_space<vmem>>, vector<16xf32>,
        %get3A_216 = arith.index_cast %add3A_191 : i32 to index
        %get3A_217 = arith.constant 32 : index
        %get3A_218 = tpu.vector_load %arg19[%get3A_216, %get3A_217] {strides = array<i32>} : memref<80x128xf32, #tpu.memory_space<vmem>>, vector<16xf32>,
        %get3A_219 = arith.index_cast %add3A_191 : i32 to index
        %get3A_220 = arith.constant 32 : index
        %get3A_221 = tpu.vector_load %arg20[%get3A_219, %get3A_220] {strides = array<i32>} : memref<80x128xf32, #tpu.memory_space<vmem>>, vector<16xf32>,
        %add3A_222 = arith.addf %get3A_218, %get3A_221 : vector<16xf32>
        %mul3A_223 = vector.broadcast %squeeze3A : f32 to vector<16xf32>
        %mul3A_224 = arith.mulf %add3A_222, %mul3A_223 : vector<16xf32>
        %swap3A_225 = arith.index_cast %add3A_191 : i32 to index
        %swap3A_226 = arith.constant 32 : index
        %swap3A_227 = tpu.vector_load %arg19[%swap3A_225, %swap3A_226] {strides = array<i32>} : memref<80x128xf32, #tpu.memory_space<vmem>>, vector<16xf32>,
        tpu.vector_store %arg19[%swap3A_225, %swap3A_226], %mul3A_224 {strides = array<i32>} : memref<80x128xf32, #tpu.memory_space<vmem>>, vector<16xf32>,
        %get3A_228 = arith.index_cast %add3A_191 : i32 to index
        %get3A_229 = arith.constant 48 : index
        %get3A_230 = tpu.vector_load %arg19[%get3A_228, %get3A_229] {strides = array<i32>} : memref<80x128xf32, #tpu.memory_space<vmem>>, vector<16xf32>,
        %get3A_231 = arith.index_cast %add3A_191 : i32 to index
        %get3A_232 = arith.constant 48 : index
        %get3A_233 = tpu.vector_load %arg20[%get3A_231, %get3A_232] {strides = array<i32>} : memref<80x128xf32, #tpu.memory_space<vmem>>, vector<16xf32>,
        %add3A_234 = arith.addf %get3A_230, %get3A_233 : vector<16xf32>
        %mul3A_235 = vector.broadcast %squeeze3A : f32 to vector<16xf32>
        %mul3A_236 = arith.mulf %add3A_234, %mul3A_235 : vector<16xf32>
        %swap3A_237 = arith.index_cast %add3A_191 : i32 to index
        %swap3A_238 = arith.constant 48 : index
        %swap3A_239 = tpu.vector_load %arg19[%swap3A_237, %swap3A_238] {strides = array<i32>} : memref<80x128xf32, #tpu.memory_space<vmem>>, vector<16xf32>,
        tpu.vector_store %arg19[%swap3A_237, %swap3A_238], %mul3A_236 {strides = array<i32>} : memref<80x128xf32, #tpu.memory_space<vmem>>, vector<16xf32>,
        %get3A_240 = arith.index_cast %add3A_191 : i32 to index
        %get3A_241 = arith.constant 64 : index
        %get3A_242 = tpu.vector_load %arg19[%get3A_240, %get3A_241] {strides = array<i32>} : memref<80x128xf32, #tpu.memory_space<vmem>>, vector<16xf32>,
        %get3A_243 = arith.index_cast %add3A_191 : i32 to index
        %get3A_244 = arith.constant 64 : index
        %get3A_245 = tpu.vector_load %arg20[%get3A_243, %get3A_244] {strides = array<i32>} : memref<80x128xf32, #tpu.memory_space<vmem>>, vector<16xf32>,
        %add3A_246 = arith.addf %get3A_242, %get3A_245 : vector<16xf32>
        %mul3A_247 = vector.broadcast %squeeze3A : f32 to vector<16xf32>
        %mul3A_248 = arith.mulf %add3A_246, %mul3A_247 : vector<16xf32>
        %swap3A_249 = arith.index_cast %add3A_191 : i32 to index
        %swap3A_250 = arith.constant 64 : index
        %swap3A_251 = tpu.vector_load %arg19[%swap3A_249, %swap3A_250] {strides = array<i32>} : memref<80x128xf32, #tpu.memory_space<vmem>>, vector<16xf32>,
        tpu.vector_store %arg19[%swap3A_249, %swap3A_250], %mul3A_248 {strides = array<i32>} : memref<80x128xf32, #tpu.memory_space<vmem>>, vector<16xf32>,
        %get3A_252 = arith.index_cast %add3A_191 : i32 to index
        %get3A_253 = arith.constant 80 : index
        %get3A_254 = tpu.vector_load %arg19[%get3A_252, %get3A_253] {strides = array<i32>} : memref<80x128xf32, #tpu.memory_space<vmem>>, vector<16xf32>,
        %get3A_255 = arith.index_cast %add3A_191 : i32 to index
        %get3A_256 = arith.constant 80 : index
        %get3A_257 = tpu.vector_load %arg20[%get3A_255, %get3A_256] {strides = array<i32>} : memref<80x128xf32, #tpu.memory_space<vmem>>, vector<16xf32>,
        %add3A_258 = arith.addf %get3A_254, %get3A_257 : vector<16xf32>
        %mul3A_259 = vector.broadcast %squeeze3A : f32 to vector<16xf32>
        %mul3A_260 = arith.mulf %add3A_258, %mul3A_259 : vector<16xf32>
        %swap3A_261 = arith.index_cast %add3A_191 : i32 to index
        %swap3A_262 = arith.constant 80 : index
        %swap3A_263 = tpu.vector_load %arg19[%swap3A_261, %swap3A_262] {strides = array<i32>} : memref<80x128xf32, #tpu.memory_space<vmem>>, vector<16xf32>,
        tpu.vector_store %arg19[%swap3A_261, %swap3A_262], %mul3A_260 {strides = array<i32>} : memref<80x128xf32, #tpu.memory_space<vmem>>, vector<16xf32>,
        %get3A_264 = arith.index_cast %add3A_191 : i32 to index
        %get3A_265 = arith.constant 96 : index
        %get3A_266 = tpu.vector_load %arg19[%get3A_264, %get3A_265] {strides = array<i32>} : memref<80x128xf32, #tpu.memory_space<vmem>>, vector<16xf32>,
        %get3A_267 = arith.index_cast %add3A_191 : i32 to index
        %get3A_268 = arith.constant 96 : index
        %get3A_269 = tpu.vector_load %arg20[%get3A_267, %get3A_268] {strides = array<i32>} : memref<80x128xf32, #tpu.memory_space<vmem>>, vector<16xf32>,
        %add3A_270 = arith.addf %get3A_266, %get3A_269 : vector<16xf32>
        %mul3A_271 = vector.broadcast %squeeze3A : f32 to vector<16xf32>
        %mul3A_272 = arith.mulf %add3A_270, %mul3A_271 : vector<16xf32>
        %swap3A_273 = arith.index_cast %add3A_191 : i32 to index
        %swap3A_274 = arith.constant 96 : index
        %swap3A_275 = tpu.vector_load %arg19[%swap3A_273, %swap3A_274] {strides = array<i32>} : memref<80x128xf32, #tpu.memory_space<vmem>>, vector<16xf32>,
        tpu.vector_store %arg19[%swap3A_273, %swap3A_274], %mul3A_272 {strides = array<i32>} : memref<80x128xf32, #tpu.memory_space<vmem>>, vector<16xf32>,
        %get3A_276 = arith.index_cast %add3A_191 : i32 to index
        %get3A_277 = arith.constant 112 : index
        %get3A_278 = tpu.vector_load %arg19[%get3A_276, %get3A_277] {strides = array<i32>} : memref<80x128xf32, #tpu.memory_space<vmem>>, vector<16xf32>,
        %get3A_279 = arith.index_cast %add3A_191 : i32 to index
        %get3A_280 = arith.constant 112 : index
        %get3A_281 = tpu.vector_load %arg20[%get3A_279, %get3A_280] {strides = array<i32>} : memref<80x128xf32, #tpu.memory_space<vmem>>, vector<16xf32>,
        %add3A_282 = arith.addf %get3A_278, %get3A_281 : vector<16xf32>
        %mul3A_283 = vector.broadcast %squeeze3A : f32 to vector<16xf32>
        %mul3A_284 = arith.mulf %add3A_282, %mul3A_283 : vector<16xf32>
        %swap3A_285 = arith.index_cast %add3A_191 : i32 to index
        %swap3A_286 = arith.constant 112 : index
        %swap3A_287 = tpu.vector_load %arg19[%swap3A_285, %swap3A_286] {strides = array<i32>} : memref<80x128xf32, #tpu.memory_space<vmem>>, vector<16xf32>,
        tpu.vector_store %arg19[%swap3A_285, %swap3A_286], %mul3A_284 {strides = array<i32>} : memref<80x128xf32, #tpu.memory_space<vmem>>, vector<16xf32>,
      }
      %scan3A_130 = arith.constant 80 : i32
      %add3A_131 = arith.constant 2 : i32
      %add3A_132 = arith.addi %add3A_99, %add3A_131 : i32
      %lt3A_133 = arith.constant 250 : i32
      %lt3A_134 = arith.cmpi slt, %add3A_132, %lt3A_133 : i32
      %convert_element_type3A_135 = arith.extui %lt3A_134 : i1 to i32
      %cond3A_136 = arith.constant 0 : i32
      %cond3A_137 = arith.cmpi ne, %convert_element_type3A_135, %cond3A_136 : i32
      scf.if %cond3A_137 {
        %add3A_187 = arith.constant 2 : i32
        %add3A_188 = arith.addi %add3A_99, %add3A_187 : i32
        %mul3A_189 = arith.constant 80 : i32
        %mul3A_190 = arith.muli %add3A_188, %mul3A_189 : i32
        %add3A_191 = arith.addi %mul3A_1, %mul3A_190 : i32
        %dma_start3A_192 = tpu.memref_slice %arg2[%add3A_191] : memref<320000xi32, #tpu.memory_space<hbm>> -> memref<80xi32, #tpu.memory_space<hbm>>
        %dma_start3A_193 = tpu.memref_slice %arg2[%add3A_191] : memref<320000xi32, #tpu.memory_space<hbm>> -> memref<80xi32, #tpu.memory_space<hbm>>
        tpu.enqueue_dma source(%dma_start3A_193 : memref<80xi32, #tpu.memory_space<hbm>>) target(%arg11 : memref<80xi32, #tpu.memory_space<vmem>>) target_semaphore(%arg26 : memref<!tpu.dma_semaphore, #tpu.memory_space<semaphore_mem>>)
        %dma_start3A_194 = tpu.memref_slice %arg3[%add3A_191] : memref<320000xi32, #tpu.memory_space<hbm>> -> memref<80xi32, #tpu.memory_space<hbm>>
        %dma_start3A_195 = tpu.memref_slice %arg3[%add3A_191] : memref<320000xi32, #tpu.memory_space<hbm>> -> memref<80xi32, #tpu.memory_space<hbm>>
        tpu.enqueue_dma source(%dma_start3A_195 : memref<80xi32, #tpu.memory_space<hbm>>) target(%arg12 : memref<80xi32, #tpu.memory_space<vmem>>) target_semaphore(%arg26 : memref<!tpu.dma_semaphore, #tpu.memory_space<semaphore_mem>>)
        %dma_start3A_196 = tpu.memref_slice %arg4[%add3A_191] : memref<320000xi32, #tpu.memory_space<hbm>> -> memref<80xi32, #tpu.memory_space<hbm>>
        %dma_start3A_197 = tpu.memref_slice %arg4[%add3A_191] : memref<320000xi32, #tpu.memory_space<hbm>> -> memref<80xi32, #tpu.memory_space<hbm>>
        tpu.enqueue_dma source(%dma_start3A_197 : memref<80xi32, #tpu.memory_space<hbm>>) target(%arg13 : memref<80xi32, #tpu.memory_space<vmem>>) target_semaphore(%arg26 : memref<!tpu.dma_semaphore, #tpu.memory_space<semaphore_mem>>)
        %dma_start3A_198 = arith.constant 0 : i32
        %dma_start3A_199 = tpu.memref_slice %arg23[%dma_start3A_198] : memref<96xf32, #tpu.memory_space<vmem>> -> memref<80xf32, #tpu.memory_space<vmem>>
        %dma_start3A_200 = tpu.memref_slice %arg5[%add3A_191] : memref<320000xf32, #tpu.memory_space<hbm>> -> memref<80xf32, #tpu.memory_space<hbm>>
        %dma_start3A_201 = arith.constant 0 : i32
        %dma_start3A_202 = tpu.memref_slice %arg23[%dma_start3A_201] : memref<96xf32, #tpu.memory_space<vmem>> -> memref<80xf32, #tpu.memory_space<vmem>>
        %dma_start3A_203 = tpu.memref_slice %arg5[%add3A_191] : memref<320000xf32, #tpu.memory_space<hbm>> -> memref<80xf32, #tpu.memory_space<hbm>>
        tpu.enqueue_dma source(%dma_start3A_203 : memref<80xf32, #tpu.memory_space<hbm>>) target(%dma_start3A_202 : memref<80xf32, #tpu.memory_space<vmem>>) target_semaphore(%arg26 : memref<!tpu.dma_semaphore, #tpu.memory_space<semaphore_mem>>)
      } else {
      }
      %dma_start3A_138 = arith.constant 0 : i32
      %dma_start3A_139 = arith.constant 0 : i32
      %dma_start3A_140 = tpu.memref_slice %arg25[%dma_start3A_138, %dma_start3A_139] : memref<10000x128xf32, #tpu.memory_space<vmem_shared>> -> memref<10000x128xf32, #tpu.memory_space<vmem_shared>>
      tpu.enqueue_indirect_dma source(%arg19 : memref<80x128xf32, #tpu.memory_space<vmem>>) target(%dma_start3A_140 : memref<10000x128xf32, #tpu.memory_space<vmem_shared>>) offsets(%arg17 : memref<80xi32, #tpu.memory_space<vmem>>) semaphore(%arg30 : memref<!tpu.dma_semaphore, #tpu.memory_space<semaphore_mem>>) {add = true}
      %mul3A_141 = arith.constant 2 : i32
      %mul3A_142 = arith.muli %add3A_95, %mul3A_141 : i32
      %add3A_143 = arith.constant 1 : i32
      %add3A_144 = arith.addi %mul3A_142, %add3A_143 : i32
      %eq3A_145 = arith.constant 0 : i32
      %eq3A_146 = arith.cmpi eq, %arg0, %eq3A_145 : i32
      %convert_element_type3A_147 = arith.extui %eq3A_146 : i1 to i32
      %cond3A_148 = arith.constant 0 : i32
      %cond3A_149 = arith.cmpi ne, %convert_element_type3A_147, %cond3A_148 : i32
      scf.if %cond3A_149 {
        %dma_wait3A_187 = arith.constant 0 : i32
        %dma_wait3A_188 = arith.constant 0 : i32
        %dma_wait3A_189 = tpu.memref_slice %arg7[%dma_wait3A_187, %dma_wait3A_188] : memref<10000x128xf32, #tpu.memory_space<hbm>> -> memref<10000x128xf32, #tpu.memory_space<hbm>>
        tpu.wait_indirect_dma semaphore(%arg29 : memref<!tpu.dma_semaphore, #tpu.memory_space<semaphore_mem>>) src(%dma_wait3A_189 : memref<10000x128xf32, #tpu.memory_space<hbm>>) dst(%arg21 : memref<80x128xf32, #tpu.memory_space<vmem>>)
        %dma_wait3A_190 = arith.constant 0 : i32
        %dma_wait3A_191 = arith.constant 0 : i32
        %dma_wait3A_192 = tpu.memref_slice %arg8[%dma_wait3A_190, %dma_wait3A_191] : memref<10000x128xf32, #tpu.memory_space<hbm>> -> memref<10000x128xf32, #tpu.memory_space<hbm>>
        tpu.wait_indirect_dma semaphore(%arg29 : memref<!tpu.dma_semaphore, #tpu.memory_space<semaphore_mem>>) src(%dma_wait3A_192 : memref<10000x128xf32, #tpu.memory_space<hbm>>) dst(%arg22 : memref<80x128xf32, #tpu.memory_space<vmem>>)
      } else {
      }
      %eq3A_150 = arith.constant 1 : i32
      %eq3A_151 = arith.cmpi eq, %arg0, %eq3A_150 : i32
      %convert_element_type3A_152 = arith.extui %eq3A_151 : i1 to i32
      %cond3A_153 = arith.constant 0 : i32
      %cond3A_154 = arith.cmpi ne, %convert_element_type3A_152, %cond3A_153 : i32
      scf.if %cond3A_154 {
        %dma_wait3A_187 = arith.constant 0 : i32
        %dma_wait3A_188 = arith.constant 0 : i32
        %dma_wait3A_189 = tpu.memref_slice %arg6[%dma_wait3A_187, %dma_wait3A_188] : memref<10000x128xf32, #tpu.memory_space<hbm>> -> memref<10000x128xf32, #tpu.memory_space<hbm>>
        tpu.wait_indirect_dma semaphore(%arg29 : memref<!tpu.dma_semaphore, #tpu.memory_space<semaphore_mem>>) src(%dma_wait3A_189 : memref<10000x128xf32, #tpu.memory_space<hbm>>) dst(%arg21 : memref<80x128xf32, #tpu.memory_space<vmem>>)
        %dma_wait3A_190 = arith.constant 0 : i32
        %dma_wait3A_191 = arith.constant 0 : i32
        %dma_wait3A_192 = tpu.memref_slice %arg8[%dma_wait3A_190, %dma_wait3A_191] : memref<10000x128xf32, #tpu.memory_space<hbm>> -> memref<10000x128xf32, #tpu.memory_space<hbm>>
        tpu.wait_indirect_dma semaphore(%arg29 : memref<!tpu.dma_semaphore, #tpu.memory_space<semaphore_mem>>) src(%dma_wait3A_192 : memref<10000x128xf32, #tpu.memory_space<hbm>>) dst(%arg22 : memref<80x128xf32, #tpu.memory_space<vmem>>)
      } else {
      }
      %eq3A_155 = arith.constant 0 : i32
      %eq3A_156 = arith.cmpi eq, %arg0, %eq3A_155 : i32
      %convert_element_type3A_157 = arith.extui %eq3A_156 : i1 to i32
      %cond3A_158 = arith.constant 0 : i32
      %cond3A_159 = arith.cmpi ne, %convert_element_type3A_157, %cond3A_158 : i32
      scf.if %cond3A_159 {
        %get3A = arith.constant 0 : index
        %get3A_187 = tpu.vector_load %arg14[%get3A] {strides = array<i32>} : memref<80xi32, #tpu.memory_space<vmem>>, vector<16xi32>,
        %swap3A = arith.constant 0 : index
        %swap3A_188 = tpu.vector_load %arg18[%swap3A] {strides = array<i32>} : memref<80xi32, #tpu.memory_space<vmem>>, vector<16xi32>,
        tpu.vector_store %arg18[%swap3A], %get3A_187 {strides = array<i32>} : memref<80xi32, #tpu.memory_space<vmem>>, vector<16xi32>,
        %get3A_189 = arith.constant 16 : index
        %get3A_190 = tpu.vector_load %arg14[%get3A_189] {strides = array<i32>} : memref<80xi32, #tpu.memory_space<vmem>>, vector<16xi32>,
        %swap3A_191 = arith.constant 16 : index
        %swap3A_192 = tpu.vector_load %arg18[%swap3A_191] {strides = array<i32>} : memref<80xi32, #tpu.memory_space<vmem>>, vector<16xi32>,
        tpu.vector_store %arg18[%swap3A_191], %get3A_190 {strides = array<i32>} : memref<80xi32, #tpu.memory_space<vmem>>, vector<16xi32>,
        %get3A_193 = arith.constant 32 : index
        %get3A_194 = tpu.vector_load %arg14[%get3A_193] {strides = array<i32>} : memref<80xi32, #tpu.memory_space<vmem>>, vector<16xi32>,
        %swap3A_195 = arith.constant 32 : index
        %swap3A_196 = tpu.vector_load %arg18[%swap3A_195] {strides = array<i32>} : memref<80xi32, #tpu.memory_space<vmem>>, vector<16xi32>,
        tpu.vector_store %arg18[%swap3A_195], %get3A_194 {strides = array<i32>} : memref<80xi32, #tpu.memory_space<vmem>>, vector<16xi32>,
        %get3A_197 = arith.constant 48 : index
        %get3A_198 = tpu.vector_load %arg14[%get3A_197] {strides = array<i32>} : memref<80xi32, #tpu.memory_space<vmem>>, vector<16xi32>,
        %swap3A_199 = arith.constant 48 : index
        %swap3A_200 = tpu.vector_load %arg18[%swap3A_199] {strides = array<i32>} : memref<80xi32, #tpu.memory_space<vmem>>, vector<16xi32>,
        tpu.vector_store %arg18[%swap3A_199], %get3A_198 {strides = array<i32>} : memref<80xi32, #tpu.memory_space<vmem>>, vector<16xi32>,
        %get3A_201 = arith.constant 64 : index
        %get3A_202 = tpu.vector_load %arg14[%get3A_201] {strides = array<i32>} : memref<80xi32, #tpu.memory_space<vmem>>, vector<16xi32>,
        %swap3A_203 = arith.constant 64 : index
        %swap3A_204 = tpu.vector_load %arg18[%swap3A_203] {strides = array<i32>} : memref<80xi32, #tpu.memory_space<vmem>>, vector<16xi32>,
        tpu.vector_store %arg18[%swap3A_203], %get3A_202 {strides = array<i32>} : memref<80xi32, #tpu.memory_space<vmem>>, vector<16xi32>,
      } else {
      }
      %eq3A_160 = arith.constant 1 : i32
      %eq3A_161 = arith.cmpi eq, %arg0, %eq3A_160 : i32
      %convert_element_type3A_162 = arith.extui %eq3A_161 : i1 to i32
      %cond3A_163 = arith.constant 0 : i32
      %cond3A_164 = arith.cmpi ne, %convert_element_type3A_162, %cond3A_163 : i32
      scf.if %cond3A_164 {
        %get3A = arith.constant 0 : index
        %get3A_187 = tpu.vector_load %arg15[%get3A] {strides = array<i32>} : memref<80xi32, #tpu.memory_space<vmem>>, vector<16xi32>,
        %swap3A = arith.constant 0 : index
        %swap3A_188 = tpu.vector_load %arg18[%swap3A] {strides = array<i32>} : memref<80xi32, #tpu.memory_space<vmem>>, vector<16xi32>,
        tpu.vector_store %arg18[%swap3A], %get3A_187 {strides = array<i32>} : memref<80xi32, #tpu.memory_space<vmem>>, vector<16xi32>,
        %get3A_189 = arith.constant 16 : index
        %get3A_190 = tpu.vector_load %arg15[%get3A_189] {strides = array<i32>} : memref<80xi32, #tpu.memory_space<vmem>>, vector<16xi32>,
        %swap3A_191 = arith.constant 16 : index
        %swap3A_192 = tpu.vector_load %arg18[%swap3A_191] {strides = array<i32>} : memref<80xi32, #tpu.memory_space<vmem>>, vector<16xi32>,
        tpu.vector_store %arg18[%swap3A_191], %get3A_190 {strides = array<i32>} : memref<80xi32, #tpu.memory_space<vmem>>, vector<16xi32>,
        %get3A_193 = arith.constant 32 : index
        %get3A_194 = tpu.vector_load %arg15[%get3A_193] {strides = array<i32>} : memref<80xi32, #tpu.memory_space<vmem>>, vector<16xi32>,
        %swap3A_195 = arith.constant 32 : index
        %swap3A_196 = tpu.vector_load %arg18[%swap3A_195] {strides = array<i32>} : memref<80xi32, #tpu.memory_space<vmem>>, vector<16xi32>,
        tpu.vector_store %arg18[%swap3A_195], %get3A_194 {strides = array<i32>} : memref<80xi32, #tpu.memory_space<vmem>>, vector<16xi32>,
        %get3A_197 = arith.constant 48 : index
        %get3A_198 = tpu.vector_load %arg15[%get3A_197] {strides = array<i32>} : memref<80xi32, #tpu.memory_space<vmem>>, vector<16xi32>,
        %swap3A_199 = arith.constant 48 : index
        %swap3A_200 = tpu.vector_load %arg18[%swap3A_199] {strides = array<i32>} : memref<80xi32, #tpu.memory_space<vmem>>, vector<16xi32>,
        tpu.vector_store %arg18[%swap3A_199], %get3A_198 {strides = array<i32>} : memref<80xi32, #tpu.memory_space<vmem>>, vector<16xi32>,
        %get3A_201 = arith.constant 64 : index
        %get3A_202 = tpu.vector_load %arg15[%get3A_201] {strides = array<i32>} : memref<80xi32, #tpu.memory_space<vmem>>, vector<16xi32>,
        %swap3A_203 = arith.constant 64 : index
        %swap3A_204 = tpu.vector_load %arg18[%swap3A_203] {strides = array<i32>} : memref<80xi32, #tpu.memory_space<vmem>>, vector<16xi32>,
        tpu.vector_store %arg18[%swap3A_203], %get3A_202 {strides = array<i32>} : memref<80xi32, #tpu.memory_space<vmem>>, vector<16xi32>,
      } else {
      }
      %add3A_165 = arith.constant 1 : i32
      %add3A_166 = arith.addi %add3A_144, %add3A_165 : i32
      %lt3A_167 = arith.constant 250 : i32
      %lt3A_168 = arith.cmpi slt, %add3A_166, %lt3A_167 : i32
      %convert_element_type3A_169 = arith.extui %lt3A_168 : i1 to i32
      %cond3A_170 = arith.constant 0 : i32
      %cond3A_171 = arith.cmpi ne, %convert_element_type3A_169, %cond3A_170 : i32
      scf.if %cond3A_171 {
        %add3A_187 = arith.constant 1 : i32
        %add3A_188 = arith.addi %add3A_144, %add3A_187 : i32
        %mul3A_189 = arith.constant 80 : i32
        %mul3A_190 = arith.muli %add3A_188, %mul3A_189 : i32
        %add3A_191 = arith.addi %mul3A_1, %mul3A_190 : i32
        %dma_wait3A_192 = tpu.memref_slice %arg2[%add3A_191] : memref<320000xi32, #tpu.memory_space<hbm>> -> memref<80xi32, #tpu.memory_space<hbm>>
        %dma_wait3A_193 = tpu.memref_slice %arg2[%add3A_191] : memref<320000xi32, #tpu.memory_space<hbm>> -> memref<80xi32, #tpu.memory_space<hbm>>
        tpu.wait_dma2 semaphore(%arg26 : memref<!tpu.dma_semaphore, #tpu.memory_space<semaphore_mem>>) src(%dma_wait3A_193 : memref<80xi32, #tpu.memory_space<hbm>>) dst(%arg11 : memref<80xi32, #tpu.memory_space<vmem>>)
        %dma_wait3A_194 = tpu.memref_slice %arg3[%add3A_191] : memref<320000xi32, #tpu.memory_space<hbm>> -> memref<80xi32, #tpu.memory_space<hbm>>
        %dma_wait3A_195 = tpu.memref_slice %arg3[%add3A_191] : memref<320000xi32, #tpu.memory_space<hbm>> -> memref<80xi32, #tpu.memory_space<hbm>>
        tpu.wait_dma2 semaphore(%arg26 : memref<!tpu.dma_semaphore, #tpu.memory_space<semaphore_mem>>) src(%dma_wait3A_195 : memref<80xi32, #tpu.memory_space<hbm>>) dst(%arg12 : memref<80xi32, #tpu.memory_space<vmem>>)
        %dma_wait3A_196 = tpu.memref_slice %arg4[%add3A_191] : memref<320000xi32, #tpu.memory_space<hbm>> -> memref<80xi32, #tpu.memory_space<hbm>>
        %dma_wait3A_197 = tpu.memref_slice %arg4[%add3A_191] : memref<320000xi32, #tpu.memory_space<hbm>> -> memref<80xi32, #tpu.memory_space<hbm>>
        tpu.wait_dma2 semaphore(%arg26 : memref<!tpu.dma_semaphore, #tpu.memory_space<semaphore_mem>>) src(%dma_wait3A_197 : memref<80xi32, #tpu.memory_space<hbm>>) dst(%arg13 : memref<80xi32, #tpu.memory_space<vmem>>)
        %dma_wait3A_198 = arith.constant 0 : i32
        %dma_wait3A_199 = tpu.memref_slice %arg23[%dma_wait3A_198] : memref<96xf32, #tpu.memory_space<vmem>> -> memref<80xf32, #tpu.memory_space<vmem>>
        %dma_wait3A_200 = tpu.memref_slice %arg5[%add3A_191] : memref<320000xf32, #tpu.memory_space<hbm>> -> memref<80xf32, #tpu.memory_space<hbm>>
        %dma_wait3A_201 = arith.constant 0 : i32
        %dma_wait3A_202 = tpu.memref_slice %arg23[%dma_wait3A_201] : memref<96xf32, #tpu.memory_space<vmem>> -> memref<80xf32, #tpu.memory_space<vmem>>
        %dma_wait3A_203 = tpu.memref_slice %arg5[%add3A_191] : memref<320000xf32, #tpu.memory_space<hbm>> -> memref<80xf32, #tpu.memory_space<hbm>>
        tpu.wait_dma2 semaphore(%arg26 : memref<!tpu.dma_semaphore, #tpu.memory_space<semaphore_mem>>) src(%dma_wait3A_203 : memref<80xf32, #tpu.memory_space<hbm>>) dst(%dma_wait3A_202 : memref<80xf32, #tpu.memory_space<vmem>>)
        %ge3A = arith.constant 1 : i32
        %ge3A_204 = arith.cmpi sge, %add3A_144, %ge3A : i32
        %convert_element_type3A_205 = arith.extui %ge3A_204 : i1 to i32
        %cond3A_206 = arith.constant 0 : i32
        %cond3A_207 = arith.cmpi ne, %convert_element_type3A_205, %cond3A_206 : i32
        scf.if %cond3A_207 {
          %dma_wait3A_218 = arith.constant 0 : i32
          %dma_wait3A_219 = arith.constant 0 : i32
          %dma_wait3A_220 = tpu.memref_slice %arg25[%dma_wait3A_218, %dma_wait3A_219] : memref<10000x128xf32, #tpu.memory_space<vmem_shared>> -> memref<10000x128xf32, #tpu.memory_space<vmem_shared>>
          tpu.wait_indirect_dma semaphore(%arg30 : memref<!tpu.dma_semaphore, #tpu.memory_space<semaphore_mem>>) src(%arg19 : memref<80x128xf32, #tpu.memory_space<vmem>>) dst(%dma_wait3A_220 : memref<10000x128xf32, #tpu.memory_space<vmem_shared>>)
        } else {
        }
        %eq3A_208 = arith.constant 0 : i32
        %eq3A_209 = arith.cmpi eq, %arg0, %eq3A_208 : i32
        %convert_element_type3A_210 = arith.extui %eq3A_209 : i1 to i32
        %cond3A_211 = arith.constant 0 : i32
        %cond3A_212 = arith.cmpi ne, %convert_element_type3A_210, %cond3A_211 : i32
        scf.if %cond3A_212 {
          %dma_start3A_218 = arith.constant 0 : i32
          %dma_start3A_219 = arith.constant 0 : i32
          %dma_start3A_220 = tpu.memref_slice %arg7[%dma_start3A_218, %dma_start3A_219] : memref<10000x128xf32, #tpu.memory_space<hbm>> -> memref<10000x128xf32, #tpu.memory_space<hbm>>
          tpu.enqueue_indirect_dma source(%dma_start3A_220 : memref<10000x128xf32, #tpu.memory_space<hbm>>) target(%arg19 : memref<80x128xf32, #tpu.memory_space<vmem>>) offsets(%arg12 : memref<80xi32, #tpu.memory_space<vmem>>) semaphore(%arg28 : memref<!tpu.dma_semaphore, #tpu.memory_space<semaphore_mem>>)
          %dma_start3A_221 = arith.constant 0 : i32
          %dma_start3A_222 = arith.constant 0 : i32
          %dma_start3A_223 = tpu.memref_slice %arg8[%dma_start3A_221, %dma_start3A_222] : memref<10000x128xf32, #tpu.memory_space<hbm>> -> memref<10000x128xf32, #tpu.memory_space<hbm>>
          tpu.enqueue_indirect_dma source(%dma_start3A_223 : memref<10000x128xf32, #tpu.memory_space<hbm>>) target(%arg20 : memref<80x128xf32, #tpu.memory_space<vmem>>) offsets(%arg13 : memref<80xi32, #tpu.memory_space<vmem>>) semaphore(%arg28 : memref<!tpu.dma_semaphore, #tpu.memory_space<semaphore_mem>>)
        } else {
        }
        %eq3A_213 = arith.constant 1 : i32
        %eq3A_214 = arith.cmpi eq, %arg0, %eq3A_213 : i32
        %convert_element_type3A_215 = arith.extui %eq3A_214 : i1 to i32
        %cond3A_216 = arith.constant 0 : i32
        %cond3A_217 = arith.cmpi ne, %convert_element_type3A_215, %cond3A_216 : i32
        scf.if %cond3A_217 {
          %dma_start3A_218 = arith.constant 0 : i32
          %dma_start3A_219 = arith.constant 0 : i32
          %dma_start3A_220 = tpu.memref_slice %arg6[%dma_start3A_218, %dma_start3A_219] : memref<10000x128xf32, #tpu.memory_space<hbm>> -> memref<10000x128xf32, #tpu.memory_space<hbm>>
          tpu.enqueue_indirect_dma source(%dma_start3A_220 : memref<10000x128xf32, #tpu.memory_space<hbm>>) target(%arg19 : memref<80x128xf32, #tpu.memory_space<vmem>>) offsets(%arg11 : memref<80xi32, #tpu.memory_space<vmem>>) semaphore(%arg28 : memref<!tpu.dma_semaphore, #tpu.memory_space<semaphore_mem>>)
          %dma_start3A_221 = arith.constant 0 : i32
          %dma_start3A_222 = arith.constant 0 : i32
          %dma_start3A_223 = tpu.memref_slice %arg8[%dma_start3A_221, %dma_start3A_222] : memref<10000x128xf32, #tpu.memory_space<hbm>> -> memref<10000x128xf32, #tpu.memory_space<hbm>>
          tpu.enqueue_indirect_dma source(%dma_start3A_223 : memref<10000x128xf32, #tpu.memory_space<hbm>>) target(%arg20 : memref<80x128xf32, #tpu.memory_space<vmem>>) offsets(%arg13 : memref<80xi32, #tpu.memory_space<vmem>>) semaphore(%arg28 : memref<!tpu.dma_semaphore, #tpu.memory_space<semaphore_mem>>)
        } else {
        }
      } else {
      }
      %scan3A_172 = arith.constant 0 : i32
      %scan3A_173 = arith.constant 80 : i32
      %scan3A_174 = arith.addi %scan3A_172, %scan3A_173 : i32
      %scan3A_175 = arith.constant 1 : i32
      scf.for %scan3A_187 = %scan3A_172 to %scan3A_174 step %scan3A_175  : i32 {
        %mul3A_188 = arith.constant 1 : i32
        %mul3A_189 = arith.muli %scan3A_187, %mul3A_188 : i32
        %add3A_190 = arith.constant 0 : i32
        %add3A_191 = arith.addi %add3A_190, %mul3A_189 : i32
        %get3A = arith.index_cast %add3A_191 : i32 to index
        %get3A_192 = tpu.vector_load %arg24[%get3A] {strides = array<i32>} : memref<96xf32, #tpu.memory_space<vmem>>, vector<16xf32>,
        %slice3A = vector.extract_strided_slice %get3A_192 {offsets = [0], sizes = [1], strides = [1]} : vector<16xf32> to vector<1xf32>
        %squeeze3A = vector.extract %slice3A[0] : f32 from vector<1xf32>
        %get3A_193 = arith.index_cast %add3A_191 : i32 to index
        %get3A_194 = arith.constant 0 : index
        %get3A_195 = tpu.vector_load %arg21[%get3A_193, %get3A_194] {strides = array<i32>} : memref<80x128xf32, #tpu.memory_space<vmem>>, vector<16xf32>,
        %get3A_196 = arith.index_cast %add3A_191 : i32 to index
        %get3A_197 = arith.constant 0 : index
        %get3A_198 = tpu.vector_load %arg22[%get3A_196, %get3A_197] {strides = array<i32>} : memref<80x128xf32, #tpu.memory_space<vmem>>, vector<16xf32>,
        %add3A_199 = arith.addf %get3A_195, %get3A_198 : vector<16xf32>
        %mul3A_200 = vector.broadcast %squeeze3A : f32 to vector<16xf32>
        %mul3A_201 = arith.mulf %add3A_199, %mul3A_200 : vector<16xf32>
        %swap3A = arith.index_cast %add3A_191 : i32 to index
        %swap3A_202 = arith.constant 0 : index
        %swap3A_203 = tpu.vector_load %arg21[%swap3A, %swap3A_202] {strides = array<i32>} : memref<80x128xf32, #tpu.memory_space<vmem>>, vector<16xf32>,
        tpu.vector_store %arg21[%swap3A, %swap3A_202], %mul3A_201 {strides = array<i32>} : memref<80x128xf32, #tpu.memory_space<vmem>>, vector<16xf32>,
        %get3A_204 = arith.index_cast %add3A_191 : i32 to index
        %get3A_205 = arith.constant 16 : index
        %get3A_206 = tpu.vector_load %arg21[%get3A_204, %get3A_205] {strides = array<i32>} : memref<80x128xf32, #tpu.memory_space<vmem>>, vector<16xf32>,
        %get3A_207 = arith.index_cast %add3A_191 : i32 to index
        %get3A_208 = arith.constant 16 : index
        %get3A_209 = tpu.vector_load %arg22[%get3A_207, %get3A_208] {strides = array<i32>} : memref<80x128xf32, #tpu.memory_space<vmem>>, vector<16xf32>,
        %add3A_210 = arith.addf %get3A_206, %get3A_209 : vector<16xf32>
        %mul3A_211 = vector.broadcast %squeeze3A : f32 to vector<16xf32>
        %mul3A_212 = arith.mulf %add3A_210, %mul3A_211 : vector<16xf32>
        %swap3A_213 = arith.index_cast %add3A_191 : i32 to index
        %swap3A_214 = arith.constant 16 : index
        %swap3A_215 = tpu.vector_load %arg21[%swap3A_213, %swap3A_214] {strides = array<i32>} : memref<80x128xf32, #tpu.memory_space<vmem>>, vector<16xf32>,
        tpu.vector_store %arg21[%swap3A_213, %swap3A_214], %mul3A_212 {strides = array<i32>} : memref<80x128xf32, #tpu.memory_space<vmem>>, vector<16xf32>,
        %get3A_216 = arith.index_cast %add3A_191 : i32 to index
        %get3A_217 = arith.constant 32 : index
        %get3A_218 = tpu.vector_load %arg21[%get3A_216, %get3A_217] {strides = array<i32>} : memref<80x128xf32, #tpu.memory_space<vmem>>, vector<16xf32>,
        %get3A_219 = arith.index_cast %add3A_191 : i32 to index
        %get3A_220 = arith.constant 32 : index
        %get3A_221 = tpu.vector_load %arg22[%get3A_219, %get3A_220] {strides = array<i32>} : memref<80x128xf32, #tpu.memory_space<vmem>>, vector<16xf32>,
        %add3A_222 = arith.addf %get3A_218, %get3A_221 : vector<16xf32>
        %mul3A_223 = vector.broadcast %squeeze3A : f32 to vector<16xf32>
        %mul3A_224 = arith.mulf %add3A_222, %mul3A_223 : vector<16xf32>
        %swap3A_225 = arith.index_cast %add3A_191 : i32 to index
        %swap3A_226 = arith.constant 32 : index
        %swap3A_227 = tpu.vector_load %arg21[%swap3A_225, %swap3A_226] {strides = array<i32>} : memref<80x128xf32, #tpu.memory_space<vmem>>, vector<16xf32>,
        tpu.vector_store %arg21[%swap3A_225, %swap3A_226], %mul3A_224 {strides = array<i32>} : memref<80x128xf32, #tpu.memory_space<vmem>>, vector<16xf32>,
        %get3A_228 = arith.index_cast %add3A_191 : i32 to index
        %get3A_229 = arith.constant 48 : index
        %get3A_230 = tpu.vector_load %arg21[%get3A_228, %get3A_229] {strides = array<i32>} : memref<80x128xf32, #tpu.memory_space<vmem>>, vector<16xf32>,
        %get3A_231 = arith.index_cast %add3A_191 : i32 to index
        %get3A_232 = arith.constant 48 : index
        %get3A_233 = tpu.vector_load %arg22[%get3A_231, %get3A_232] {strides = array<i32>} : memref<80x128xf32, #tpu.memory_space<vmem>>, vector<16xf32>,
        %add3A_234 = arith.addf %get3A_230, %get3A_233 : vector<16xf32>
        %mul3A_235 = vector.broadcast %squeeze3A : f32 to vector<16xf32>
        %mul3A_236 = arith.mulf %add3A_234, %mul3A_235 : vector<16xf32>
        %swap3A_237 = arith.index_cast %add3A_191 : i32 to index
        %swap3A_238 = arith.constant 48 : index
        %swap3A_239 = tpu.vector_load %arg21[%swap3A_237, %swap3A_238] {strides = array<i32>} : memref<80x128xf32, #tpu.memory_space<vmem>>, vector<16xf32>,
        tpu.vector_store %arg21[%swap3A_237, %swap3A_238], %mul3A_236 {strides = array<i32>} : memref<80x128xf32, #tpu.memory_space<vmem>>, vector<16xf32>,
        %get3A_240 = arith.index_cast %add3A_191 : i32 to index
        %get3A_241 = arith.constant 64 : index
        %get3A_242 = tpu.vector_load %arg21[%get3A_240, %get3A_241] {strides = array<i32>} : memref<80x128xf32, #tpu.memory_space<vmem>>, vector<16xf32>,
        %get3A_243 = arith.index_cast %add3A_191 : i32 to index
        %get3A_244 = arith.constant 64 : index
        %get3A_245 = tpu.vector_load %arg22[%get3A_243, %get3A_244] {strides = array<i32>} : memref<80x128xf32, #tpu.memory_space<vmem>>, vector<16xf32>,
        %add3A_246 = arith.addf %get3A_242, %get3A_245 : vector<16xf32>
        %mul3A_247 = vector.broadcast %squeeze3A : f32 to vector<16xf32>
        %mul3A_248 = arith.mulf %add3A_246, %mul3A_247 : vector<16xf32>
        %swap3A_249 = arith.index_cast %add3A_191 : i32 to index
        %swap3A_250 = arith.constant 64 : index
        %swap3A_251 = tpu.vector_load %arg21[%swap3A_249, %swap3A_250] {strides = array<i32>} : memref<80x128xf32, #tpu.memory_space<vmem>>, vector<16xf32>,
        tpu.vector_store %arg21[%swap3A_249, %swap3A_250], %mul3A_248 {strides = array<i32>} : memref<80x128xf32, #tpu.memory_space<vmem>>, vector<16xf32>,
        %get3A_252 = arith.index_cast %add3A_191 : i32 to index
        %get3A_253 = arith.constant 80 : index
        %get3A_254 = tpu.vector_load %arg21[%get3A_252, %get3A_253] {strides = array<i32>} : memref<80x128xf32, #tpu.memory_space<vmem>>, vector<16xf32>,
        %get3A_255 = arith.index_cast %add3A_191 : i32 to index
        %get3A_256 = arith.constant 80 : index
        %get3A_257 = tpu.vector_load %arg22[%get3A_255, %get3A_256] {strides = array<i32>} : memref<80x128xf32, #tpu.memory_space<vmem>>, vector<16xf32>,
        %add3A_258 = arith.addf %get3A_254, %get3A_257 : vector<16xf32>
        %mul3A_259 = vector.broadcast %squeeze3A : f32 to vector<16xf32>
        %mul3A_260 = arith.mulf %add3A_258, %mul3A_259 : vector<16xf32>
        %swap3A_261 = arith.index_cast %add3A_191 : i32 to index
        %swap3A_262 = arith.constant 80 : index
        %swap3A_263 = tpu.vector_load %arg21[%swap3A_261, %swap3A_262] {strides = array<i32>} : memref<80x128xf32, #tpu.memory_space<vmem>>, vector<16xf32>,
        tpu.vector_store %arg21[%swap3A_261, %swap3A_262], %mul3A_260 {strides = array<i32>} : memref<80x128xf32, #tpu.memory_space<vmem>>, vector<16xf32>,
        %get3A_264 = arith.index_cast %add3A_191 : i32 to index
        %get3A_265 = arith.constant 96 : index
        %get3A_266 = tpu.vector_load %arg21[%get3A_264, %get3A_265] {strides = array<i32>} : memref<80x128xf32, #tpu.memory_space<vmem>>, vector<16xf32>,
        %get3A_267 = arith.index_cast %add3A_191 : i32 to index
        %get3A_268 = arith.constant 96 : index
        %get3A_269 = tpu.vector_load %arg22[%get3A_267, %get3A_268] {strides = array<i32>} : memref<80x128xf32, #tpu.memory_space<vmem>>, vector<16xf32>,
        %add3A_270 = arith.addf %get3A_266, %get3A_269 : vector<16xf32>
        %mul3A_271 = vector.broadcast %squeeze3A : f32 to vector<16xf32>
        %mul3A_272 = arith.mulf %add3A_270, %mul3A_271 : vector<16xf32>
        %swap3A_273 = arith.index_cast %add3A_191 : i32 to index
        %swap3A_274 = arith.constant 96 : index
        %swap3A_275 = tpu.vector_load %arg21[%swap3A_273, %swap3A_274] {strides = array<i32>} : memref<80x128xf32, #tpu.memory_space<vmem>>, vector<16xf32>,
        tpu.vector_store %arg21[%swap3A_273, %swap3A_274], %mul3A_272 {strides = array<i32>} : memref<80x128xf32, #tpu.memory_space<vmem>>, vector<16xf32>,
        %get3A_276 = arith.index_cast %add3A_191 : i32 to index
        %get3A_277 = arith.constant 112 : index
        %get3A_278 = tpu.vector_load %arg21[%get3A_276, %get3A_277] {strides = array<i32>} : memref<80x128xf32, #tpu.memory_space<vmem>>, vector<16xf32>,
        %get3A_279 = arith.index_cast %add3A_191 : i32 to index
        %get3A_280 = arith.constant 112 : index
        %get3A_281 = tpu.vector_load %arg22[%get3A_279, %get3A_280] {strides = array<i32>} : memref<80x128xf32, #tpu.memory_space<vmem>>, vector<16xf32>,
        %add3A_282 = arith.addf %get3A_278, %get3A_281 : vector<16xf32>
        %mul3A_283 = vector.broadcast %squeeze3A : f32 to vector<16xf32>
        %mul3A_284 = arith.mulf %add3A_282, %mul3A_283 : vector<16xf32>
        %swap3A_285 = arith.index_cast %add3A_191 : i32 to index
        %swap3A_286 = arith.constant 112 : index
        %swap3A_287 = tpu.vector_load %arg21[%swap3A_285, %swap3A_286] {strides = array<i32>} : memref<80x128xf32, #tpu.memory_space<vmem>>, vector<16xf32>,
        tpu.vector_store %arg21[%swap3A_285, %swap3A_286], %mul3A_284 {strides = array<i32>} : memref<80x128xf32, #tpu.memory_space<vmem>>, vector<16xf32>,
      }
      %scan3A_176 = arith.constant 80 : i32
      %add3A_177 = arith.constant 2 : i32
      %add3A_178 = arith.addi %add3A_144, %add3A_177 : i32
      %lt3A_179 = arith.constant 250 : i32
      %lt3A_180 = arith.cmpi slt, %add3A_178, %lt3A_179 : i32
      %convert_element_type3A_181 = arith.extui %lt3A_180 : i1 to i32
      %cond3A_182 = arith.constant 0 : i32
      %cond3A_183 = arith.cmpi ne, %convert_element_type3A_181, %cond3A_182 : i32
      scf.if %cond3A_183 {
        %add3A_187 = arith.constant 2 : i32
        %add3A_188 = arith.addi %add3A_144, %add3A_187 : i32
        %mul3A_189 = arith.constant 80 : i32
        %mul3A_190 = arith.muli %add3A_188, %mul3A_189 : i32
        %add3A_191 = arith.addi %mul3A_1, %mul3A_190 : i32
        %dma_start3A_192 = tpu.memref_slice %arg2[%add3A_191] : memref<320000xi32, #tpu.memory_space<hbm>> -> memref<80xi32, #tpu.memory_space<hbm>>
        %dma_start3A_193 = tpu.memref_slice %arg2[%add3A_191] : memref<320000xi32, #tpu.memory_space<hbm>> -> memref<80xi32, #tpu.memory_space<hbm>>
        tpu.enqueue_dma source(%dma_start3A_193 : memref<80xi32, #tpu.memory_space<hbm>>) target(%arg14 : memref<80xi32, #tpu.memory_space<vmem>>) target_semaphore(%arg27 : memref<!tpu.dma_semaphore, #tpu.memory_space<semaphore_mem>>)
        %dma_start3A_194 = tpu.memref_slice %arg3[%add3A_191] : memref<320000xi32, #tpu.memory_space<hbm>> -> memref<80xi32, #tpu.memory_space<hbm>>
        %dma_start3A_195 = tpu.memref_slice %arg3[%add3A_191] : memref<320000xi32, #tpu.memory_space<hbm>> -> memref<80xi32, #tpu.memory_space<hbm>>
        tpu.enqueue_dma source(%dma_start3A_195 : memref<80xi32, #tpu.memory_space<hbm>>) target(%arg15 : memref<80xi32, #tpu.memory_space<vmem>>) target_semaphore(%arg27 : memref<!tpu.dma_semaphore, #tpu.memory_space<semaphore_mem>>)
        %dma_start3A_196 = tpu.memref_slice %arg4[%add3A_191] : memref<320000xi32, #tpu.memory_space<hbm>> -> memref<80xi32, #tpu.memory_space<hbm>>
        %dma_start3A_197 = tpu.memref_slice %arg4[%add3A_191] : memref<320000xi32, #tpu.memory_space<hbm>> -> memref<80xi32, #tpu.memory_space<hbm>>
        tpu.enqueue_dma source(%dma_start3A_197 : memref<80xi32, #tpu.memory_space<hbm>>) target(%arg16 : memref<80xi32, #tpu.memory_space<vmem>>) target_semaphore(%arg27 : memref<!tpu.dma_semaphore, #tpu.memory_space<semaphore_mem>>)
        %dma_start3A_198 = arith.constant 0 : i32
        %dma_start3A_199 = tpu.memref_slice %arg24[%dma_start3A_198] : memref<96xf32, #tpu.memory_space<vmem>> -> memref<80xf32, #tpu.memory_space<vmem>>
        %dma_start3A_200 = tpu.memref_slice %arg5[%add3A_191] : memref<320000xf32, #tpu.memory_space<hbm>> -> memref<80xf32, #tpu.memory_space<hbm>>
        %dma_start3A_201 = arith.constant 0 : i32
        %dma_start3A_202 = tpu.memref_slice %arg24[%dma_start3A_201] : memref<96xf32, #tpu.memory_space<vmem>> -> memref<80xf32, #tpu.memory_space<vmem>>
        %dma_start3A_203 = tpu.memref_slice %arg5[%add3A_191] : memref<320000xf32, #tpu.memory_space<hbm>> -> memref<80xf32, #tpu.memory_space<hbm>>
        tpu.enqueue_dma source(%dma_start3A_203 : memref<80xf32, #tpu.memory_space<hbm>>) target(%dma_start3A_202 : memref<80xf32, #tpu.memory_space<vmem>>) target_semaphore(%arg27 : memref<!tpu.dma_semaphore, #tpu.memory_space<semaphore_mem>>)
      } else {
      }
      %dma_start3A_184 = arith.constant 0 : i32
      %dma_start3A_185 = arith.constant 0 : i32
      %dma_start3A_186 = tpu.memref_slice %arg25[%dma_start3A_184, %dma_start3A_185] : memref<10000x128xf32, #tpu.memory_space<vmem_shared>> -> memref<10000x128xf32, #tpu.memory_space<vmem_shared>>
      tpu.enqueue_indirect_dma source(%arg21 : memref<80x128xf32, #tpu.memory_space<vmem>>) target(%dma_start3A_186 : memref<10000x128xf32, #tpu.memory_space<vmem_shared>>) offsets(%arg18 : memref<80xi32, #tpu.memory_space<vmem>>) semaphore(%arg31 : memref<!tpu.dma_semaphore, #tpu.memory_space<semaphore_mem>>) {add = true}
    }
    %scan3A_73 = arith.constant 125 : i32
    %dma_wait3A_74 = arith.constant 0 : i32
    %dma_wait3A_75 = arith.constant 0 : i32
    %dma_wait3A_76 = tpu.memref_slice %arg25[%dma_wait3A_74, %dma_wait3A_75] : memref<10000x128xf32, #tpu.memory_space<vmem_shared>> -> memref<10000x128xf32, #tpu.memory_space<vmem_shared>>
    tpu.wait_indirect_dma semaphore(%arg30 : memref<!tpu.dma_semaphore, #tpu.memory_space<semaphore_mem>>) src(%arg19 : memref<80x128xf32, #tpu.memory_space<vmem>>) dst(%dma_wait3A_76 : memref<10000x128xf32, #tpu.memory_space<vmem_shared>>)
    %dma_wait3A_77 = arith.constant 0 : i32
    %dma_wait3A_78 = arith.constant 0 : i32
    %dma_wait3A_79 = tpu.memref_slice %arg25[%dma_wait3A_77, %dma_wait3A_78] : memref<10000x128xf32, #tpu.memory_space<vmem_shared>> -> memref<10000x128xf32, #tpu.memory_space<vmem_shared>>
    tpu.wait_indirect_dma semaphore(%arg31 : memref<!tpu.dma_semaphore, #tpu.memory_space<semaphore_mem>>) src(%arg21 : memref<80x128xf32, #tpu.memory_space<vmem>>) dst(%dma_wait3A_79 : memref<10000x128xf32, #tpu.memory_space<vmem_shared>>)
    %barrier3A_80 = arith.constant 0 : index
    tpu.barrier barrier_id(%barrier3A_80)
    %eq3A_81 = arith.constant 0 : i32
    %eq3A_82 = arith.cmpi eq, %arg0, %eq3A_81 : i32
    %convert_element_type3A_83 = arith.extui %eq3A_82 : i1 to i32
    %cond3A_84 = arith.constant 0 : i32
    %cond3A_85 = arith.cmpi ne, %convert_element_type3A_83, %cond3A_84 : i32
    scf.if %cond3A_85 {
      %sub3A_91 = arith.constant 125 : i32
      %sub3A_92 = arith.subi %sub3A_91, %arg1 : i32
      %sub3A_93 = arith.constant 16 : i32
      %sub3A_94 = arith.constant 1 : i32
      %sub3A_95 = arith.subi %sub3A_93, %sub3A_94 : i32
      %add3A_96 = arith.addi %sub3A_92, %sub3A_95 : i32
      %div3A_97 = arith.constant 16 : i32
      %div3A_98 = arith.divsi %add3A_96, %div3A_97 : i32
      %while3A_99 = arith.constant 16 : i32
      %while3A_100 = arith.constant 0 : i32
      %while3A_101 = arith.subi %div3A_98, %while3A_100 : i32
      %while3A_102 = arith.addi %while3A_100, %while3A_101 : i32
      %while3A_103 = arith.constant 1 : i32
      %while3A_104 = arith.divsi %while3A_101, %while3A_103 : i32
      %while3A_105 = arith.muli %while3A_104, %while3A_103 : i32
      %while3A_106 = arith.addi %while3A_100, %while3A_105 : i32
      %while3A_107 = arith.constant 1 : i32
      scf.for %while3A_109 = %while3A_100 to %while3A_106 step %while3A_107  : i32 {
        %mul3A_110 = arith.muli %while3A_109, %while3A_99 : i32
        %add3A_111 = arith.addi %arg1, %mul3A_110 : i32
        %mul3A_112 = arith.constant 80 : i32
        %mul3A_113 = arith.muli %add3A_111, %mul3A_112 : i32
        "tpu.region"() ({
          %run_scoped3A = tpu.sem_alloc : memref<!tpu.dma_semaphore, #tpu.memory_space<semaphore_mem>>
          %dma_start3A_114 = arith.constant 0 : i32
          %dma_start3A_115 = tpu.memref_slice %arg9[%mul3A_113, %dma_start3A_114] : memref<10000x128xf32, #tpu.memory_space<hbm>> -> memref<80x128xf32, #tpu.memory_space<hbm>>
          %dma_start3A_116 = arith.constant 0 : i32
          %dma_start3A_117 = tpu.memref_slice %arg25[%mul3A_113, %dma_start3A_116] : memref<10000x128xf32, #tpu.memory_space<vmem_shared>> -> memref<80x128xf32, #tpu.memory_space<vmem_shared>>
          tpu.enqueue_dma source(%dma_start3A_117 : memref<80x128xf32, #tpu.memory_space<vmem_shared>>) target(%dma_start3A_115 : memref<80x128xf32, #tpu.memory_space<hbm>>) target_semaphore(%run_scoped3A : memref<!tpu.dma_semaphore, #tpu.memory_space<semaphore_mem>>)
          %dma_wait3A_118 = arith.constant 0 : i32
          %dma_wait3A_119 = tpu.memref_slice %arg9[%mul3A_113, %dma_wait3A_118] : memref<10000x128xf32, #tpu.memory_space<hbm>> -> memref<80x128xf32, #tpu.memory_space<hbm>>
          %dma_wait3A_120 = arith.constant 0 : i32
          %dma_wait3A_121 = tpu.memref_slice %arg25[%mul3A_113, %dma_wait3A_120] : memref<10000x128xf32, #tpu.memory_space<vmem_shared>> -> memref<80x128xf32, #tpu.memory_space<vmem_shared>>
          tpu.wait_dma2 semaphore(%run_scoped3A : memref<!tpu.dma_semaphore, #tpu.memory_space<semaphore_mem>>) src(%dma_wait3A_121 : memref<80x128xf32, #tpu.memory_space<vmem_shared>>) dst(%dma_wait3A_119 : memref<80x128xf32, #tpu.memory_space<hbm>>)
          tpu.yield
        }) : () -> ()
      }
      %while3A_108 = arith.constant 1 : i32
      scf.for %while3A_109 = %while3A_106 to %while3A_102 step %while3A_108  : i32 {
        %mul3A_110 = arith.muli %while3A_109, %while3A_99 : i32
        %add3A_111 = arith.addi %arg1, %mul3A_110 : i32
        %mul3A_112 = arith.constant 80 : i32
        %mul3A_113 = arith.muli %add3A_111, %mul3A_112 : i32
        "tpu.region"() ({
          %run_scoped3A = tpu.sem_alloc : memref<!tpu.dma_semaphore, #tpu.memory_space<semaphore_mem>>
          %dma_start3A_114 = arith.constant 0 : i32
          %dma_start3A_115 = tpu.memref_slice %arg9[%mul3A_113, %dma_start3A_114] : memref<10000x128xf32, #tpu.memory_space<hbm>> -> memref<80x128xf32, #tpu.memory_space<hbm>>
          %dma_start3A_116 = arith.constant 0 : i32
          %dma_start3A_117 = tpu.memref_slice %arg25[%mul3A_113, %dma_start3A_116] : memref<10000x128xf32, #tpu.memory_space<vmem_shared>> -> memref<80x128xf32, #tpu.memory_space<vmem_shared>>
          tpu.enqueue_dma source(%dma_start3A_117 : memref<80x128xf32, #tpu.memory_space<vmem_shared>>) target(%dma_start3A_115 : memref<80x128xf32, #tpu.memory_space<hbm>>) target_semaphore(%run_scoped3A : memref<!tpu.dma_semaphore, #tpu.memory_space<semaphore_mem>>)
          %dma_wait3A_118 = arith.constant 0 : i32
          %dma_wait3A_119 = tpu.memref_slice %arg9[%mul3A_113, %dma_wait3A_118] : memref<10000x128xf32, #tpu.memory_space<hbm>> -> memref<80x128xf32, #tpu.memory_space<hbm>>
          %dma_wait3A_120 = arith.constant 0 : i32
          %dma_wait3A_121 = tpu.memref_slice %arg25[%mul3A_113, %dma_wait3A_120] : memref<10000x128xf32, #tpu.memory_space<vmem_shared>> -> memref<80x128xf32, #tpu.memory_space<vmem_shared>>
          tpu.wait_dma2 semaphore(%run_scoped3A : memref<!tpu.dma_semaphore, #tpu.memory_space<semaphore_mem>>) src(%dma_wait3A_121 : memref<80x128xf32, #tpu.memory_space<vmem_shared>>) dst(%dma_wait3A_119 : memref<80x128xf32, #tpu.memory_space<hbm>>)
          tpu.yield
        }) : () -> ()
      }
    } else {
    }
    %eq3A_86 = arith.constant 1 : i32
    %eq3A_87 = arith.cmpi eq, %arg0, %eq3A_86 : i32
    %convert_element_type3A_88 = arith.extui %eq3A_87 : i1 to i32
    %cond3A_89 = arith.constant 0 : i32
    %cond3A_90 = arith.cmpi ne, %convert_element_type3A_88, %cond3A_89 : i32
    scf.if %cond3A_90 {
      %sub3A_91 = arith.constant 125 : i32
      %sub3A_92 = arith.subi %sub3A_91, %arg1 : i32
      %sub3A_93 = arith.constant 16 : i32
      %sub3A_94 = arith.constant 1 : i32
      %sub3A_95 = arith.subi %sub3A_93, %sub3A_94 : i32
      %add3A_96 = arith.addi %sub3A_92, %sub3A_95 : i32
      %div3A_97 = arith.constant 16 : i32
      %div3A_98 = arith.divsi %add3A_96, %div3A_97 : i32
      %while3A_99 = arith.constant 16 : i32
      %while3A_100 = arith.constant 0 : i32
      %while3A_101 = arith.subi %div3A_98, %while3A_100 : i32
      %while3A_102 = arith.addi %while3A_100, %while3A_101 : i32
      %while3A_103 = arith.constant 1 : i32
      %while3A_104 = arith.divsi %while3A_101, %while3A_103 : i32
      %while3A_105 = arith.muli %while3A_104, %while3A_103 : i32
      %while3A_106 = arith.addi %while3A_100, %while3A_105 : i32
      %while3A_107 = arith.constant 1 : i32
      scf.for %while3A_109 = %while3A_100 to %while3A_106 step %while3A_107  : i32 {
        %mul3A_110 = arith.muli %while3A_109, %while3A_99 : i32
        %add3A_111 = arith.addi %arg1, %mul3A_110 : i32
        %mul3A_112 = arith.constant 80 : i32
        %mul3A_113 = arith.muli %add3A_111, %mul3A_112 : i32
        "tpu.region"() ({
          %run_scoped3A = tpu.sem_alloc : memref<!tpu.dma_semaphore, #tpu.memory_space<semaphore_mem>>
          %dma_start3A_114 = arith.constant 0 : i32
          %dma_start3A_115 = tpu.memref_slice %arg10[%mul3A_113, %dma_start3A_114] : memref<10000x128xf32, #tpu.memory_space<hbm>> -> memref<80x128xf32, #tpu.memory_space<hbm>>
          %dma_start3A_116 = arith.constant 0 : i32
          %dma_start3A_117 = tpu.memref_slice %arg25[%mul3A_113, %dma_start3A_116] : memref<10000x128xf32, #tpu.memory_space<vmem_shared>> -> memref<80x128xf32, #tpu.memory_space<vmem_shared>>
          tpu.enqueue_dma source(%dma_start3A_117 : memref<80x128xf32, #tpu.memory_space<vmem_shared>>) target(%dma_start3A_115 : memref<80x128xf32, #tpu.memory_space<hbm>>) target_semaphore(%run_scoped3A : memref<!tpu.dma_semaphore, #tpu.memory_space<semaphore_mem>>)
          %dma_wait3A_118 = arith.constant 0 : i32
          %dma_wait3A_119 = tpu.memref_slice %arg10[%mul3A_113, %dma_wait3A_118] : memref<10000x128xf32, #tpu.memory_space<hbm>> -> memref<80x128xf32, #tpu.memory_space<hbm>>
          %dma_wait3A_120 = arith.constant 0 : i32
          %dma_wait3A_121 = tpu.memref_slice %arg25[%mul3A_113, %dma_wait3A_120] : memref<10000x128xf32, #tpu.memory_space<vmem_shared>> -> memref<80x128xf32, #tpu.memory_space<vmem_shared>>
          tpu.wait_dma2 semaphore(%run_scoped3A : memref<!tpu.dma_semaphore, #tpu.memory_space<semaphore_mem>>) src(%dma_wait3A_121 : memref<80x128xf32, #tpu.memory_space<vmem_shared>>) dst(%dma_wait3A_119 : memref<80x128xf32, #tpu.memory_space<hbm>>)
          tpu.yield
        }) : () -> ()
      }
      %while3A_108 = arith.constant 1 : i32
      scf.for %while3A_109 = %while3A_106 to %while3A_102 step %while3A_108  : i32 {
        %mul3A_110 = arith.muli %while3A_109, %while3A_99 : i32
        %add3A_111 = arith.addi %arg1, %mul3A_110 : i32
        %mul3A_112 = arith.constant 80 : i32
        %mul3A_113 = arith.muli %add3A_111, %mul3A_112 : i32
        "tpu.region"() ({
          %run_scoped3A = tpu.sem_alloc : memref<!tpu.dma_semaphore, #tpu.memory_space<semaphore_mem>>
          %dma_start3A_114 = arith.constant 0 : i32
          %dma_start3A_115 = tpu.memref_slice %arg10[%mul3A_113, %dma_start3A_114] : memref<10000x128xf32, #tpu.memory_space<hbm>> -> memref<80x128xf32, #tpu.memory_space<hbm>>
          %dma_start3A_116 = arith.constant 0 : i32
          %dma_start3A_117 = tpu.memref_slice %arg25[%mul3A_113, %dma_start3A_116] : memref<10000x128xf32, #tpu.memory_space<vmem_shared>> -> memref<80x128xf32, #tpu.memory_space<vmem_shared>>
          tpu.enqueue_dma source(%dma_start3A_117 : memref<80x128xf32, #tpu.memory_space<vmem_shared>>) target(%dma_start3A_115 : memref<80x128xf32, #tpu.memory_space<hbm>>) target_semaphore(%run_scoped3A : memref<!tpu.dma_semaphore, #tpu.memory_space<semaphore_mem>>)
          %dma_wait3A_118 = arith.constant 0 : i32
          %dma_wait3A_119 = tpu.memref_slice %arg10[%mul3A_113, %dma_wait3A_118] : memref<10000x128xf32, #tpu.memory_space<hbm>> -> memref<80x128xf32, #tpu.memory_space<hbm>>
          %dma_wait3A_120 = arith.constant 0 : i32
          %dma_wait3A_121 = tpu.memref_slice %arg25[%mul3A_113, %dma_wait3A_120] : memref<10000x128xf32, #tpu.memory_space<vmem_shared>> -> memref<80x128xf32, #tpu.memory_space<vmem_shared>>
          tpu.wait_dma2 semaphore(%run_scoped3A : memref<!tpu.dma_semaphore, #tpu.memory_space<semaphore_mem>>) src(%dma_wait3A_121 : memref<80x128xf32, #tpu.memory_space<vmem_shared>>) dst(%dma_wait3A_119 : memref<80x128xf32, #tpu.memory_space<hbm>>)
          tpu.yield
        }) : () -> ()
      }
    } else {
    }
    return
  }
}

module attributes {stable_mosaic.version = 14 : i64} {
  func.func @_logit_tables_kernel(%arg0: i32, %arg1: memref<1000x128xf32, #tpu.memory_space<vmem>>, %arg2: memref<1000x128xf32, #tpu.memory_space<vmem>>, %arg3: memref<128x2xf32, #tpu.memory_space<vmem>>, %arg4: memref<128x1xf32, #tpu.memory_space<vmem>>, %arg5: memref<1x1xf32, #tpu.memory_space<vmem>>, %arg6: memref<1000x2xf32, #tpu.memory_space<vmem>>, %arg7: memref<1000x1xf32, #tpu.memory_space<vmem>>) attributes {dimension_semantics = [#tpu.dimension_semantics<arbitrary>], iteration_bounds = array<i64: 10>, scalar_prefetch = 0 : i64, scratch_operands = 0 : i64, tpu.core_type = #tpu.core_type<tc>, window_params = [{transform_indices = @transform_0, window_bounds = array<i64: 1000, 128>}, {transform_indices = @transform_1, window_bounds = array<i64: 1000, 128>}, {pipeline_mode = #tpu.pipeline_mode<synchronous>, transform_indices = @transform_2, window_bounds = array<i64: 128, 2>}, {pipeline_mode = #tpu.pipeline_mode<synchronous>, transform_indices = @transform_3, window_bounds = array<i64: 128, 1>}, {pipeline_mode = #tpu.pipeline_mode<synchronous>, transform_indices = @transform_4, window_bounds = array<i64: 1, 1>}, {transform_indices = @transform_5, window_bounds = array<i64: 1000, 2>}, {transform_indices = @transform_6, window_bounds = array<i64: 1000, 1>}]} {
    %get3A = arith.constant 0 : index
    %get3A_0 = arith.constant 0 : index
    %get3A_1 = vector.load %arg1[%get3A, %get3A_0] : memref<1000x128xf32, #tpu.memory_space<vmem>>, vector<1000x128xf32>
    %get3A_2 = arith.constant 0 : index
    %get3A_3 = arith.constant 0 : index
    %get3A_4 = vector.load %arg3[%get3A_2, %get3A_3] : memref<128x2xf32, #tpu.memory_space<vmem>>, vector<128x2xf32>
    %dot_general3A = arith.constant dense<0.000000e+00> : vector<1000x2xf32>
    %dot_general3A_5 = tpu.matmul %get3A_1, %get3A_4, %dot_general3A {dimension_numbers = #tpu.dot_dimension_numbers<[1], [0], [0], [1], [0, 0, 1, 1], [], []>, precision = #tpu.contract_precision<fp32>, transpose_lhs_hint = false} : vector<1000x128xf32>, vector<128x2xf32>, vector<1000x2xf32> -> vector<1000x2xf32>
    %swap3A = arith.constant 0 : index
    %swap3A_6 = arith.constant 0 : index
    %swap3A_7 = vector.load %arg6[%swap3A, %swap3A_6] : memref<1000x2xf32, #tpu.memory_space<vmem>>, vector<1000x2xf32>
    tpu.vector_store %arg6[%swap3A, %swap3A_6], %dot_general3A_5 {strides = array<i32>} : memref<1000x2xf32, #tpu.memory_space<vmem>>, vector<1000x2xf32>,
    %get3A_8 = arith.constant 0 : index
    %get3A_9 = arith.constant 0 : index
    %get3A_10 = vector.load %arg2[%get3A_8, %get3A_9] : memref<1000x128xf32, #tpu.memory_space<vmem>>, vector<1000x128xf32>
    %get3A_11 = arith.constant 0 : index
    %get3A_12 = arith.constant 0 : index
    %get3A_13 = vector.load %arg4[%get3A_11, %get3A_12] : memref<128x1xf32, #tpu.memory_space<vmem>>, vector<128x1xf32>
    %dot_general3A_14 = arith.constant dense<0.000000e+00> : vector<1000x1xf32>
    %dot_general3A_15 = tpu.matmul %get3A_10, %get3A_13, %dot_general3A_14 {dimension_numbers = #tpu.dot_dimension_numbers<[1], [0], [0], [1], [0, 0, 1, 1], [], []>, precision = #tpu.contract_precision<fp32>, transpose_lhs_hint = false} : vector<1000x128xf32>, vector<128x1xf32>, vector<1000x1xf32> -> vector<1000x1xf32>
    %get3A_16 = arith.constant 0 : index
    %get3A_17 = arith.constant 0 : index
    %get3A_18 = vector.load %arg5[%get3A_16, %get3A_17] : memref<1x1xf32, #tpu.memory_space<vmem>>, vector<1x1xf32>
    %get3A_19 = vector.extract %get3A_18[0, 0] : f32 from vector<1x1xf32>
    %add3A = vector.broadcast %get3A_19 : f32 to vector<1000x1xf32>
    %add3A_20 = arith.addf %dot_general3A_15, %add3A : vector<1000x1xf32>
    %swap3A_21 = arith.constant 0 : index
    %swap3A_22 = arith.constant 0 : index
    %swap3A_23 = vector.load %arg7[%swap3A_21, %swap3A_22] : memref<1000x1xf32, #tpu.memory_space<vmem>>, vector<1000x1xf32>
    tpu.vector_store %arg7[%swap3A_21, %swap3A_22], %add3A_20 {strides = array<i32>} : memref<1000x1xf32, #tpu.memory_space<vmem>>, vector<1000x1xf32>,
    return
  }
  func.func @transform_0(%arg0: i32) -> (i32, i32) {
    %c0_i32 = arith.constant 0 : i32
    %c0_i32_0 = arith.constant 0 : i32
    return %arg0, %c0_i32 : i32, i32
  }
  func.func @transform_1(%arg0: i32) -> (i32, i32) {
    %c0_i32 = arith.constant 0 : i32
    %c0_i32_0 = arith.constant 0 : i32
    return %arg0, %c0_i32 : i32, i32
  }
  func.func @transform_2(%arg0: i32) -> (i32, i32) {
    %c0_i32 = arith.constant 0 : i32
    %c0_i32_0 = arith.constant 0 : i32
    %c0_i32_1 = arith.constant 0 : i32
    return %c0_i32, %c0_i32_0 : i32, i32
  }
  func.func @transform_3(%arg0: i32) -> (i32, i32) {
    %c0_i32 = arith.constant 0 : i32
    %c0_i32_0 = arith.constant 0 : i32
    %c0_i32_1 = arith.constant 0 : i32
    return %c0_i32, %c0_i32_0 : i32, i32
  }
  func.func @transform_4(%arg0: i32) -> (i32, i32) {
    %c0_i32 = arith.constant 0 : i32
    %c0_i32_0 = arith.constant 0 : i32
    %c0_i32_1 = arith.constant 0 : i32
    return %c0_i32, %c0_i32_0 : i32, i32
  }
  func.func @transform_5(%arg0: i32) -> (i32, i32) {
    %c0_i32 = arith.constant 0 : i32
    %c0_i32_0 = arith.constant 0 : i32
    return %arg0, %c0_i32 : i32, i32
  }
  func.func @transform_6(%arg0: i32) -> (i32, i32) {
    %c0_i32 = arith.constant 0 : i32
    %c0_i32_0 = arith.constant 0 : i32
    return %arg0, %c0_i32 : i32, i32
  }
}

module attributes {stable_mosaic.version = 14 : i64} {
  func.func @_p_tables_kernel(%arg0: i32, %arg1: memref<1000x128xf32, #tpu.memory_space<vmem>>, %arg2: memref<1000x128xf32, #tpu.memory_space<vmem>>, %arg3: memref<128x128xf32, #tpu.memory_space<vmem>>, %arg4: memref<128x128xf32, #tpu.memory_space<vmem>>, %arg5: memref<128x128xf32, #tpu.memory_space<vmem>>, %arg6: memref<1x128xf32, #tpu.memory_space<vmem>>, %arg7: memref<1000x128xf32, #tpu.memory_space<vmem>>, %arg8: memref<1000x128xf32, #tpu.memory_space<vmem>>, %arg9: memref<1000x128xf32, #tpu.memory_space<vmem>>) attributes {dimension_semantics = [#tpu.dimension_semantics<arbitrary>], iteration_bounds = array<i64: 10>, scalar_prefetch = 0 : i64, scratch_operands = 0 : i64, tpu.core_type = #tpu.core_type<tc>, window_params = [{transform_indices = @transform_0, window_bounds = array<i64: 1000, 128>}, {transform_indices = @transform_1, window_bounds = array<i64: 1000, 128>}, {pipeline_mode = #tpu.pipeline_mode<synchronous>, transform_indices = @transform_2, window_bounds = array<i64: 128, 128>}, {pipeline_mode = #tpu.pipeline_mode<synchronous>, transform_indices = @transform_3, window_bounds = array<i64: 128, 128>}, {pipeline_mode = #tpu.pipeline_mode<synchronous>, transform_indices = @transform_4, window_bounds = array<i64: 128, 128>}, {pipeline_mode = #tpu.pipeline_mode<synchronous>, transform_indices = @transform_5, window_bounds = array<i64: 1, 128>}, {transform_indices = @transform_6, window_bounds = array<i64: 1000, 128>}, {transform_indices = @transform_7, window_bounds = array<i64: 1000, 128>}, {transform_indices = @transform_8, window_bounds = array<i64: 1000, 128>}]} {
    %get3A = arith.constant 0 : index
    %get3A_0 = arith.constant 0 : index
    %get3A_1 = vector.load %arg1[%get3A, %get3A_0] : memref<1000x128xf32, #tpu.memory_space<vmem>>, vector<1000x128xf32>
    %get3A_2 = arith.constant 0 : index
    %get3A_3 = arith.constant 0 : index
    %get3A_4 = vector.load %arg3[%get3A_2, %get3A_3] : memref<128x128xf32, #tpu.memory_space<vmem>>, vector<128x128xf32>
    %dot_general3A = arith.constant dense<0.000000e+00> : vector<1000x128xf32>
    %dot_general3A_5 = tpu.matmul %get3A_1, %get3A_4, %dot_general3A {dimension_numbers = #tpu.dot_dimension_numbers<[1], [0], [0], [1], [0, 0, 1, 1], [], []>, precision = #tpu.contract_precision<fp32>, transpose_lhs_hint = false} : vector<1000x128xf32>, vector<128x128xf32>, vector<1000x128xf32> -> vector<1000x128xf32>
    %swap3A = arith.constant 0 : index
    %swap3A_6 = arith.constant 0 : index
    %swap3A_7 = vector.load %arg7[%swap3A, %swap3A_6] : memref<1000x128xf32, #tpu.memory_space<vmem>>, vector<1000x128xf32>
    tpu.vector_store %arg7[%swap3A, %swap3A_6], %dot_general3A_5 {strides = array<i32>} : memref<1000x128xf32, #tpu.memory_space<vmem>>, vector<1000x128xf32>,
    %get3A_8 = arith.constant 0 : index
    %get3A_9 = arith.constant 0 : index
    %get3A_10 = vector.load %arg2[%get3A_8, %get3A_9] : memref<1000x128xf32, #tpu.memory_space<vmem>>, vector<1000x128xf32>
    %get3A_11 = arith.constant 0 : index
    %get3A_12 = arith.constant 0 : index
    %get3A_13 = vector.load %arg4[%get3A_11, %get3A_12] : memref<128x128xf32, #tpu.memory_space<vmem>>, vector<128x128xf32>
    %dot_general3A_14 = arith.constant dense<0.000000e+00> : vector<1000x128xf32>
    %dot_general3A_15 = tpu.matmul %get3A_10, %get3A_13, %dot_general3A_14 {dimension_numbers = #tpu.dot_dimension_numbers<[1], [0], [0], [1], [0, 0, 1, 1], [], []>, precision = #tpu.contract_precision<fp32>, transpose_lhs_hint = false} : vector<1000x128xf32>, vector<128x128xf32>, vector<1000x128xf32> -> vector<1000x128xf32>
    %get3A_16 = arith.constant 0 : index
    %get3A_17 = arith.constant 0 : index
    %get3A_18 = vector.load %arg6[%get3A_16, %get3A_17] : memref<1x128xf32, #tpu.memory_space<vmem>>, vector<1x128xf32>
    %add3A = vector.broadcast %get3A_18 : vector<1x128xf32> to vector<1000x128xf32>
    %add3A_19 = arith.addf %dot_general3A_15, %add3A : vector<1000x128xf32>
    %swap3A_20 = arith.constant 0 : index
    %swap3A_21 = arith.constant 0 : index
    %swap3A_22 = vector.load %arg8[%swap3A_20, %swap3A_21] : memref<1000x128xf32, #tpu.memory_space<vmem>>, vector<1000x128xf32>
    tpu.vector_store %arg8[%swap3A_20, %swap3A_21], %add3A_19 {strides = array<i32>} : memref<1000x128xf32, #tpu.memory_space<vmem>>, vector<1000x128xf32>,
    %get3A_23 = arith.constant 0 : index
    %get3A_24 = arith.constant 0 : index
    %get3A_25 = vector.load %arg1[%get3A_23, %get3A_24] : memref<1000x128xf32, #tpu.memory_space<vmem>>, vector<1000x128xf32>
    %get3A_26 = arith.constant 0 : index
    %get3A_27 = arith.constant 0 : index
    %get3A_28 = vector.load %arg5[%get3A_26, %get3A_27] : memref<128x128xf32, #tpu.memory_space<vmem>>, vector<128x128xf32>
    %dot_general3A_29 = arith.constant dense<0.000000e+00> : vector<1000x128xf32>
    %dot_general3A_30 = tpu.matmul %get3A_25, %get3A_28, %dot_general3A_29 {dimension_numbers = #tpu.dot_dimension_numbers<[1], [0], [0], [1], [0, 0, 1, 1], [], []>, precision = #tpu.contract_precision<fp32>, transpose_lhs_hint = false} : vector<1000x128xf32>, vector<128x128xf32>, vector<1000x128xf32> -> vector<1000x128xf32>
    %swap3A_31 = arith.constant 0 : index
    %swap3A_32 = arith.constant 0 : index
    %swap3A_33 = vector.load %arg9[%swap3A_31, %swap3A_32] : memref<1000x128xf32, #tpu.memory_space<vmem>>, vector<1000x128xf32>
    tpu.vector_store %arg9[%swap3A_31, %swap3A_32], %dot_general3A_30 {strides = array<i32>} : memref<1000x128xf32, #tpu.memory_space<vmem>>, vector<1000x128xf32>,
    return
  }
  func.func @transform_0(%arg0: i32) -> (i32, i32) {
    %c0_i32 = arith.constant 0 : i32
    %c0_i32_0 = arith.constant 0 : i32
    return %arg0, %c0_i32 : i32, i32
  }
  func.func @transform_1(%arg0: i32) -> (i32, i32) {
    %c0_i32 = arith.constant 0 : i32
    %c0_i32_0 = arith.constant 0 : i32
    return %arg0, %c0_i32 : i32, i32
  }
  func.func @transform_2(%arg0: i32) -> (i32, i32) {
    %c0_i32 = arith.constant 0 : i32
    %c0_i32_0 = arith.constant 0 : i32
    %c0_i32_1 = arith.constant 0 : i32
    return %c0_i32, %c0_i32_0 : i32, i32
  }
  func.func @transform_3(%arg0: i32) -> (i32, i32) {
    %c0_i32 = arith.constant 0 : i32
    %c0_i32_0 = arith.constant 0 : i32
    %c0_i32_1 = arith.constant 0 : i32
    return %c0_i32, %c0_i32_0 : i32, i32
  }
  func.func @transform_4(%arg0: i32) -> (i32, i32) {
    %c0_i32 = arith.constant 0 : i32
    %c0_i32_0 = arith.constant 0 : i32
    %c0_i32_1 = arith.constant 0 : i32
    return %c0_i32, %c0_i32_0 : i32, i32
  }
  func.func @transform_5(%arg0: i32) -> (i32, i32) {
    %c0_i32 = arith.constant 0 : i32
    %c0_i32_0 = arith.constant 0 : i32
    %c0_i32_1 = arith.constant 0 : i32
    return %c0_i32, %c0_i32_0 : i32, i32
  }
  func.func @transform_6(%arg0: i32) -> (i32, i32) {
    %c0_i32 = arith.constant 0 : i32
    %c0_i32_0 = arith.constant 0 : i32
    return %arg0, %c0_i32 : i32, i32
  }
  func.func @transform_7(%arg0: i32) -> (i32, i32) {
    %c0_i32 = arith.constant 0 : i32
    %c0_i32_0 = arith.constant 0 : i32
    return %arg0, %c0_i32 : i32, i32
  }
  func.func @transform_8(%arg0: i32) -> (i32, i32) {
    %c0_i32 = arith.constant 0 : i32
    %c0_i32_0 = arith.constant 0 : i32
    return %arg0, %c0_i32 : i32, i32
  }
}

module attributes {stable_mosaic.version = 14 : i64} {
  func.func @_finalize_kernel(%arg0: memref<10000x128xf32, #tpu.memory_space<vmem>>, %arg1: memref<10000x128xf32, #tpu.memory_space<vmem>>, %arg2: memref<10000x128xf32, #tpu.memory_space<vmem>>, %arg3: memref<10000x128xf32, #tpu.memory_space<vmem>>, %arg4: memref<32x10000xf32, #tpu.memory_space<vmem>>, %arg5: memref<32x10000xf32, #tpu.memory_space<vmem>>, %arg6: memref<32x10000xf32, #tpu.memory_space<vmem>>, %arg7: memref<10000x128xf32, #tpu.memory_space<vmem>>, %arg8: memref<10000x128xf32, #tpu.memory_space<vmem>>) attributes {dimension_semantics = [], scalar_prefetch = 0 : i64, scratch_operands = 0 : i64, tpu.core_type = #tpu.core_type<tc>} {
    %get3A = arith.constant 0 : index
    %get3A_0 = arith.constant 0 : index
    %get3A_1 = vector.load %arg4[%get3A, %get3A_0] : memref<32x10000xf32, #tpu.memory_space<vmem>>, vector<32x10000xf32>
    %reduce_sum3A = arith.constant dense<0.000000e+00> : vector<10000xf32>
    %reduce_sum3A_2 = vector.multi_reduction <add>, %get3A_1, %reduce_sum3A [0] : vector<32x10000xf32> to vector<10000xf32>
    %broadcast_in_dim3A = vector.shape_cast %reduce_sum3A_2 : vector<10000xf32> to vector<10000x1xf32>
    %get3A_3 = arith.constant 0 : index
    %get3A_4 = arith.constant 0 : index
    %get3A_5 = vector.load %arg5[%get3A_3, %get3A_4] : memref<32x10000xf32, #tpu.memory_space<vmem>>, vector<32x10000xf32>
    %reduce_sum3A_6 = arith.constant dense<0.000000e+00> : vector<10000xf32>
    %reduce_sum3A_7 = vector.multi_reduction <add>, %get3A_5, %reduce_sum3A_6 [0] : vector<32x10000xf32> to vector<10000xf32>
    %broadcast_in_dim3A_8 = vector.shape_cast %reduce_sum3A_7 : vector<10000xf32> to vector<10000x1xf32>
    %get3A_9 = arith.constant 0 : index
    %get3A_10 = arith.constant 0 : index
    %get3A_11 = vector.load %arg6[%get3A_9, %get3A_10] : memref<32x10000xf32, #tpu.memory_space<vmem>>, vector<32x10000xf32>
    %reduce_sum3A_12 = arith.constant dense<0.000000e+00> : vector<10000xf32>
    %reduce_sum3A_13 = vector.multi_reduction <add>, %get3A_11, %reduce_sum3A_12 [0] : vector<32x10000xf32> to vector<10000xf32>
    %broadcast_in_dim3A_14 = vector.shape_cast %reduce_sum3A_13 : vector<10000xf32> to vector<10000x1xf32>
    %get3A_15 = arith.constant 0 : index
    %get3A_16 = arith.constant 0 : index
    %get3A_17 = vector.load %arg0[%get3A_15, %get3A_16] : memref<10000x128xf32, #tpu.memory_space<vmem>>, vector<10000x128xf32>
    %get3A_18 = arith.constant 0 : index
    %get3A_19 = arith.constant 0 : index
    %get3A_20 = vector.load %arg2[%get3A_18, %get3A_19] : memref<10000x128xf32, #tpu.memory_space<vmem>>, vector<10000x128xf32>
    %mul3A = vector.broadcast %broadcast_in_dim3A : vector<10000x1xf32> to vector<10000x128xf32>
    %mul3A_21 = arith.mulf %get3A_20, %mul3A : vector<10000x128xf32>
    %add3A = arith.addf %get3A_17, %mul3A_21 : vector<10000x128xf32>
    %get3A_22 = arith.constant 0 : index
    %get3A_23 = arith.constant 0 : index
    %get3A_24 = vector.load %arg1[%get3A_22, %get3A_23] : memref<10000x128xf32, #tpu.memory_space<vmem>>, vector<10000x128xf32>
    %get3A_25 = arith.constant 0 : index
    %get3A_26 = arith.constant 0 : index
    %get3A_27 = vector.load %arg3[%get3A_25, %get3A_26] : memref<10000x128xf32, #tpu.memory_space<vmem>>, vector<10000x128xf32>
    %mul3A_28 = vector.broadcast %broadcast_in_dim3A_8 : vector<10000x1xf32> to vector<10000x128xf32>
    %mul3A_29 = arith.mulf %get3A_27, %mul3A_28 : vector<10000x128xf32>
    %add3A_30 = arith.addf %get3A_24, %mul3A_29 : vector<10000x128xf32>
    %eq3A = arith.constant 0.000000e+00 : f32
    %eq3A_31 = vector.broadcast %eq3A : f32 to vector<10000x1xf32>
    %eq3A_32 = arith.cmpf oeq, %broadcast_in_dim3A, %eq3A_31 : vector<10000x1xf32>
    %jit3A = arith.constant 9.99999996E-13 : f32
    %broadcast_in_dim3A_33 = vector.broadcast %jit3A : f32 to vector<10000x1xf32>
    %select_n3A = arith.select %eq3A_32, %broadcast_in_dim3A_33, %broadcast_in_dim3A : vector<10000x1xi1>, vector<10000x1xf32>
    %div3A = vector.broadcast %select_n3A : vector<10000x1xf32> to vector<10000x128xf32>
    %div3A_34 = arith.divf %add3A, %div3A : vector<10000x128xf32>
    %max3A = arith.constant 0.000000e+00 : f32
    %max3A_35 = vector.broadcast %max3A : f32 to vector<10000x128xf32>
    %max3A_36 = arith.maximumf %div3A_34, %max3A_35 : vector<10000x128xf32>
    %swap3A = arith.constant 0 : index
    %swap3A_37 = arith.constant 0 : index
    %swap3A_38 = vector.load %arg7[%swap3A, %swap3A_37] : memref<10000x128xf32, #tpu.memory_space<vmem>>, vector<10000x128xf32>
    tpu.vector_store %arg7[%swap3A, %swap3A_37], %max3A_36 {strides = array<i32>} : memref<10000x128xf32, #tpu.memory_space<vmem>>, vector<10000x128xf32>,
    %max3A_39 = arith.constant 1.000000e+00 : f32
    %max3A_40 = vector.broadcast %max3A_39 : f32 to vector<10000x1xf32>
    %max3A_41 = arith.maximumf %broadcast_in_dim3A_14, %max3A_40 : vector<10000x1xf32>
    %div3A_42 = vector.broadcast %max3A_41 : vector<10000x1xf32> to vector<10000x128xf32>
    %div3A_43 = arith.divf %add3A_30, %div3A_42 : vector<10000x128xf32>
    %max3A_44 = arith.constant 0.000000e+00 : f32
    %max3A_45 = vector.broadcast %max3A_44 : f32 to vector<10000x128xf32>
    %max3A_46 = arith.maximumf %div3A_43, %max3A_45 : vector<10000x128xf32>
    %swap3A_47 = arith.constant 0 : index
    %swap3A_48 = arith.constant 0 : index
    %swap3A_49 = vector.load %arg8[%swap3A_47, %swap3A_48] : memref<10000x128xf32, #tpu.memory_space<vmem>>, vector<10000x128xf32>
    tpu.vector_store %arg8[%swap3A_47, %swap3A_48], %max3A_46 {strides = array<i32>} : memref<10000x128xf32, #tpu.memory_space<vmem>>, vector<10000x128xf32>,
    return
  }
}

</mosaic_0001>

<sc_bundles>
// kernel: kernel.10.cloned.1.call-start
scs
__scs_entry_jumppad:
0x0: {  	(pc) =	sbr.rel $0x88, $3  }
0x1: {  	(tag) =	ssettag $0x0;
	lr =	simm.s32 $0x1  }
0x2: {  	[smem:$0x3F9A] =	sst lr;
	_ =	strace $0xD0000000  }
0x3: {  	_ = 	snop  }
0x4: {  	_ = 	snop  }
0x5: {  	_ = 	snop  }
0x6: {  	_ = 	snop  }
0x7: {  	_ = 	snop  }
__scs_overlays_trampoline_lowered:
0x8: {  	[smem:$0x3FA9] =	sst s0  }
0x9: {  	[smem:$0x3FAA] =	sst s1  }
0xa: {  	[smem:$0x3FAB] =	sst s2  }
0xb: {  	[smem:$0x3FAC] =	sst s3  }
0xc: {  	[smem:$0x3FAD] =	sst s4  }
0xd: {  	[smem:$0x3FAE] =	sst s5  }
0xe: {  	[smem:$0x3FAF] =	sst s6  }
0xf: {  	[smem:$0x3FB0] =	sst s7  }
0x10: {  	[smem:$0x3FB1] =	sst s8  }
0x11: {  	[smem:$0x3FB2] =	sst s9;
	s0 =	simm.s32 @!p0 $0x0  }
0x12: {  	s1 =	sld [smem:$0x3F98];
	s0 =	simm.s32 @p0 $0x1  }
0x13: {  	[smem:$0x3FB3] =	sst s0;
	s0 =	simm.s32 @!p1 $0x0  }
0x14: {  	s2 =	sld [smem:$0x3F97];
	s0 =	simm.s32 @p1 $0x1  }
0x15: {  	[smem:$0x3FB4] =	sst s0;
	s0 =	simm.s32 @!p2 $0x0  }
0x16: {  	s3 =	sld [smem:$0x3FDB];
	s0 =	simm.s32 @p2 $0x1  }
0x17: {  	s4 =	simm.s32 $0x1BF5;
	[smem:$0x3FB6] =	sst s0  }
0x18: {  	s0 =	sld [smem:$0x3F99];
	_ =	swait.ge [sflag:s4], $0x0  }
0x19: {  	s7 =	sld [smem:$0x3F9A]  }
0x1a: {  	s8 =	sadd.s32 $0xFFFFE003, lr  }
0x1b: {  	s9 =	sadd.s32 $0xFFFFFEF7, lr;
	s5 =	simm.s32 $0xFFFFFFFF;
	p2 =	slt.u32 s8, $0xFFFFF086  }
0x1c: {  	p1 =	slt.u32 s9, $0xF7A;
	s5 =	simm.s32 @!p2 $0x0  }
0x1d: {  	s5 =	simm.s32 @p1 $0x1;
	p0 =	seq.s32 s7, s2  }
0x1e: {  	s7 =	smul.u32 @!p0 $0xF7A, s2;
	p2 =	seq.s32 @!p0 s5, $0x0  }
0x1f: {  	s9 =	smul.u32 $0xF7A, s1;
	s8 =	simm.s32 @!p0 $0x1BF5;
	p2 =	por !p2, p0  }
0x20: {  	[sflag:s8] =	ssyncset.s32 @!p0 $0xFFFFF086;
	s6 =	sadd.s32 @!p0 s3, s7;
	s7 =	simm.s32 @!p0 $0x108  }
0x21: {  	s3 =	sadd.s32 s3, s9;
	s6 =	sadd.s32 @!p0 $0x88, s6;
	s7 =	simm.s32 @p2 $0x1082  }
0x22: {  	[simem:s7], [sflag:s8] =	dma.local @!p0 [hbm:s6], $0xF7A  }
0x23: {  	s9 =	sor.u32 $0xD0000000, s2;
	s6 =	simm.s32 $0x108;
	_ =	swait.ge @!p0 [sflag:s8], $0x0  }
0x24: {  	s3 =	sadd.s32 $0x88, s3;
	s6 =	simm.s32 @!p1 $0x1082;
	[sflag:s4] =	ssyncset.s32 $0xFFFFF086  }
0x25: {  	[simem:s6], [sflag:s4] =	dma.local [hbm:s3], $0xF7A  }
0x26: {  	[smem:$0x3F9A] =	sst s1;
	(tag) =	ssettag s2;
	_ =	strace s9  }
0x27: {  	s1 =	sld [smem:$0x3FAA]  }
0x28: {  	s2 =	sld [smem:$0x3FAB]  }
0x29: {  	s4 =	sld [smem:$0x3FAD]  }
0x2a: {  	p0 =	seq.s32 s5, $0x0;
	s5 =	sld [smem:$0x3FAE]  }
0x2b: {  	s6 =	sld [smem:$0x3FAF]  }
0x2c: {  	s7 =	sld [smem:$0x3FB0]  }
0x2d: {  	s3 =	simm.s32 $0x108;
	s8 =	sld [smem:$0x3FB1]  }
0x2e: {  	s3 =	simm.s32 @!p0 $0x1082;
	s9 =	sld [smem:$0x3FB2]  }
0x2f: {  	lr =	sadd.s32 s0, s3;
	s0 =	sld [smem:$0x3FA9]  }
0x30: {  	s3 =	sld [smem:$0x3FAC]  }
0x31: {  	[smem:$0x3FB5] =	sst s10  }
0x32: {  	s10 =	sld [smem:$0x3FB3];
	_ =	sdelay $0x3  }
0x33: {  	p0 =	seq.s32 s10, $0x1;
	s10 =	sld [smem:$0x3FB5];
	_ =	sdelay $0x3  }
0x34: {  	[smem:$0x3FB5] =	sst s10  }
0x35: {  	s10 =	sld [smem:$0x3FB4];
	_ =	sdelay $0x3  }
0x36: {  	p1 =	seq.s32 s10, $0x1;
	s10 =	sld [smem:$0x3FB5];
	_ =	sdelay $0x3  }
0x37: {  	[smem:$0x3FB5] =	sst s10  }
0x38: {  	s10 =	sld [smem:$0x3FB6]  }
0x39: {  	_ = 	snop;
	(pc) =	sbr.ind lr, $3  }
0x3a: {  	_ = 	snop  }
0x3b: {  	_ = 	snop  }
0x3c: {  	p2 =	seq.s32 s10, $0x1;
	s10 =	sld [smem:$0x3FB5]  }
0x3d: {  	_ =	shalt  }
0x3e: {  	_ =	shalt  }
0x3f: {  	_ =	shalt  }
0x40: {  	_ =	shalt  }
0x41: {  	_ =	shalt  }
0x42: {  	_ =	shalt  }
0x43: {  	_ =	shalt  }
0x44: {  	_ =	shalt  }
0x45: {  	_ =	shalt  }
0x46: {  	_ =	shalt  }
0x47: {  	_ =	shalt  }
0x48: {  	_ =	shalt  }
0x49: {  	_ =	shalt  }
0x4a: {  	_ =	shalt  }
0x4b: {  	_ =	shalt  }
0x4c: {  	_ =	shalt  }
0x4d: {  	_ =	shalt  }
0x4e: {  	_ =	shalt  }
0x4f: {  	_ =	shalt  }
0x50: {  	_ =	shalt  }
0x51: {  	_ =	shalt  }
0x52: {  	_ =	shalt  }
0x53: {  	_ =	shalt  }
0x54: {  	_ =	shalt  }
0x55: {  	_ =	shalt  }
0x56: {  	_ =	shalt  }
0x57: {  	_ =	shalt  }
0x58: {  	_ =	shalt  }
0x59: {  	_ =	shalt  }
0x5a: {  	_ =	shalt  }
0x5b: {  	_ =	shalt  }
0x5c: {  	_ =	shalt  }
0x5d: {  	_ =	shalt  }
0x5e: {  	_ =	shalt  }
0x5f: {  	_ =	shalt  }
0x60: {  	_ =	shalt  }
0x61: {  	_ =	shalt  }
0x62: {  	_ =	shalt  }
0x63: {  	_ =	shalt  }
0x64: {  	_ =	shalt  }
0x65: {  	_ =	shalt  }
0x66: {  	_ =	shalt  }
0x67: {  	_ =	shalt  }
0x68: {  	_ =	shalt  }
0x69: {  	_ =	shalt  }
0x6a: {  	_ =	shalt  }
0x6b: {  	_ =	shalt  }
0x6c: {  	_ =	shalt  }
0x6d: {  	_ =	shalt  }
0x6e: {  	_ =	shalt  }
0x6f: {  	_ =	shalt  }
0x70: {  	_ =	shalt  }
0x71: {  	_ =	shalt  }
0x72: {  	_ =	shalt  }
0x73: {  	_ =	shalt  }
0x74: {  	_ =	shalt  }
0x75: {  	_ =	shalt  }
0x76: {  	_ =	shalt  }
0x77: {  	_ =	shalt  }
0x78: {  	_ =	shalt  }
0x79: {  	_ =	shalt  }
0x7a: {  	_ =	shalt  }
0x7b: {  	_ =	shalt  }
0x7c: {  	_ =	shalt  }
0x7d: {  	_ =	shalt  }
0x7e: {  	_ =	shalt  }
0x7f: {  	_ =	shalt  }
0x80: {  	_ =	shalt  }
0x81: {  	_ =	shalt  }
0x82: {  	_ =	shalt  }
0x83: {  	_ =	shalt  }
0x84: {  	_ =	shalt  }
0x85: {  	_ =	shalt  }
0x86: {  	_ =	shalt  }
0x87: {  	_ =	shalt  }
.Lfunc_end0:
.L_simem_size_0:
called_computation.1_lowered:
.L_overlay_start_0:
0x88: {  	s2 =	sld [smem:$0x3FD9]  }
0x89: {  	s3 =	sld [smem:$0x3FFE];
	_ =	sdelay $0x1  }
0x8a: {  	s1 =	srdreg.scid  }
0x8b: {  	s0 =	sand.u32 $0x1, s1  }
0x8c: {  	s14 =	sshll.u32 s0, $0xA;
	s2 =	sadd.s32 s3, s2  }
0x8d: {  	s2 =	sadd.s32 s2, s14  }
0x8e: {  	[smem:$0x3FC1] =	sst s2  }
0x8f: {  	_ = 	snop  }
0x90: {  	s2 =	sld [smem:$0x3FD0];
	_ =	sdelay $0x2  }
0x91: {  	s15 =	simm.s32 $0xA;
	s4 =	simm.s32 $0x10  }
0x92: {  	[smem:s4], [sflag:s15] =	dma.local [hbm:s2], $0x1  }
0x93: {  	_ =	swait.eq [sflag:s15], $0x1  }
0x94: {  	[sflag:s15] =	ssyncset.done $0x0  }
0x95: {  	s16 =	sld [smem:$0x10];
	[sflag:s15] =	ssyncadd.s32 $0xFFFFFFFF  }
0x96: {  	s17 =	sld [smem:$0x11];
	(tm) =	ssettm $0x1  }
0x97: {  	s18 =	sld [smem:$0x3FFB];
	_ =	sdelay $0x3  }
0x98: {  	_ =	strace s18  }
0x99: {  	s4 =	sld [smem:$0x3FFC];
	_ =	sdelay $0x3  }
0x9a: {  	_ =	strace s4  }
0x9b: {  	s4 =	sld [smem:$0x3FFD];
	_ =	sdelay $0x3  }
0x9c: {  	_ =	strace s4  }
0x9d: {  	_ =	strace $0x8FFFFFFF  }
0x9e: {  	s19 =	sld [smem:$0x3FDB];
	_ =	sdelay $0x1  }
0x9f: {  	s5 =	simm.s32 $_scs_section_size  }
0xa0: {  	s6 =	simm.s32 $_size__tile_overlayer_lowered;
	s7 =	simm.s32 $_tile_overlayer_lowered  }
0xa1: {  	s22 =	simm.s32 $0x1BFF;
	s21 =	sshll.u32 s7, $0x1;
	s4 =	sadd.s32 s5, s19  }
0xa2: {  	s8 =	simm.s32 $0x0;
	s20 =	sshll.u32 s6, $0x1;
	s6 =	sadd.s32 s21, s4  }
0xa3: {  	[timem:s8], [sflag:s22] =	dma.local [hbm:s6], s20  }
0xa4: {  	_ =	swait.ge [sflag:s22], s20  }
0xa5: {  	s5 =	ssub.s32 $0x0, s20;
	[sflag:s22] =	ssyncset.done $0x0  }
0xa6: {  	[sflag:s22] =	ssyncadd.s32 s5;
	_ =	sdelay $0x1  }
0xa7: {  	s23 =	simm.s32 $0x1B8B  }
0xa8: {  	_ =	swait.ge [sflag:s23], $0x1  }
0xa9: {  	[sflag:s23] =	ssyncset.done $0x0  }
0xaa: {  	s25 =	simm.s32 $0x1B8E;
	s24 =	sld [smem:$0x3FFE];
	[sflag:s23] =	ssyncadd.s32 $0xFFFFFFFF  }
0xab: {  	s26 =	simm.s32 $execute0_lowered;
	[smem:$0x3FD2] =	sst s25  }
0xac: {  	s6 =	sshll.u32 s26, $0x1;
	_ =	strace $0x80000049;
	[dreg:$0x1] =	wrdreg $0xFFFFFFFF  }
0xad: {  	s28 =	simm.s32 $_size_execute0_lowered;
	s4 =	sadd.s32 s4, s6;
	[dreg:$0x0] =	wrdreg $0x0  }
0xae: {  	s6 =	sshll.u32 s28, $0x1;
	[dreg:$0x2] =	wrdreg s4  }
0xaf: {  	[dreg:$0x3] =	wrdreg s6  }
0xb0: {  	[dreg:$0x4] =	wrdreg $0xC0  }
0xb1: {  	_ =	task [dreg:s8], $0x5FFFF  }
0xb2: {  	[dreg:$0x1] =	wrdreg $0xFFFFFFFF  }
0xb3: {  	[dreg:$0x0] =	wrdreg $0x60  }
0xb4: {  	[dreg:$0x2] =	wrdreg s24  }
0xb5: {  	[dreg:$0x3] =	wrdreg s17  }
0xb6: {  	[dreg:$0x4] =	wrdreg s16  }
0xb7: {  	[dreg:$0x5] =	wrdreg $0xA5000  }
0xb8: {  	[dreg:$0x6] =	wrdreg $0x9  }
0xb9: {  	_ =	task.clear_ibuf [dreg:s8], $0x7FFFF;
	_ =	strace $0x90000049  }
0xba: {  	s29 =	simm.s32 $0x9;
	_ =	strace $0x8000004B  }
0xbb: {  	_ =	swait.ge [sflag:s29], $0x1  }
0xbc: {  	[sflag:s29] =	ssyncadd.s32 $0xFFFFFFFF  }
0xbd: {  	_ =	strace $0x9000004B  }
0xbe: {  	_ =	sfence  }
0xbf: {  	s30 =	sld [smem:$0x0];
	_ =	sdelay $0x2  }
0xc0: {  	s31 =	sshll.u32 s1, $0xD;
	s1 =	sshrl.u32 s1, $0x2  }
0xc1: {  	s3 =	sand.u32 $0x4000, s31;
	s1 =	sadd.s32 s1, s30  }
0xc2: {  	s0 =	sor.u32 s3, s0;
	s1 =	sshll.u32 s1, $0x11  }
0xc3: {  	s0 =	sor.u32 s1, s0  }
0xc4: {  	s0 =	sadd.s32 $0x8F2B, s0  }
0xc5: {  	[sflag:s0] =	ssyncadd.remote.s32 $0x1  }
0xc6: {  	_ =	sfence.sel $0xFFFF  }
0xc7: {  	[dreg:$0x0] =	wrdreg $0xFFFFFFFF;
	(pc) =	sbr.abs _section_cstart, $3  }
0xc8: {  	[dreg:$0x1] =	wrdreg $0xFFFFFFFF  }
0xc9: {  	_ =	task.clear_ibuf [dreg:s8], $0x2FFFF;
	_ =	strace $0x9FFFFFFF  }
0xca: {  	(tm) =	ssettm $0x7FFFFFFF  }
0xcb: {  	_ =	shalt  }
tec
execute0_lowered:
.L_overlay_start_1:
0x0: {  	(tag) =	ssettag $0x1  }
0x1: {  	s0 =	rddreg [dreg:$0x0]  }
0x2: {  	s1 =	rddreg [dreg:$0x1]  }
0x3: {  	s2 =	rddreg [dreg:$0x2]  }
0x4: {  	s3 =	rddreg [dreg:$0x3];
	s4 =	simm.s32 $0x0  }
0x5: {  	s15 =	stileid.u32;
	s5 =	srdreg.scid;
	s31 =	simm.s32 $0x400  }
0x6: {  	s28 =	simm.s32 $0x380;
	s29 =	simm.s32 $0x5400;
	[smem:$0x7FF] =	sst s4  }
0x7: {  	s6 =	sadd.s32 $0x14800, s0;
	s7 =	sadd.s32 $0xAA00, s0;
	s8 =	sadd.s32 $0xC00, s0  }
0x8: {  	s9 =	sadd.s32 $0x1F800, s0;
	s12 =	smul.u32 $0x500, s15;
	s10 =	sand.u32 $0x1, s5  }
0x9: {  	s11 =	sadd.s32 $0x47000, s0;
	s13 =	smul.u32 $0x4E20, s15;
	s14 =	ssub.s32 $0x8C, s15  }
0xa: {  	s23 =	smul.u32 $0xA000, s15;
	_ =	strace $0x8000004A;
	s5 =	ssub.s32 $0x2, s10  }
0xb: {  	s20 =	sshrl.u32 s14, $0x4;
	p0 =	seq.s32 s10, $0x0;
	s14 =	simm.s32 $0x280  }
0xc: {  	s0 =	sadd.s32 s12, s0;
	s25 =	sshrl.u32 s5, $0x1;
	s26 =	sshrl.u32 s13, $0x3  }
0xd: {  	[dreg:$0x5] =	wrdreg s20;
	s5 =	ssub.s32 s5, s25;
	s30 =	sadd.s32 s6, s26  }
0xe: {  	s16 =	sadd.s32 s7, s26;
	s17 =	sadd.s32 $0xA, s26;
	[dreg:$0x6] =	wrdreg s30  }
0xf: {  	s12 =	sadd.s32 s9, s26;
	s25 =	ssub.s32 $0x0, s10;
	[dreg:$0x7] =	wrdreg s16  }
0x10: {  	s16 =	sadd.s32 s8, s26;
	[dreg:$0x9] =	wrdreg s12;
	s18 =	sadd.s32 s6, s17  }
0x11: {  	s19 =	sadd.s32 s7, s17;
	s21 =	sadd.s32 s8, s17;
	[dreg:$0x8] =	wrdreg s16  }
0x12: {  	s22 =	sadd.s32 s9, s17;
	s5 =	smax.u32 s5, $0x1;
	[dreg:$0xa] =	wrdreg s18  }
0x13: {  	s24 =	sand.u32 $0x80, s25;
	s26 =	sshrl.u32 s23, $0x2;
	[dreg:$0xb] =	wrdreg s19  }
0x14: {  	s25 =	simm.s32 $0x180;
	s30 =	sadd.s32 $0x95400, s0;
	[dreg:$0xc] =	wrdreg s21  }
0x15: {  	s0 =	sadd.s32 $0x6E200, s0;
	s17 =	simm.s32 $0x50;
	[dreg:$0xd] =	wrdreg s22  }
.Ltmp0:
0x16: {  	s21 =	sadd.s32 $0xA0, s13;
	[dreg:$0xe] =	wrdreg s5;
	(pc) =	sbr.rel .LBB2_1-.Ltmp0, $4  }
0x17: {  	s22 =	sadd.s32 $0xF0, s13;
	s25 =	simm.s32 @!p0 $0x200;
	[dreg:$0x10] =	wrdreg s30  }
0x18: {  	s23 =	sadd.s32 s26, s3;
	[dreg:$0x11] =	wrdreg s0;
	p0 =	sne.s32 s10, $0x0  }
0x19: {  	s0 =	simm.s32 $0x7;
	s18 =	simm.s32 $0x3;
	s19 =	simm.s32 $0x2  }
0x1a: {  	v0 =	vimm.f32 $0.0e+00;
	s5 =	simm.s32 $0x4;
	s13 =	simm.s32 $0x0;
	[dreg:$0xf] =	wrdreg s23  }
.LBB2_18:
0x1b: {  	[sflag:s0] =	ssyncset.done $0x0  }
0x1c: {  	s13 =	rddreg [dreg:$0x12];
	[sflag:s0] =	ssyncadd.s32 $0xFFFFFB00  }
.LBB2_19:
0x1d: {  	s13 =	sadd.s32 $0x1, s13;
	s12 =	rddreg [dreg:$0xe]  }
0x1e: {  	p1 =	sne.s32 s13, s12  }
.Ltmp1:
0x1f: {  	_ = 	snop;
	(pc) =	sbr.rel @!p1 .LBB2_20-.Ltmp1, $1  }
0x20: {  	_ =	sdelay $0x3  }
.LBB2_1:
0x21: {  	[dreg:$0x12] =	wrdreg s13;
	s12 =	simm.s32 $0x0;
	s13 =	simm.s32 $0x200  }
.LBB2_2:
0x22: {  	p1 =	sne.s32 s13, $0x9E00;
	[tilespmem:s12+$0x470] =	vst v0  }
0x23: {  	[tilespmem:s12+$0x400] =	vst v0  }
0x24: {  	[tilespmem:s12+$0x410] =	vst v0  }
.Ltmp2:
0x25: {  	[tilespmem:s12+$0x420] =	vst v0;
	(pc) =	sbr.rel @p1 .LBB2_2-.Ltmp2, $4  }
0x26: {  	[tilespmem:s12+$0x430] =	vst v0  }
0x27: {  	[tilespmem:s12+$0x440] =	vst v0  }
0x28: {  	[tilespmem:s12+$0x450] =	vst v0  }
0x29: {  	[tilespmem:s12+$0x460] =	vst v0;
	s12 =	sshra.s32 s13, $0x2;
	s13 =	sadd.s32 $0x200, s13  }
0x2a: {  	[tilespmem:s12+$0x470] =	vst v0  }
0x2b: {  	[tilespmem:s12+$0x400] =	vst v0  }
0x2c: {  	[tilespmem:s12+$0x410] =	vst v0  }
0x2d: {  	[tilespmem:s12+$0x420] =	vst v0  }
0x2e: {  	[tilespmem:s12+$0x430] =	vst v0  }
0x2f: {  	[tilespmem:s12+$0x440] =	vst v0;
	p1 =	sne.s32 s20, $0x1  }
.Ltmp3:
0x30: {  	[tilespmem:s12+$0x450] =	vst v0;
	(pc) =	sbr.rel @!p1 .LBB2_5-.Ltmp3, $4  }
0x31: {  	[tilespmem:s12+$0x460] =	vst v0  }
0x32: {  	[spmem:s23] =	stream.linear.scatter [tilespmem:s31], [sflag:$0x7], $0x2800, $0x38;
	[tilespmem:$0x1DD80] =	vst v63  }
0x33: {  	_ =	swait.ge [sflag:s0], $0x2800  }
0x34: {  	s12 =	sadd.s32 $0xFFFFFFFF, s20;
	s13 =	smov.u32 s23;
	[sflag:s0] =	ssyncset.done $0x0  }
.LBB2_4:
0x35: {  	p1 =	sne.s32 s12, $0x1;
	[sflag:s0] =	ssyncadd.s32 $0xFFFFD800;
	s13 =	sadd.s32 $0x28000, s13  }
.Ltmp4:
0x36: {  	s12 =	sadd.s32 $0xFFFFFFFF, s12;
	(pc) =	sbr.rel @p1 .LBB2_4-.Ltmp4, $4  }
0x37: {  	_ = 	snop  }
0x38: {  	[spmem:s13] =	stream.linear.scatter [tilespmem:s31], [sflag:$0x7], $0x2800, $0x38;
	[tilespmem:$0x1DD80] =	vst v63  }
0x39: {  	_ =	swait.ge [sflag:s0], $0x2800  }
0x3a: {  	[sflag:s0] =	ssyncset.done $0x0  }
.LBB2_5:
0x3b: {  	[sflag:s0] =	ssyncadd.s32 $0xFFFFD800  }
0x3c: {  	[bflag:$0x0] =	sbarrier.arrive $0xFFFF  }
0x3d: {  	s12 =	rddreg [dreg:$0x6]  }
0x3e: {  	[tilespmem:s4], [sflag:$0x1] =	stream.linear.gather [hbm4b:s12+s4], $0x50, $0x38;
	[tilespmem:$0x1DD80] =	vst v63  }
0x3f: {  	s13 =	simm.s32 $0x80;
	s26 =	rddreg [dreg:$0x7]  }
0x40: {  	[tilespmem:s13], [sflag:$0x1] =	stream.linear.gather [hbm4b:s26+s4], $0x50, $0x38;
	[tilespmem:$0x1DD80] =	vst v63  }
0x41: {  	s15 =	simm.s32 $0x100;
	s30 =	rddreg [dreg:$0x8]  }
0x42: {  	[tilespmem:s15], [sflag:$0x1] =	stream.linear.gather [hbm4b:s30+s4], $0x50, $0x38;
	[tilespmem:$0x1DD80] =	vst v63  }
0x43: {  	s16 =	simm.s32 $0xA400;
	s13 =	rddreg [dreg:$0x9]  }
0x44: {  	[tilespmem:s16], [sflag:$0x1] =	stream.linear.gather [hbm4b:s13+s4], $0x50, $0x38;
	[tilespmem:$0x1DD80] =	vst v63  }
0x45: {  	s23 =	simm.s32 $0x180;
	s20 =	rddreg [dreg:$0xa]  }
0x46: {  	[tilespmem:s23], [sflag:$0x2] =	stream.linear.gather [hbm4b:s20+s4], $0x50, $0x38;
	[tilespmem:$0x1DD80] =	vst v63  }
0x47: {  	s26 =	rddreg [dreg:$0xb];
	s30 =	simm.s32 $0x200  }
0x48: {  	[tilespmem:s30], [sflag:$0x2] =	stream.linear.gather [hbm4b:s26+s4], $0x50, $0x38;
	[tilespmem:$0x1DD80] =	vst v63  }
0x49: {  	s16 =	rddreg [dreg:$0xc]  }
0x4a: {  	[tilespmem:s14], [sflag:$0x2] =	stream.linear.gather [hbm4b:s16+s4], $0x50, $0x38;
	[tilespmem:$0x1DD80] =	vst v63  }
0x4b: {  	s20 =	rddreg [dreg:$0xd];
	s23 =	simm.s32 $0xA480;
	s26 =	simm.s32 $0x1  }
0x4c: {  	[tilespmem:s23], [sflag:$0x2] =	stream.linear.gather [hbm4b:s20+s4], $0x50, $0x38;
	[tilespmem:$0x1DD80] =	vst v63  }
0x4d: {  	_ =	swait.ge [sflag:s26], $0x50  }
0x4e: {  	[sflag:s26] =	ssyncset.done $0x0  }
0x4f: {  	[sflag:s26] =	ssyncadd.s32 $0xFFFFFFB0  }
0x50: {  	_ =	swait.ge [sflag:s26], $0x50  }
0x51: {  	[sflag:s26] =	ssyncset.done $0x0  }
0x52: {  	[sflag:s26] =	ssyncadd.s32 $0xFFFFFFB0  }
0x53: {  	_ =	swait.ge [sflag:s26], $0x50  }
0x54: {  	[sflag:s26] =	ssyncset.done $0x0  }
0x55: {  	[sflag:s26] =	ssyncadd.s32 $0xFFFFFFB0  }
0x56: {  	_ =	swait.ge [sflag:s26], $0x50  }
0x57: {  	s12 =	simm.s32 @p0 $0x0;
	[sflag:s26] =	ssyncset.done $0x0  }
0x58: {  	s13 =	simm.s32 @p0 $0x400;
	[sflag:s26] =	ssyncadd.s32 $0xFFFFFFB0;
	s26 =	simm.s32 @p0 $0x50  }
0x59: {  	[tilespmem:s13], [sflag:$0x3] =	stream.indirect.gather @p0 [hbm4b:s1+s26], $0x80, s12, s26, $0xb8;
	[tilespmem:$0x1DD80] =	vst v63  }
0x5a: {  	s16 =	simm.s32 @!p0 $0x50;
	s12 =	simm.s32 @!p0 $0x80;
	s13 =	simm.s32 @!p0 $0x400  }
0x5b: {  	[tilespmem:s13], [sflag:$0x3] =	stream.indirect.gather @!p0 [hbm4b:s11+s16], $0x80, s12, s16, $0xb8;
	[tilespmem:$0x1DD80] =	vst v63  }
0x5c: {  	s30 =	simm.s32 $0x2C00;
	s12 =	simm.s32 $0x0  }
0x5d: {  	[tilespmem:s30], [sflag:$0x3] =	stream.indirect.gather [hbm4b:s2+s17], $0x80, s15, s17, $0xb8;
	[tilespmem:$0x1DD80] =	vst v63  }
.LBB2_6:
0x5e: {  	_ =	swait.ge [sflag:s18], $0x2800  }
0x5f: {  	[sflag:s18] =	ssyncset.done $0x0  }
0x60: {  	[sflag:s18] =	ssyncadd.s32 $0xFFFFD800  }
0x61: {  	_ =	swait.ge [sflag:s18], $0x2800  }
0x62: {  	[sflag:s18] =	ssyncset.done $0x0  }
0x63: {  	[sflag:s18] =	ssyncadd.s32 $0xFFFFD800  }
0x64: {  	v1 =	vld [tilespmem:s24+$0x0];
	_ =	sdelay $0x4  }
0x65: {  	[tilespmem:$0x300] =	vst v1  }
0x66: {  	v1 =	vld [tilespmem:s24+$0x10];
	_ =	sdelay $0x4  }
0x67: {  	[tilespmem:$0x310] =	vst v1  }
0x68: {  	v1 =	vld [tilespmem:s24+$0x20];
	_ =	sdelay $0x4  }
0x69: {  	[tilespmem:$0x320] =	vst v1  }
0x6a: {  	v1 =	vld [tilespmem:s24+$0x30];
	_ =	sdelay $0x4  }
0x6b: {  	[tilespmem:$0x330] =	vst v1  }
0x6c: {  	v1 =	vld [tilespmem:s24+$0x40];
	_ =	sdelay $0x4  }
0x6d: {  	[tilespmem:$0x340] =	vst v1  }
0x6e: {  	_ =	swait.ge [sflag:s19], $0x50  }
0x6f: {  	[sflag:s19] =	ssyncset.done $0x0  }
0x70: {  	[sflag:s19] =	ssyncadd.s32 $0xFFFFFFB0  }
0x71: {  	_ =	swait.ge [sflag:s19], $0x50  }
0x72: {  	[sflag:s19] =	ssyncset.done $0x0  }
0x73: {  	[sflag:s19] =	ssyncadd.s32 $0xFFFFFFB0  }
0x74: {  	_ =	swait.ge [sflag:s19], $0x50  }
0x75: {  	[sflag:s19] =	ssyncset.done $0x0  }
0x76: {  	[sflag:s19] =	ssyncadd.s32 $0xFFFFFFB0  }
0x77: {  	_ =	swait.ge [sflag:s19], $0x50  }
0x78: {  	p1 =	seq.s32 s12, $0x0;
	[sflag:s19] =	ssyncset.done $0x0  }
0x79: {  	s13 =	simm.s32 @!p1 $0x6;
	[sflag:s19] =	ssyncadd.s32 $0xFFFFFFB0  }
0x7a: {  	_ =	swait.ge @!p1 [sflag:s13], $0x2800  }
0x7b: {  	[sflag:s13] =	ssyncset.done @!p1 $0x0  }
0x7c: {  	s15 =	simm.s32 @p0 $0x5400;
	[sflag:s13] =	ssyncadd.s32 @!p1 $0xFFFFD800;
	s13 =	simm.s32 @p0 $0x180  }
0x7d: {  	[tilespmem:s15], [sflag:$0x4] =	stream.indirect.gather @p0 [hbm4b:s1+s26], $0x80, s13, s26, $0xb8;
	[tilespmem:$0x1DD80] =	vst v63  }
0x7e: {  	s13 =	simm.s32 @!p0 $0x200;
	s15 =	simm.s32 @!p0 $0x5400  }
0x7f: {  	[tilespmem:s15], [sflag:$0x4] =	stream.indirect.gather @!p0 [hbm4b:s11+s16], $0x80, s13, s16, $0xb8;
	[tilespmem:$0x1DD80] =	vst v63  }
0x80: {  	s23 =	simm.s32 $0x7C00;
	s30 =	simm.s32 $0x0  }
0x81: {  	[tilespmem:s23], [sflag:$0x4] =	stream.indirect.gather [hbm4b:s2+s17], $0x80, s14, s17, $0xb8;
	[tilespmem:$0x1DD80] =	vst v63  }
0x82: {  	v1 =	vld [tilespmem:s30+$0x2C50]  }
0x83: {  	v8 =	vld [tilespmem:s30+$0x2C40]  }
0x84: {  	v2 =	vld [tilespmem:s30+$0x2C30]  }
0x85: {  	v5 =	vld [tilespmem:s30+$0x2C60]  }
0x86: {  	v6 =	vld [tilespmem:s30+$0x2C70]  }
0x87: {  	v10 =	vld [tilespmem:s30+$0x440]  }
0x88: {  	v4 =	vld [tilespmem:s30+$0x2C00]  }
0x89: {  	v14 =	vld [tilespmem:s30+$0x2C20]  }
0x8a: {  	v15 =	vld [tilespmem:s30+$0x420]  }
0x8b: {  	v12 =	vld [tilespmem:s30+$0x460]  }
0x8c: {  	v11 =	vld [tilespmem:s30+$0x470]  }
0x8d: {  	s13 =	simm.s32 $0xA400;
	v9 =	vld [tilespmem:s30+$0x450]  }
0x8e: {  	v3 =	vld.msk [tilespmem:s13+$0x0 ss:$0x0], $0xffff  }
0x8f: {  	v7 =	vld [tilespmem:s30+$0x400]  }
0x90: {  	v13 =	vld [tilespmem:s30+$0x430]  }
0x91: {  	s15 =	simm.s32 $0x200;
	v10 =	vadd.f32 v8, v10;
	v14 =	vadd.f32 v14, v15;
	v8 =	vld [tilespmem:s30+$0x410]  }
.LBB2_7:
0x92: {  	s23 =	smov.u32 s15  }
0x93: {  	s20 =	sshra.s32 s15, $0x2;
	v15 =	vld [tilespmem:s30+$0x2C10];
	v5 =	vadd.f32 v5, v12;
	s13 =	sadd.s32 $0x1, s13;
	s23 =	sadd.s32 $0x200, s15  }
0x94: {  	p1 =	sne.s32 s15, $0x9E00;
	v9 =	vadd.f32 v1, v9;
	v6 =	vadd.f32 v6, v11;
	v1 =	vld [tilespmem:s20+$0x2C50]  }
0x95: {  	v10 =	vmul.f32 v10, v3;
	v4 =	vadd.f32 v4, v7;
	v7 =	vmul.f32 v14, v3;
	v11 =	vld [tilespmem:s20+$0x2C40]  }
0x96: {  	v9 =	vmul.f32 v9, v3;
	v12 =	vadd.f32 v2, v13;
	v13 =	vmul.f32 v5, v3;
	v2 =	vld [tilespmem:s20+$0x2C30]  }
0x97: {  	v14 =	vmul.f32 v4, v3;
	v4 =	vmul.f32 v6, v3;
	v5 =	vld [tilespmem:s20+$0x2C60];
	[tilespmem:s30+$0x440] =	vst v10  }
0x98: {  	v8 =	vadd.f32 v15, v8;
	v6 =	vld [tilespmem:s20+$0x2C70];
	[tilespmem:s30+$0x420] =	vst v7;
	v7 =	vmul.f32 v12, v3  }
0x99: {  	v10 =	vld [tilespmem:s20+$0x440];
	[tilespmem:s30+$0x470] =	vst v4  }
0x9a: {  	v3 =	vmul.f32 v8, v3;
	v4 =	vld [tilespmem:s20+$0x2C00];
	[tilespmem:s30+$0x460] =	vst v13  }
0x9b: {  	v8 =	vld [tilespmem:s20+$0x2C20];
	[tilespmem:s30+$0x430] =	vst v7  }
0x9c: {  	v13 =	vld [tilespmem:s20+$0x420];
	[tilespmem:s30+$0x410] =	vst v3  }
0x9d: {  	v12 =	vld [tilespmem:s20+$0x460];
	[tilespmem:s30+$0x450] =	vst v9  }
0x9e: {  	v10 =	vadd.f32 v11, v10;
	v11 =	vld [tilespmem:s20+$0x470];
	[tilespmem:s30+$0x400] =	vst v14;
	s30 =	smov.u32 s20  }
.Ltmp5:
0x9f: {  	v9 =	vld [tilespmem:s30+$0x450];
	(pc) =	sbr.rel @p1 .LBB2_7-.Ltmp5, $4  }
0xa0: {  	v3 =	vld.msk [tilespmem:s13+$0x0 ss:$0x0], $0xffff  }
0xa1: {  	v7 =	vld [tilespmem:s30+$0x400];
	v14 =	vadd.f32 v8, v13  }
0xa2: {  	v13 =	vld [tilespmem:s30+$0x430]  }
0xa3: {  	s15 =	smov.u32 s23;
	v8 =	vld [tilespmem:s30+$0x410]  }
0xa4: {  	v15 =	vld [tilespmem:s30+$0x2C10]  }
0xa5: {  	v6 =	vadd.f32 v6, v11;
	v10 =	vmul.f32 v10, v3  }
0xa6: {  	v5 =	vadd.f32 v5, v12;
	v11 =	vmul.f32 v14, v3  }
0xa7: {  	v1 =	vadd.f32 v1, v9;
	v6 =	vmul.f32 v6, v3;
	[tilespmem:s30+$0x440] =	vst v10  }
0xa8: {  	v5 =	vmul.f32 v5, v3;
	v2 =	vadd.f32 v2, v13;
	[tilespmem:s30+$0x420] =	vst v11  }
0xa9: {  	p1 =	seq.s32 s12, $0x7C;
	v1 =	vmul.f32 v1, v3;
	[tilespmem:s30+$0x470] =	vst v6;
	v8 =	vadd.f32 v15, v8  }
0xaa: {  	s13 =	smul.u32 @!p1 $0xA0, s12;
	v4 =	vadd.f32 v4, v7;
	[tilespmem:s30+$0x460] =	vst v5;
	v2 =	vmul.f32 v2, v3  }
0xab: {  	[tilespmem:s30+$0x450] =	vst v1;
	v6 =	vmul.f32 v8, v3  }
0xac: {  	s13 =	sadd.s32 @!p1 s13, s21;
	[tilespmem:s30+$0x430] =	vst v2;
	v2 =	vmul.f32 v4, v3  }
0xad: {  	s13 =	sshrl.u32 @!p1 s13, $0x3;
	[tilespmem:s30+$0x410] =	vst v6  }
0xae: {  	s20 =	simm.s32 @!p1 $0x0;
	s15 =	sadd.s32 @!p1 s6, s13;
	[tilespmem:s30+$0x400] =	vst v2  }
0xaf: {  	[tilespmem:s20], [sflag:$0x1] =	stream.linear.gather @!p1 [hbm4b:s15+s20], $0x50, $0x38;
	[tilespmem:$0x1DD80] =	vst v63  }
0xb0: {  	s23 =	simm.s32 @!p1 $0x80;
	s15 =	sadd.s32 @!p1 s7, s13  }
0xb1: {  	[tilespmem:s23], [sflag:$0x1] =	stream.linear.gather @!p1 [hbm4b:s15+s20], $0x50, $0x38;
	[tilespmem:$0x1DD80] =	vst v63  }
0xb2: {  	s15 =	sadd.s32 @!p1 s8, s13;
	s23 =	simm.s32 @!p1 $0x100  }
0xb3: {  	[tilespmem:s23], [sflag:$0x1] =	stream.linear.gather @!p1 [hbm4b:s15+s20], $0x50, $0x38;
	[tilespmem:$0x1DD80] =	vst v63  }
0xb4: {  	s13 =	sadd.s32 @!p1 s9, s13;
	s15 =	simm.s32 @!p1 $0xA400  }
0xb5: {  	[tilespmem:s15], [sflag:$0x1] =	stream.linear.gather @!p1 [hbm4b:s13+s20], $0x50, $0x38;
	[tilespmem:$0x1DD80] =	vst v63  }
0xb6: {  	s20 =	simm.s32 $0x300  }
0xb7: {  	[spmem:s3] =	stream.indirect.scatter.add.f32 [tilespmem:s31], [sflag:$0x5], $0x80, s20, s17, $0xb8;
	[tilespmem:$0x1DD80] =	vst v63  }
0xb8: {  	_ =	swait.ge [sflag:s5], $0x2800  }
0xb9: {  	[sflag:s5] =	ssyncset.done $0x0  }
0xba: {  	[sflag:s5] =	ssyncadd.s32 $0xFFFFD800  }
0xbb: {  	_ =	swait.ge [sflag:s5], $0x2800  }
0xbc: {  	[sflag:s5] =	ssyncset.done $0x0  }
0xbd: {  	[sflag:s5] =	ssyncadd.s32 $0xFFFFD800  }
0xbe: {  	v1 =	vld [tilespmem:s25+$0x0];
	_ =	sdelay $0x4  }
0xbf: {  	[tilespmem:$0x380] =	vst v1  }
0xc0: {  	v1 =	vld [tilespmem:s25+$0x10];
	_ =	sdelay $0x4  }
0xc1: {  	[tilespmem:$0x390] =	vst v1  }
0xc2: {  	v1 =	vld [tilespmem:s25+$0x20];
	_ =	sdelay $0x4  }
0xc3: {  	[tilespmem:$0x3A0] =	vst v1  }
0xc4: {  	v1 =	vld [tilespmem:s25+$0x30];
	_ =	sdelay $0x4  }
0xc5: {  	[tilespmem:$0x3B0] =	vst v1  }
0xc6: {  	v1 =	vld [tilespmem:s25+$0x40];
	_ =	sdelay $0x4  }
0xc7: {  	s13 =	simm.s32 @!p1 $0x1;
	[tilespmem:$0x3C0] =	vst v1  }
0xc8: {  	_ =	swait.ge @!p1 [sflag:s13], $0x50  }
0xc9: {  	[sflag:s13] =	ssyncset.done @!p1 $0x0  }
0xca: {  	[sflag:s13] =	ssyncadd.s32 @!p1 $0xFFFFFFB0  }
0xcb: {  	_ =	swait.ge @!p1 [sflag:s13], $0x50  }
0xcc: {  	[sflag:s13] =	ssyncset.done @!p1 $0x0  }
0xcd: {  	[sflag:s13] =	ssyncadd.s32 @!p1 $0xFFFFFFB0  }
0xce: {  	_ =	swait.ge @!p1 [sflag:s13], $0x50  }
0xcf: {  	[sflag:s13] =	ssyncset.done @!p1 $0x0  }
0xd0: {  	[sflag:s13] =	ssyncadd.s32 @!p1 $0xFFFFFFB0  }
0xd1: {  	_ =	swait.ge @!p1 [sflag:s13], $0x50  }
0xd2: {  	[sflag:s13] =	ssyncset.done @!p1 $0x0  }
0xd3: {  	p2 =	sne.s32 @!p1 s10, $0x0;
	[sflag:s13] =	ssyncadd.s32 @!p1 $0xFFFFFFB0;
	s13 =	simm.s32 @!p1 $0x5  }
0xd4: {  	p3 =	por !p2, p1;
	_ =	swait.ge @!p1 [sflag:s13], $0x2800  }
0xd5: {  	p2 =	por p2, p1;
	s15 =	simm.s32 @!p3 $0x0;
	[sflag:s13] =	ssyncset.done @!p1 $0x0  }
0xd6: {  	s20 =	simm.s32 @!p3 $0x400;
	[sflag:s13] =	ssyncadd.s32 @!p1 $0xFFFFD800;
	s13 =	simm.s32 @!p3 $0x50  }
0xd7: {  	[tilespmem:s20], [sflag:$0x3] =	stream.indirect.gather @!p3 [hbm4b:s1+s13], $0x80, s15, s13, $0xb8;
	[tilespmem:$0x1DD80] =	vst v63  }
0xd8: {  	s13 =	simm.s32 @!p2 $0x50;
	s15 =	simm.s32 @!p2 $0x80;
	s20 =	simm.s32 @!p2 $0x400  }
0xd9: {  	[tilespmem:s20], [sflag:$0x3] =	stream.indirect.gather @!p2 [hbm4b:s11+s13], $0x80, s15, s13, $0xb8;
	[tilespmem:$0x1DD80] =	vst v63  }
0xda: {  	s30 =	simm.s32 $0x0;
	s13 =	simm.s32 @!p1 $0x50;
	s15 =	simm.s32 @!p1 $0x2C00  }
0xdb: {  	[tilespmem:s15], [sflag:$0x3] =	stream.indirect.gather @!p1 [hbm4b:s2+s13], $0x80, s23, s13, $0xb8;
	[tilespmem:$0x1DD80] =	vst v63  }
0xdc: {  	v1 =	vld [tilespmem:s30+$0x7C50]  }
0xdd: {  	v8 =	vld [tilespmem:s30+$0x7C40]  }
0xde: {  	v2 =	vld [tilespmem:s30+$0x7C30]  }
0xdf: {  	v5 =	vld [tilespmem:s30+$0x7C60]  }
0xe0: {  	v6 =	vld [tilespmem:s30+$0x7C70]  }
0xe1: {  	v11 =	vld [tilespmem:s30+$0x5440]  }
0xe2: {  	v4 =	vld [tilespmem:s30+$0x7C00]  }
0xe3: {  	v14 =	vld [tilespmem:s30+$0x7C20]  }
0xe4: {  	v15 =	vld [tilespmem:s30+$0x5420]  }
0xe5: {  	v12 =	vld [tilespmem:s30+$0x5460]  }
0xe6: {  	v10 =	vld [tilespmem:s30+$0x5470]  }
0xe7: {  	s13 =	simm.s32 $0xA480;
	v9 =	vld [tilespmem:s30+$0x5450]  }
0xe8: {  	v3 =	vld.msk [tilespmem:s13+$0x0 ss:$0x0], $0xffff  }
0xe9: {  	v7 =	vld [tilespmem:s30+$0x5400]  }
0xea: {  	v13 =	vld [tilespmem:s30+$0x5430]  }
0xeb: {  	s15 =	simm.s32 $0x200;
	v11 =	vadd.f32 v8, v11;
	v14 =	vadd.f32 v14, v15;
	v8 =	vld [tilespmem:s30+$0x5410]  }
.LBB2_9:
0xec: {  	s23 =	smov.u32 s15  }
0xed: {  	s20 =	sshra.s32 s15, $0x2;
	v15 =	vld [tilespmem:s30+$0x7C10];
	v5 =	vadd.f32 v5, v12;
	s13 =	sadd.s32 $0x1, s13;
	s23 =	sadd.s32 $0x200, s15  }
0xee: {  	p2 =	sne.s32 s15, $0x9E00;
	v9 =	vadd.f32 v1, v9;
	v6 =	vadd.f32 v6, v10;
	v1 =	vld [tilespmem:s20+$0x7C50]  }
0xef: {  	v11 =	vmul.f32 v11, v3;
	v4 =	vadd.f32 v4, v7;
	v7 =	vmul.f32 v14, v3;
	v10 =	vld [tilespmem:s20+$0x7C40]  }
0xf0: {  	v9 =	vmul.f32 v9, v3;
	v12 =	vadd.f32 v2, v13;
	v13 =	vmul.f32 v5, v3;
	v2 =	vld [tilespmem:s20+$0x7C30]  }
0xf1: {  	v14 =	vmul.f32 v4, v3;
	v4 =	vmul.f32 v6, v3;
	v5 =	vld [tilespmem:s20+$0x7C60];
	[tilespmem:s30+$0x5440] =	vst v11  }
0xf2: {  	v8 =	vadd.f32 v15, v8;
	v6 =	vld [tilespmem:s20+$0x7C70];
	[tilespmem:s30+$0x5420] =	vst v7;
	v7 =	vmul.f32 v12, v3  }
0xf3: {  	v11 =	vld [tilespmem:s20+$0x5440];
	[tilespmem:s30+$0x5470] =	vst v4  }
0xf4: {  	v3 =	vmul.f32 v8, v3;
	v4 =	vld [tilespmem:s20+$0x7C00];
	[tilespmem:s30+$0x5460] =	vst v13  }
0xf5: {  	v8 =	vld [tilespmem:s20+$0x7C20];
	[tilespmem:s30+$0x5430] =	vst v7  }
0xf6: {  	v13 =	vld [tilespmem:s20+$0x5420];
	[tilespmem:s30+$0x5410] =	vst v3  }
0xf7: {  	v12 =	vld [tilespmem:s20+$0x5460];
	[tilespmem:s30+$0x5450] =	vst v9  }
0xf8: {  	v11 =	vadd.f32 v10, v11;
	v10 =	vld [tilespmem:s20+$0x5470];
	[tilespmem:s30+$0x5400] =	vst v14;
	s30 =	smov.u32 s20  }
.Ltmp6:
0xf9: {  	v9 =	vld [tilespmem:s30+$0x5450];
	(pc) =	sbr.rel @p2 .LBB2_9-.Ltmp6, $4  }
0xfa: {  	v3 =	vld.msk [tilespmem:s13+$0x0 ss:$0x0], $0xffff  }
0xfb: {  	v7 =	vld [tilespmem:s30+$0x5400];
	v14 =	vadd.f32 v8, v13  }
0xfc: {  	v13 =	vld [tilespmem:s30+$0x5430]  }
0xfd: {  	s15 =	smov.u32 s23;
	v8 =	vld [tilespmem:s30+$0x5410]  }
0xfe: {  	v15 =	vld [tilespmem:s30+$0x7C10]  }
0xff: {  	v6 =	vadd.f32 v6, v10;
	v61 =	vmul.f32 v11, v3  }
0x100: {  	v5 =	vadd.f32 v5, v12;
	v62 =	vmul.f32 v14, v3  }
0x101: {  	v1 =	vadd.f32 v1, v9;
	v6 =	vmul.f32 v6, v3;
	[tilespmem:s30+$0x5440] =	vst v61  }
0x102: {  	v5 =	vmul.f32 v5, v3;
	v2 =	vadd.f32 v2, v13;
	[tilespmem:s30+$0x5420] =	vst v62  }
0x103: {  	v1 =	vmul.f32 v1, v3;
	[tilespmem:s30+$0x5470] =	vst v6;
	v8 =	vadd.f32 v15, v8  }
.Ltmp7:
0x104: {  	v4 =	vadd.f32 v4, v7;
	[tilespmem:s30+$0x5460] =	vst v5;
	v2 =	vmul.f32 v2, v3;
	(pc) =	sbr.rel @p1 .LBB2_12-.Ltmp7, $4  }
0x105: {  	[tilespmem:s30+$0x5450] =	vst v1;
	v63 =	vmul.f32 v8, v3  }
0x106: {  	[tilespmem:s30+$0x5430] =	vst v2;
	v2 =	vmul.f32 v4, v3  }
0x107: {  	[tilespmem:s30+$0x5410] =	vst v63  }
0x108: {  	[tilespmem:s30+$0x5400] =	vst v2  }
0x109: {  	s13 =	smul.u32 $0xA0, s12;
	_ =	sdelay $0x1  }
0x10a: {  	s13 =	sadd.s32 s13, s22  }
0x10b: {  	s13 =	sshrl.u32 s13, $0x3  }
0x10c: {  	s20 =	simm.s32 $0x180;
	s15 =	sadd.s32 s6, s13  }
0x10d: {  	[tilespmem:s20], [sflag:$0x2] =	stream.linear.gather [hbm4b:s15+s4], $0x50, $0x38;
	[tilespmem:$0x1DD80] =	vst v63  }
0x10e: {  	s30 =	simm.s32 $0x200;
	s23 =	sadd.s32 s7, s13  }
0x10f: {  	[tilespmem:s30], [sflag:$0x2] =	stream.linear.gather [hbm4b:s23+s4], $0x50, $0x38;
	[tilespmem:$0x1DD80] =	vst v63  }
0x110: {  	s23 =	sadd.s32 s8, s13  }
0x111: {  	[tilespmem:s14], [sflag:$0x2] =	stream.linear.gather [hbm4b:s23+s4], $0x50, $0x38;
	[tilespmem:$0x1DD80] =	vst v63  }
.Ltmp8:
0x112: {  	_ = 	snop;
	(pc) =	sbr.rel .LBB2_6-.Ltmp8, $4  }
0x113: {  	s13 =	sadd.s32 s9, s13;
	s30 =	simm.s32 $0xA480  }
0x114: {  	[tilespmem:s30], [sflag:$0x2] =	stream.linear.gather [hbm4b:s13+s4], $0x50, $0x38;
	[tilespmem:$0x1DD80] =	vst v63  }
0x115: {  	s12 =	sadd.s32 $0x1, s12  }
0x116: {  	[spmem:s3] =	stream.indirect.scatter.add.f32 [tilespmem:s29], [sflag:$0x6], $0x80, s28, s17, $0xb8;
	[tilespmem:$0x1DD80] =	vst v63  }
.LBB2_12:
0x117: {  	[spmem:s3] =	stream.indirect.scatter.add.f32 [tilespmem:s29], [sflag:$0x6], $0x80, s28, s17, $0xb8;
	[tilespmem:$0x1DD80] =	vst v63  }
0x118: {  	s12 =	simm.s32 $0x5  }
0x119: {  	_ =	swait.ge [sflag:s12], $0x2800  }
0x11a: {  	[sflag:s12] =	ssyncset.done $0x0  }
0x11b: {  	s26 =	simm.s32 $0x6;
	[sflag:s12] =	ssyncadd.s32 $0xFFFFD800  }
0x11c: {  	_ =	swait.ge [sflag:s26], $0x2800  }
.Ltmp9:
0x11d: {  	[sflag:s26] =	ssyncset.done $0x0;
	(pc) =	sbr.rel @p0 .LBB2_16-.Ltmp9, $4  }
0x11e: {  	[sflag:s26] =	ssyncadd.s32 $0xFFFFD800  }
0x11f: {  	s30 =	stileid.u32;
	[bflag:$0x0] =	sbarrier.arrive $0xFFFF  }
0x120: {  	s12 =	sshll.u32 s30, $0x6;
	s23 =	rddreg [dreg:$0xf]  }
0x121: {  	s12 =	sor.u32 $0x1C07, s12;
	s20 =	rddreg [dreg:$0x5];
	s13 =	sshrl.u32 s23, $0x3  }
0x122: {  	p1 =	seq.s32 s20, $0x1  }
.Ltmp10:
0x123: {  	_ = 	snop;
	(pc) =	sbr.rel @p1 .LBB2_15-.Ltmp10, $4  }
0x124: {  	_ = 	snop  }
0x125: {  	s15 =	rddreg [dreg:$0x11];
	s26 =	smov.u32 s23  }
0x126: {  	[hbm:s15], [sflag:s12] =	dma.local [spmem:s13], $0x500  }
0x127: {  	s13 =	sadd.s32 $0xFFFFFFFF, s20;
	s16 =	sadd.s32 $0x5000, s15;
	_ =	swait.ge [sflag:s0], $0x500  }
.LBB2_14:
0x128: {  	[sflag:s0] =	ssyncset.done $0x0;
	s26 =	sadd.s32 $0x28000, s26;
	p1 =	seq.s32 s13, $0x1  }
.Ltmp11:
0x129: {  	s15 =	sshrl.u32 s26, $0x3;
	[sflag:s0] =	ssyncadd.s32 $0xFFFFFB00;
	(pc) =	sbr.rel @!p1 .LBB2_14-.Ltmp11, $3  }
0x12a: {  	[hbm:s16], [sflag:s12] =	dma.local [spmem:s15], $0x500  }
0x12b: {  	s13 =	sadd.s32 $0xFFFFFFFF, s13;
	_ =	sdelay $0x1  }
0x12c: {  	s16 =	sadd.s32 $0x5000, s16;
	_ =	swait.ge [sflag:s0], $0x500  }
.LBB2_15:
.Ltmp12:
0x12d: {  	(pc) =	sbr.rel .LBB2_19-.Ltmp12, $3  }
0x12e: {  	_ =	sdelay $0x1  }
0x12f: {  	[sflag:s0] =	ssyncset.done $0x0  }
0x130: {  	s13 =	rddreg [dreg:$0x12];
	[sflag:s0] =	ssyncadd.s32 $0xFFFFFB00  }
.LBB2_16:
0x131: {  	p1 =	sne.s32 s20, $0x1  }
.Ltmp13:
0x132: {  	_ = 	snop;
	(pc) =	sbr.rel @!p1 .LBB2_18-.Ltmp13, $4  }
0x133: {  	_ = 	snop  }
0x134: {  	s15 =	rddreg [dreg:$0x10];
	s26 =	smov.u32 s23  }
0x135: {  	[hbm:s15], [sflag:s12] =	dma.local [spmem:s13], $0x500  }
0x136: {  	s13 =	sadd.s32 $0xFFFFFFFF, s20;
	s16 =	sadd.s32 $0x5000, s15;
	_ =	swait.ge [sflag:s0], $0x500  }
.LBB2_17:
0x137: {  	[sflag:s0] =	ssyncset.done $0x0;
	s26 =	sadd.s32 $0x28000, s26;
	p1 =	sne.s32 s13, $0x1  }
.Ltmp14:
0x138: {  	s15 =	sshrl.u32 s26, $0x3;
	[sflag:s0] =	ssyncadd.s32 $0xFFFFFB00;
	(pc) =	sbr.rel @p1 .LBB2_17-.Ltmp14, $3  }
0x139: {  	[hbm:s16], [sflag:s12] =	dma.local [spmem:s15], $0x500  }
0x13a: {  	s13 =	sadd.s32 $0xFFFFFFFF, s13;
	_ =	sdelay $0x1  }
0x13b: {  	s16 =	sadd.s32 $0x5000, s16;
	_ =	swait.ge [sflag:s0], $0x500  }
.Ltmp15:
0x13c: {  	_ = 	snop;
	(pc) =	sbr.rel .LBB2_18-.Ltmp15, $1  }
0x13d: {  	_ =	sdelay $0x3  }
.LBB2_20:
0x13e: {  	_ =	sfence.sel $0x180000  }
0x13f: {  	[bflag:$0x0] =	sbarrier.arrive $0xFFFF  }
0x140: {  	_ =	strace $0x9000004A  }
0x141: {  	s0 =	stileid.u32;
	[bflag:$0x2] =	sbarrier.arrive $0xFFFF  }
0x142: {  	p0 =	sne.s32 s0, $0x0;
	s0 =	rddreg [dreg:$0x4]  }
0x143: {  	s0 =	sadd.s32 @!p0 $0x100000, s0  }
0x144: {  	[sflag:s0] =	ssyncadd.tile.s32 @!p0 $0x1;
	_ =	shalt  }
.Lfunc_end2:
_tile_overlayer_lowered:
.L_overlay_start_2:
0x145: {  	(tag) =	ssettag $0x2  }
0x146: {  	s0 =	rddreg [dreg:$0x0];
	s2 =	stileid.u32  }
0x147: {  	s1 =	rddreg [dreg:$0x1];
	p0 =	sne.s32 s2, $0x0  }
0x148: {  	s3 =	rddreg [dreg:$0x2];
	[bflag:$0x3] =	sbarrier.arrive $0xFFFF;
	s2 =	simm.s32 @!p0 $0x1C07  }
0x149: {  	[timem:s3], [sflag:s2] =	dma.local @!p0 [hbm:s0], s1  }
0x14a: {  	s0 =	simm.s32 @!p0 $0x7  }
0x14b: {  	_ =	swait.ge @!p0 [sflag:s0], s1  }
0x14c: {  	s1 =	ssub.s32 @!p0 $0x0, s1;
	[sflag:s0] =	ssyncset.done @!p0 $0x0  }
0x14d: {  	[sflag:s0] =	ssyncadd.s32 @!p0 s1  }
0x14e: {  	[bflag:$0x3] =	sbarrier.arrive $0xFFFF  }
0x14f: {  	_ =	shalt  }

// kernel: kernel.7.cloned.1.call-start
scs
__scs_entry_jumppad:
0x0: {  	(pc) =	sbr.rel $0x88, $3  }
0x1: {  	(tag) =	ssettag $0x0;
	lr =	simm.s32 $0x1  }
0x2: {  	[smem:$0x3F9A] =	sst lr;
	_ =	strace $0xD0000000  }
0x3: {  	_ = 	snop  }
0x4: {  	_ = 	snop  }
0x5: {  	_ = 	snop  }
0x6: {  	_ = 	snop  }
0x7: {  	_ = 	snop  }
__scs_overlays_trampoline_lowered:
0x8: {  	[smem:$0x3FA9] =	sst s0  }
0x9: {  	[smem:$0x3FAA] =	sst s1  }
0xa: {  	[smem:$0x3FAB] =	sst s2  }
0xb: {  	[smem:$0x3FAC] =	sst s3  }
0xc: {  	[smem:$0x3FAD] =	sst s4  }
0xd: {  	[smem:$0x3FAE] =	sst s5  }
0xe: {  	[smem:$0x3FAF] =	sst s6  }
0xf: {  	[smem:$0x3FB0] =	sst s7  }
0x10: {  	[smem:$0x3FB1] =	sst s8  }
0x11: {  	[smem:$0x3FB2] =	sst s9;
	s0 =	simm.s32 @!p0 $0x0  }
0x12: {  	s1 =	sld [smem:$0x3F98];
	s0 =	simm.s32 @p0 $0x1  }
0x13: {  	[smem:$0x3FB3] =	sst s0;
	s0 =	simm.s32 @!p1 $0x0  }
0x14: {  	s2 =	sld [smem:$0x3F97];
	s0 =	simm.s32 @p1 $0x1  }
0x15: {  	[smem:$0x3FB4] =	sst s0;
	s0 =	simm.s32 @!p2 $0x0  }
0x16: {  	s3 =	sld [smem:$0x3FDB];
	s0 =	simm.s32 @p2 $0x1  }
0x17: {  	s4 =	simm.s32 $0x1BF5;
	[smem:$0x3FB6] =	sst s0  }
0x18: {  	s0 =	sld [smem:$0x3F99];
	_ =	swait.ge [sflag:s4], $0x0  }
0x19: {  	s7 =	sld [smem:$0x3F9A]  }
0x1a: {  	s8 =	sadd.s32 $0xFFFFE003, lr  }
0x1b: {  	s9 =	sadd.s32 $0xFFFFFEF7, lr;
	s5 =	simm.s32 $0xFFFFFFFF;
	p2 =	slt.u32 s8, $0xFFFFF086  }
0x1c: {  	p1 =	slt.u32 s9, $0xF7A;
	s5 =	simm.s32 @!p2 $0x0  }
0x1d: {  	s5 =	simm.s32 @p1 $0x1;
	p0 =	seq.s32 s7, s2  }
0x1e: {  	s7 =	smul.u32 @!p0 $0xF7A, s2;
	p2 =	seq.s32 @!p0 s5, $0x0  }
0x1f: {  	s9 =	smul.u32 $0xF7A, s1;
	s8 =	simm.s32 @!p0 $0x1BF5;
	p2 =	por !p2, p0  }
0x20: {  	[sflag:s8] =	ssyncset.s32 @!p0 $0xFFFFF086;
	s6 =	sadd.s32 @!p0 s3, s7;
	s7 =	simm.s32 @!p0 $0x108  }
0x21: {  	s3 =	sadd.s32 s3, s9;
	s6 =	sadd.s32 @!p0 $0x88, s6;
	s7 =	simm.s32 @p2 $0x1082  }
0x22: {  	[simem:s7], [sflag:s8] =	dma.local @!p0 [hbm:s6], $0xF7A  }
0x23: {  	s9 =	sor.u32 $0xD0000000, s2;
	s6 =	simm.s32 $0x108;
	_ =	swait.ge @!p0 [sflag:s8], $0x0  }
0x24: {  	s3 =	sadd.s32 $0x88, s3;
	s6 =	simm.s32 @!p1 $0x1082;
	[sflag:s4] =	ssyncset.s32 $0xFFFFF086  }
0x25: {  	[simem:s6], [sflag:s4] =	dma.local [hbm:s3], $0xF7A  }
0x26: {  	[smem:$0x3F9A] =	sst s1;
	(tag) =	ssettag s2;
	_ =	strace s9  }
0x27: {  	s1 =	sld [smem:$0x3FAA]  }
0x28: {  	s2 =	sld [smem:$0x3FAB]  }
0x29: {  	s4 =	sld [smem:$0x3FAD]  }
0x2a: {  	p0 =	seq.s32 s5, $0x0;
	s5 =	sld [smem:$0x3FAE]  }
0x2b: {  	s6 =	sld [smem:$0x3FAF]  }
0x2c: {  	s7 =	sld [smem:$0x3FB0]  }
0x2d: {  	s3 =	simm.s32 $0x108;
	s8 =	sld [smem:$0x3FB1]  }
0x2e: {  	s3 =	simm.s32 @!p0 $0x1082;
	s9 =	sld [smem:$0x3FB2]  }
0x2f: {  	lr =	sadd.s32 s0, s3;
	s0 =	sld [smem:$0x3FA9]  }
0x30: {  	s3 =	sld [smem:$0x3FAC]  }
0x31: {  	[smem:$0x3FB5] =	sst s10  }
0x32: {  	s10 =	sld [smem:$0x3FB3];
	_ =	sdelay $0x3  }
0x33: {  	p0 =	seq.s32 s10, $0x1;
	s10 =	sld [smem:$0x3FB5];
	_ =	sdelay $0x3  }
0x34: {  	[smem:$0x3FB5] =	sst s10  }
0x35: {  	s10 =	sld [smem:$0x3FB4];
	_ =	sdelay $0x3  }
0x36: {  	p1 =	seq.s32 s10, $0x1;
	s10 =	sld [smem:$0x3FB5];
	_ =	sdelay $0x3  }
0x37: {  	[smem:$0x3FB5] =	sst s10  }
0x38: {  	s10 =	sld [smem:$0x3FB6]  }
0x39: {  	_ = 	snop;
	(pc) =	sbr.ind lr, $3  }
0x3a: {  	_ = 	snop  }
0x3b: {  	_ = 	snop  }
0x3c: {  	p2 =	seq.s32 s10, $0x1;
	s10 =	sld [smem:$0x3FB5]  }
0x3d: {  	_ =	shalt  }
0x3e: {  	_ =	shalt  }
0x3f: {  	_ =	shalt  }
0x40: {  	_ =	shalt  }
0x41: {  	_ =	shalt  }
0x42: {  	_ =	shalt  }
0x43: {  	_ =	shalt  }
0x44: {  	_ =	shalt  }
0x45: {  	_ =	shalt  }
0x46: {  	_ =	shalt  }
0x47: {  	_ =	shalt  }
0x48: {  	_ =	shalt  }
0x49: {  	_ =	shalt  }
0x4a: {  	_ =	shalt  }
0x4b: {  	_ =	shalt  }
0x4c: {  	_ =	shalt  }
0x4d: {  	_ =	shalt  }
0x4e: {  	_ =	shalt  }
0x4f: {  	_ =	shalt  }
0x50: {  	_ =	shalt  }
0x51: {  	_ =	shalt  }
0x52: {  	_ =	shalt  }
0x53: {  	_ =	shalt  }
0x54: {  	_ =	shalt  }
0x55: {  	_ =	shalt  }
0x56: {  	_ =	shalt  }
0x57: {  	_ =	shalt  }
0x58: {  	_ =	shalt  }
0x59: {  	_ =	shalt  }
0x5a: {  	_ =	shalt  }
0x5b: {  	_ =	shalt  }
0x5c: {  	_ =	shalt  }
0x5d: {  	_ =	shalt  }
0x5e: {  	_ =	shalt  }
0x5f: {  	_ =	shalt  }
0x60: {  	_ =	shalt  }
0x61: {  	_ =	shalt  }
0x62: {  	_ =	shalt  }
0x63: {  	_ =	shalt  }
0x64: {  	_ =	shalt  }
0x65: {  	_ =	shalt  }
0x66: {  	_ =	shalt  }
0x67: {  	_ =	shalt  }
0x68: {  	_ =	shalt  }
0x69: {  	_ =	shalt  }
0x6a: {  	_ =	shalt  }
0x6b: {  	_ =	shalt  }
0x6c: {  	_ =	shalt  }
0x6d: {  	_ =	shalt  }
0x6e: {  	_ =	shalt  }
0x6f: {  	_ =	shalt  }
0x70: {  	_ =	shalt  }
0x71: {  	_ =	shalt  }
0x72: {  	_ =	shalt  }
0x73: {  	_ =	shalt  }
0x74: {  	_ =	shalt  }
0x75: {  	_ =	shalt  }
0x76: {  	_ =	shalt  }
0x77: {  	_ =	shalt  }
0x78: {  	_ =	shalt  }
0x79: {  	_ =	shalt  }
0x7a: {  	_ =	shalt  }
0x7b: {  	_ =	shalt  }
0x7c: {  	_ =	shalt  }
0x7d: {  	_ =	shalt  }
0x7e: {  	_ =	shalt  }
0x7f: {  	_ =	shalt  }
0x80: {  	_ =	shalt  }
0x81: {  	_ =	shalt  }
0x82: {  	_ =	shalt  }
0x83: {  	_ =	shalt  }
0x84: {  	_ =	shalt  }
0x85: {  	_ =	shalt  }
0x86: {  	_ =	shalt  }
0x87: {  	_ =	shalt  }
.Lfunc_end0:
.L_simem_size_0:
called_computation_lowered:
.L_overlay_start_0:
0x88: {  	s2 =	sld [smem:$0x3FD9]  }
0x89: {  	s3 =	sld [smem:$0x3FFE];
	_ =	sdelay $0x1  }
0x8a: {  	s1 =	srdreg.scid  }
0x8b: {  	s0 =	sand.u32 $0x1, s1  }
0x8c: {  	s16 =	sshll.u32 s0, $0xA;
	s2 =	sadd.s32 s3, s2  }
0x8d: {  	s2 =	sadd.s32 s2, s16  }
0x8e: {  	[smem:$0x3FC1] =	sst s2  }
0x8f: {  	_ = 	snop  }
0x90: {  	(tm) =	ssettm $0x1  }
0x91: {  	s17 =	sld [smem:$0x3FFB];
	_ =	sdelay $0x3  }
0x92: {  	_ =	strace s17  }
0x93: {  	s2 =	sld [smem:$0x3FFC];
	_ =	sdelay $0x3  }
0x94: {  	_ =	strace s2  }
0x95: {  	s2 =	sld [smem:$0x3FFD];
	_ =	sdelay $0x3  }
0x96: {  	_ =	strace s2  }
0x97: {  	_ =	strace $0x8FFFFFFF  }
0x98: {  	s18 =	sld [smem:$0x3FDB];
	_ =	sdelay $0x1  }
0x99: {  	s19 =	simm.s32 $_scs_section_size  }
0x9a: {  	s4 =	simm.s32 $_size__tile_overlayer_lowered;
	s5 =	simm.s32 $_tile_overlayer_lowered  }
0x9b: {  	s22 =	simm.s32 $0x1BFF;
	s21 =	sshll.u32 s5, $0x1;
	s2 =	sadd.s32 s19, s18  }
0x9c: {  	s6 =	simm.s32 $0x0;
	s20 =	sshll.u32 s4, $0x1;
	s4 =	sadd.s32 s21, s2  }
0x9d: {  	[timem:s6], [sflag:s22] =	dma.local [hbm:s4], s20  }
0x9e: {  	_ =	swait.ge [sflag:s22], s20  }
0x9f: {  	s3 =	ssub.s32 $0x0, s20;
	[sflag:s22] =	ssyncset.done $0x0  }
0xa0: {  	[sflag:s22] =	ssyncadd.s32 s3;
	_ =	sdelay $0x1  }
0xa1: {  	s23 =	simm.s32 $0x1B8B  }
0xa2: {  	_ =	swait.ge [sflag:s23], $0x1  }
0xa3: {  	[sflag:s23] =	ssyncset.done $0x0  }
0xa4: {  	s25 =	simm.s32 $0x1B8E;
	s24 =	sld [smem:$0x3FFE];
	[sflag:s23] =	ssyncadd.s32 $0xFFFFFFFF  }
0xa5: {  	s26 =	simm.s32 $execute0_lowered;
	[smem:$0x3FD2] =	sst s25  }
0xa6: {  	s4 =	sshll.u32 s26, $0x1;
	_ =	strace $0x80000046;
	[dreg:$0x1] =	wrdreg $0xFFFFFFFF  }
0xa7: {  	s28 =	simm.s32 $_size_execute0_lowered;
	s2 =	sadd.s32 s2, s4;
	[dreg:$0x0] =	wrdreg $0x0  }
0xa8: {  	s4 =	sshll.u32 s28, $0x1;
	[dreg:$0x2] =	wrdreg s2  }
0xa9: {  	[dreg:$0x3] =	wrdreg s4  }
0xaa: {  	[dreg:$0x4] =	wrdreg $0xC0  }
0xab: {  	_ =	task [dreg:s6], $0x5FFFF  }
0xac: {  	[dreg:$0x1] =	wrdreg $0xFFFFFFFF  }
0xad: {  	[dreg:$0x0] =	wrdreg $0x60  }
0xae: {  	[dreg:$0x2] =	wrdreg s24  }
0xaf: {  	[dreg:$0x3] =	wrdreg $0x9  }
0xb0: {  	_ =	task.clear_ibuf [dreg:s6], $0x4FFFF;
	_ =	strace $0x90000046  }
0xb1: {  	s29 =	simm.s32 $0x9;
	_ =	strace $0x80000048  }
0xb2: {  	_ =	swait.ge [sflag:s29], $0x1  }
0xb3: {  	[sflag:s29] =	ssyncadd.s32 $0xFFFFFFFF  }
0xb4: {  	_ =	strace $0x90000048  }
0xb5: {  	_ =	sfence  }
0xb6: {  	s30 =	sld [smem:$0x0];
	_ =	sdelay $0x2  }
0xb7: {  	s31 =	sshll.u32 s1, $0xD;
	s1 =	sshrl.u32 s1, $0x2  }
0xb8: {  	s3 =	sand.u32 $0x4000, s31;
	s1 =	sadd.s32 s1, s30  }
0xb9: {  	s0 =	sor.u32 s3, s0;
	s1 =	sshll.u32 s1, $0x11  }
0xba: {  	s0 =	sor.u32 s1, s0  }
0xbb: {  	s0 =	sadd.s32 $0x8F2B, s0  }
0xbc: {  	[sflag:s0] =	ssyncadd.remote.s32 $0x1  }
0xbd: {  	_ =	sfence.sel $0xFFFF  }
0xbe: {  	[dreg:$0x0] =	wrdreg $0xFFFFFFFF;
	(pc) =	sbr.abs _section_cstart, $3  }
0xbf: {  	[dreg:$0x1] =	wrdreg $0xFFFFFFFF  }
0xc0: {  	_ =	task.clear_ibuf [dreg:s6], $0x2FFFF;
	_ =	strace $0x9FFFFFFF  }
0xc1: {  	(tm) =	ssettm $0x7FFFFFFF  }
tec
execute0_lowered:
.L_overlay_start_1:
0x0: {  	(tag) =	ssettag $0x1  }
0x1: {  	s0 =	rddreg [dreg:$0x0];
	s1 =	simm.s32 $0x0  }
0x2: {  	s2 =	srdreg.scid;
	s11 =	stileid.u32;
	s28 =	simm.s32 $0x5  }
0x3: {  	s29 =	simm.s32 $0x2B80;
	s30 =	simm.s32 $0x5300;
	s31 =	simm.s32 $0x80  }
0x4: {  	[smem:$0x7FF] =	sst s1;
	s2 =	sand.u32 $0x1, s2;
	s3 =	sadd.s32 $0x14800, s0  }
0x5: {  	s4 =	sadd.s32 $0xAA00, s0;
	s7 =	sadd.s32 $0x1EC00, s0;
	s8 =	sadd.s32 $0x1F200, s0  }
0x6: {  	s25 =	sshll.u32 s11, $0x7;
	_ =	strace $0x80000047;
	[dreg:$0x2] =	wrdreg s7  }
0x7: {  	s9 =	sadd.s32 $0x1E600, s0;
	s18 =	smul.u32 $0x2710, s11;
	[dreg:$0x3] =	wrdreg s8  }
0x8: {  	s5 =	sshll.u32 s2, $0x4;
	[dreg:$0x4] =	wrdreg s9;
	s8 =	sand.u32 $0x380, s25  }
0x9: {  	s9 =	sadd.s32 $0x1F800, s0;
	s26 =	ssub.s32 $0x2, s2;
	s2 =	smul.u32 $0x27100, s2  }
0xa: {  	s6 =	sor.u32 s11, s5;
	s5 =	sadd.s32 $0xC00, s0;
	s10 =	sshrl.u32 s26, $0x1  }
0xb: {  	s11 =	simm.s32 $0xC980;
	s24 =	sshrl.u32 s6, $0x3;
	s6 =	smul.u32 $0x2710, s6  }
0xc: {  	s12 =	ssub.s32 s26, s10;
	s2 =	sadd.s32 s18, s2;
	s10 =	simm.s32 $0xA200  }
0xd: {  	s7 =	smul.u32 $0x13C00, s24;
	s22 =	sadd.s32 $0xF0, s2;
	s23 =	smax.u32 s12, $0x1  }
0xe: {  	s24 =	sadd.s32 $0x50, s2;
	s25 =	sshrl.u32 s2, $0x3;
	s26 =	sadd.s32 $0xA0, s2  }
0xf: {  	s2 =	simm.s32 $0x180;
	s12 =	simm.s32 $0x300;
	[dreg:$0xf] =	wrdreg s23  }
0x10: {  	s6 =	sshrl.u32 s6, $0x3;
	[dreg:$0x10] =	wrdreg s26;
	s26 =	simm.s32 $0x400  }
0x11: {  	s7 =	sor.u32 s8, s7;
	s13 =	sadd.s32 s3, s6;
	s14 =	sadd.s32 s4, s6  }
0x12: {  	s15 =	sadd.s32 $0xA, s6;
	s16 =	sadd.s32 s5, s6;
	[dreg:$0x5] =	wrdreg s13  }
0x13: {  	s6 =	sadd.s32 s9, s6;
	s7 =	sshrl.u32 s7, $0x3;
	[dreg:$0x6] =	wrdreg s14  }
0x14: {  	[dreg:$0x7] =	wrdreg s16;
	s17 =	sadd.s32 s3, s15;
	s19 =	sadd.s32 s4, s15  }
0x15: {  	s8 =	sadd.s32 s5, s15;
	s6 =	sadd.s32 $0x4D8, s6;
	[dreg:$0x8] =	wrdreg s17  }
0x16: {  	s13 =	simm.s32 $0x2;
	s14 =	simm.s32 $0x380;
	[dreg:$0x9] =	wrdreg s19  }
0x17: {  	s15 =	simm.s32 $0x3;
	s0 =	sadd.s32 s7, s0;
	[dreg:$0xa] =	wrdreg s8  }
0x18: {  	[dreg:$0xb] =	wrdreg s6;
	s6 =	sshrl.u32 s24, $0x3;
	s20 =	sadd.s32 $0x29600, s0  }
0x19: {  	s7 =	simm.s32 $0x280;
	s21 =	sadd.s32 $0x33400, s0;
	[dreg:$0xc] =	wrdreg s20  }
.Ltmp0:
0x1a: {  	s0 =	sadd.s32 $0x3D200, s0;
	[dreg:$0xd] =	wrdreg s21;
	(pc) =	sbr.rel .LBB2_1-.Ltmp0, $4  }
0x1b: {  	s8 =	simm.s32 $0x1;
	s17 =	simm.s32 $0x0;
	[dreg:$0xe] =	wrdreg s0  }
0x1c: {  	s0 =	sshrl.u32 s22, $0x3;
	s21 =	sadd.s32 s6, s9;
	s22 =	sadd.s32 s25, s9  }
0x1d: {  	s6 =	simm.s32 $0x200;
	s9 =	simm.s32 $0x7A80;
	s20 =	sadd.s32 s0, s5  }
0x1e: {  	v0 =	vimm.f32 $0.0e+00;
	v1 =	vimm.f32 $1.000000000e+00;
	s23 =	sadd.s32 s0, s4;
	s24 =	sadd.s32 s0, s3;
	s0 =	simm.s32 $0x100  }
.LBB2_8:
0x1f: {  	_ =	swait.ge [sflag:s8], $0x50  }
0x20: {  	[sflag:s8] =	ssyncset.done $0x0  }
0x21: {  	[sflag:s8] =	ssyncadd.s32 $0xFFFFFFB0  }
0x22: {  	_ =	swait.ge [sflag:s8], $0x50  }
0x23: {  	[sflag:s8] =	ssyncset.done $0x0  }
0x24: {  	[sflag:s8] =	ssyncadd.s32 $0xFFFFFFB0  }
0x25: {  	_ =	swait.ge [sflag:s8], $0x50  }
0x26: {  	[sflag:s8] =	ssyncset.done $0x0  }
0x27: {  	[sflag:s8] =	ssyncadd.s32 $0xFFFFFFB0  }
0x28: {  	_ =	swait.ge [sflag:s15], $0x50  }
0x29: {  	[sflag:s15] =	ssyncset.done $0x0  }
0x2a: {  	[sflag:s15] =	ssyncadd.s32 $0xFFFFFFB0  }
0x2b: {  	v2 =	vld [tilespmem:$0x0]  }
0x2c: {  	v3 =	vld [tilespmem:$0x80];
	_ =	sdelay $0x1  }
0x2d: {  	v4 =	vld [tilespmem:$0x100];
	_ =	sdelay $0x4  }
0x2e: {  	v5 =	vld.idx.msk [tilespmem:v2+s26+$0x0], $0xffff  }
0x2f: {  	v6 =	vld.idx.msk [tilespmem:v3+s29+$0x0], $0xffff;
	_ =	sdelay $0x1  }
0x30: {  	v4 =	vld.idx.msk [tilespmem:v4+s30+$0x0], $0xffff;
	_ =	sdelay $0x2  }
0x31: {  	v5 =	vadd.f32 v6, v5;
	_ =	sdelay $0x1  }
0x32: {  	v4 =	vadd.f32 v4, v5;
	_ =	sdelay $0x1  }
0x33: {  	v5 =	vmul.f32 $9.999999770e-03, v4  }
0x34: {  	vm0 =	vge.f32 v4, $0.0e+00  }
0x35: {  	v4 =	vsel vm0, v4, v5  }
0x36: {  	v4 =	vsub.f32 $0.0e+00, v4;
	_ =	sdelay $0x1  }
0x37: {  	v4 =	vmul.f32 $1.442695020e+00, v4;
	_ =	sdelay $0x1  }
0x38: {  	(erf) = vpow2.f32 v4;
	_ =	sdelay $0x8  }
0x39: {  	v4 =	vpop (erf)  }
0x3a: {  	[tilespmem:$0x300] =	vst v4  }
0x3b: {  	[tilespmem:v2+s9+$0x0] =	vst.idx.add.f32.msk $0xffff, v4  }
0x3c: {  	[tilespmem:v3+s10+$0x0] =	vst.idx.add.f32.msk $0xffff, v4  }
0x3d: {  	[tilespmem:v3+s11+$0x0] =	vst.idx.add.f32.msk $0xffff, v1  }
0x3e: {  	v2 =	vld [tilespmem:$0x10]  }
0x3f: {  	v3 =	vld [tilespmem:$0x90];
	_ =	sdelay $0x1  }
0x40: {  	v4 =	vld [tilespmem:$0x110];
	_ =	sdelay $0x4  }
0x41: {  	v56 =	vld.idx.msk [tilespmem:v2+s26+$0x0], $0xffff  }
0x42: {  	v57 =	vld.idx.msk [tilespmem:v3+s29+$0x0], $0xffff;
	_ =	sdelay $0x1  }
0x43: {  	v4 =	vld.idx.msk [tilespmem:v4+s30+$0x0], $0xffff;
	_ =	sdelay $0x2  }
0x44: {  	v5 =	vadd.f32 v57, v56;
	_ =	sdelay $0x1  }
0x45: {  	v4 =	vadd.f32 v4, v5;
	_ =	sdelay $0x1  }
0x46: {  	v5 =	vmul.f32 $9.999999770e-03, v4  }
0x47: {  	vm12 =	vge.f32 v4, $0.0e+00  }
0x48: {  	v4 =	vsel vm12, v4, v5  }
0x49: {  	v4 =	vsub.f32 $0.0e+00, v4;
	_ =	sdelay $0x1  }
0x4a: {  	v4 =	vmul.f32 $1.442695020e+00, v4;
	_ =	sdelay $0x1  }
0x4b: {  	(erf) = vpow2.f32 v4;
	_ =	sdelay $0x8  }
0x4c: {  	v4 =	vpop (erf)  }
0x4d: {  	[tilespmem:$0x310] =	vst v4  }
0x4e: {  	[tilespmem:v2+s9+$0x0] =	vst.idx.add.f32.msk $0xffff, v4  }
0x4f: {  	[tilespmem:v3+s10+$0x0] =	vst.idx.add.f32.msk $0xffff, v4  }
0x50: {  	[tilespmem:v3+s11+$0x0] =	vst.idx.add.f32.msk $0xffff, v1  }
0x51: {  	v2 =	vld [tilespmem:$0x20]  }
0x52: {  	v3 =	vld [tilespmem:$0xA0];
	_ =	sdelay $0x1  }
0x53: {  	v4 =	vld [tilespmem:$0x120];
	_ =	sdelay $0x4  }
0x54: {  	v58 =	vld.idx.msk [tilespmem:v2+s26+$0x0], $0xffff  }
0x55: {  	v59 =	vld.idx.msk [tilespmem:v3+s29+$0x0], $0xffff;
	_ =	sdelay $0x1  }
0x56: {  	v4 =	vld.idx.msk [tilespmem:v4+s30+$0x0], $0xffff;
	_ =	sdelay $0x2  }
0x57: {  	v5 =	vadd.f32 v59, v58;
	_ =	sdelay $0x1  }
0x58: {  	v4 =	vadd.f32 v4, v5;
	_ =	sdelay $0x1  }
0x59: {  	v5 =	vmul.f32 $9.999999770e-03, v4  }
0x5a: {  	vm13 =	vge.f32 v4, $0.0e+00  }
0x5b: {  	v4 =	vsel vm13, v4, v5  }
0x5c: {  	v4 =	vsub.f32 $0.0e+00, v4;
	_ =	sdelay $0x1  }
0x5d: {  	v4 =	vmul.f32 $1.442695020e+00, v4;
	_ =	sdelay $0x1  }
0x5e: {  	(erf) = vpow2.f32 v4;
	_ =	sdelay $0x8  }
0x5f: {  	v4 =	vpop (erf)  }
0x60: {  	[tilespmem:$0x320] =	vst v4  }
0x61: {  	[tilespmem:v2+s9+$0x0] =	vst.idx.add.f32.msk $0xffff, v4  }
0x62: {  	[tilespmem:v3+s10+$0x0] =	vst.idx.add.f32.msk $0xffff, v4  }
0x63: {  	[tilespmem:v3+s11+$0x0] =	vst.idx.add.f32.msk $0xffff, v1  }
0x64: {  	v2 =	vld [tilespmem:$0x30]  }
0x65: {  	v3 =	vld [tilespmem:$0xB0];
	_ =	sdelay $0x1  }
0x66: {  	v4 =	vld [tilespmem:$0x130];
	_ =	sdelay $0x4  }
0x67: {  	v60 =	vld.idx.msk [tilespmem:v2+s26+$0x0], $0xffff  }
0x68: {  	v61 =	vld.idx.msk [tilespmem:v3+s29+$0x0], $0xffff;
	_ =	sdelay $0x1  }
0x69: {  	v4 =	vld.idx.msk [tilespmem:v4+s30+$0x0], $0xffff;
	_ =	sdelay $0x2  }
0x6a: {  	v5 =	vadd.f32 v61, v60;
	_ =	sdelay $0x1  }
0x6b: {  	v4 =	vadd.f32 v4, v5;
	_ =	sdelay $0x1  }
0x6c: {  	v5 =	vmul.f32 $9.999999770e-03, v4  }
0x6d: {  	vm14 =	vge.f32 v4, $0.0e+00  }
0x6e: {  	v4 =	vsel vm14, v4, v5  }
0x6f: {  	v4 =	vsub.f32 $0.0e+00, v4;
	_ =	sdelay $0x1  }
0x70: {  	v4 =	vmul.f32 $1.442695020e+00, v4;
	_ =	sdelay $0x1  }
0x71: {  	(erf) = vpow2.f32 v4;
	_ =	sdelay $0x8  }
0x72: {  	v4 =	vpop (erf)  }
0x73: {  	[tilespmem:$0x330] =	vst v4  }
0x74: {  	[tilespmem:v2+s9+$0x0] =	vst.idx.add.f32.msk $0xffff, v4  }
0x75: {  	[tilespmem:v3+s10+$0x0] =	vst.idx.add.f32.msk $0xffff, v4  }
0x76: {  	[tilespmem:v3+s11+$0x0] =	vst.idx.add.f32.msk $0xffff, v1  }
0x77: {  	v2 =	vld [tilespmem:$0x40]  }
0x78: {  	v3 =	vld [tilespmem:$0xC0];
	_ =	sdelay $0x1  }
0x79: {  	v4 =	vld [tilespmem:$0x140];
	_ =	sdelay $0x4  }
0x7a: {  	v62 =	vld.idx.msk [tilespmem:v2+s26+$0x0], $0xffff  }
0x7b: {  	v63 =	vld.idx.msk [tilespmem:v3+s29+$0x0], $0xffff;
	_ =	sdelay $0x1  }
0x7c: {  	v4 =	vld.idx.msk [tilespmem:v4+s30+$0x0], $0xffff;
	_ =	sdelay $0x2  }
0x7d: {  	v5 =	vadd.f32 v63, v62;
	_ =	sdelay $0x1  }
0x7e: {  	v4 =	vadd.f32 v4, v5;
	_ =	sdelay $0x1  }
0x7f: {  	v5 =	vmul.f32 $9.999999770e-03, v4  }
0x80: {  	vm15 =	vge.f32 v4, $0.0e+00  }
0x81: {  	v4 =	vsel vm15, v4, v5  }
0x82: {  	v4 =	vsub.f32 $0.0e+00, v4;
	_ =	sdelay $0x1  }
0x83: {  	v4 =	vmul.f32 $1.442695020e+00, v4;
	_ =	sdelay $0x1  }
0x84: {  	(erf) = vpow2.f32 v4;
	_ =	sdelay $0x8  }
0x85: {  	v4 =	vpop (erf)  }
0x86: {  	[tilespmem:$0x340] =	vst v4  }
0x87: {  	[tilespmem:v2+s9+$0x0] =	vst.idx.add.f32.msk $0xffff, v4  }
0x88: {  	[tilespmem:v3+s10+$0x0] =	vst.idx.add.f32.msk $0xffff, v4  }
0x89: {  	s19 =	simm.s32 $0x4;
	s16 =	rddreg [dreg:$0xb];
	[tilespmem:v3+s11+$0x0] =	vst.idx.add.f32.msk $0xffff, v1  }
0x8a: {  	[hbm4b:s16+s1] =	stream.linear.scatter [tilespmem:s12], [sflag:$0x3], $0x50, $0x38;
	[tilespmem:$0xF100] =	vst v63  }
0x8b: {  	_ =	swait.ge [sflag:s19], $0x50  }
0x8c: {  	[sflag:s19] =	ssyncset.done $0x0  }
0x8d: {  	[sflag:s19] =	ssyncadd.s32 $0xFFFFFFB0  }
0x8e: {  	_ =	swait.ge [sflag:s15], $0x50  }
0x8f: {  	[sflag:s15] =	ssyncset.done $0x0  }
0x90: {  	s25 =	rddreg [dreg:$0xc];
	[sflag:s15] =	ssyncadd.s32 $0xFFFFFFB0  }
0x91: {  	[hbm4b:s25+s31] =	stream.strided.scatter [tilespmem:s9], [sflag:$0x5], $0x2780, s26, s31, $0x38;
	[tilespmem:$0xF100] =	vst v63  }
0x92: {  	_ =	swait.ge [sflag:s28], $0x2780  }
0x93: {  	[sflag:s28] =	ssyncset.done $0x0  }
0x94: {  	s18 =	rddreg [dreg:$0xd];
	[sflag:s28] =	ssyncadd.s32 $0xFFFFD880  }
0x95: {  	[hbm4b:s18+s31] =	stream.strided.scatter [tilespmem:s10], [sflag:$0x5], $0x2780, s26, s31, $0x38;
	[tilespmem:$0xF100] =	vst v63  }
0x96: {  	_ =	swait.ge [sflag:s28], $0x2780  }
0x97: {  	[sflag:s28] =	ssyncset.done $0x0  }
0x98: {  	s19 =	rddreg [dreg:$0xe];
	[sflag:s28] =	ssyncadd.s32 $0xFFFFD880  }
0x99: {  	[hbm4b:s19+s31] =	stream.strided.scatter [tilespmem:s11], [sflag:$0x5], $0x2780, s26, s31, $0x38;
	[tilespmem:$0xF100] =	vst v63  }
0x9a: {  	_ =	swait.ge [sflag:s28], $0x2780  }
0x9b: {  	s17 =	sadd.s32 $0x1, s17;
	s25 =	rddreg [dreg:$0xf]  }
0x9c: {  	p0 =	sne.s32 s17, s25  }
.Ltmp1:
0x9d: {  	_ = 	snop;
	(pc) =	sbr.rel @!p0 .LBB2_9-.Ltmp1, $3  }
0x9e: {  	_ =	sdelay $0x1  }
0x9f: {  	[sflag:s28] =	ssyncset.done $0x0  }
0xa0: {  	[sflag:s28] =	ssyncadd.s32 $0xFFFFD880  }
.LBB2_1:
0xa1: {  	s16 =	rddreg [dreg:$0x2]  }
0xa2: {  	[tilespmem:s26], [sflag:$0x5] =	stream.linear.gather [hbm4b:s16+s1], $0x2780, $0x38;
	[tilespmem:$0xF100] =	vst v63  }
0xa3: {  	_ =	swait.ge [sflag:s28], $0x2780  }
0xa4: {  	[sflag:s28] =	ssyncset.done $0x0  }
0xa5: {  	s19 =	rddreg [dreg:$0x3];
	[sflag:s28] =	ssyncadd.s32 $0xFFFFD880  }
0xa6: {  	[tilespmem:s29], [sflag:$0x5] =	stream.linear.gather [hbm4b:s19+s1], $0x2780, $0x38;
	[tilespmem:$0xF100] =	vst v63  }
0xa7: {  	_ =	swait.ge [sflag:s28], $0x2780  }
0xa8: {  	[sflag:s28] =	ssyncset.done $0x0  }
0xa9: {  	s25 =	rddreg [dreg:$0x4];
	[sflag:s28] =	ssyncadd.s32 $0xFFFFD880  }
0xaa: {  	[tilespmem:s30], [sflag:$0x5] =	stream.linear.gather [hbm4b:s25+s1], $0x2780, $0x38;
	[tilespmem:$0xF100] =	vst v63  }
0xab: {  	_ =	swait.ge [sflag:s28], $0x2780  }
0xac: {  	[sflag:s28] =	ssyncset.done $0x0  }
0xad: {  	s18 =	simm.s32 $0x0;
	[sflag:s28] =	ssyncadd.s32 $0xFFFFD880  }
.LBB2_2:
0xae: {  	p0 =	sne.s32 s18, $0x9C00  }
.Ltmp2:
0xaf: {  	_ = 	snop;
	(pc) =	sbr.rel @p0 .LBB2_2-.Ltmp2, $3  }
0xb0: {  	_ =	sdelay $0x1  }
0xb1: {  	s25 =	sshra.s32 s18, $0x2  }
0xb2: {  	s18 =	sadd.s32 $0x40, s18;
	[tilespmem:s25+$0x7A80] =	vst v0  }
0xb3: {  	s18 =	simm.s32 $0x40;
	s25 =	simm.s32 $0x0  }
.LBB2_4:
0xb4: {  	p0 =	sne.s32 s18, $0x9C00;
	[tilespmem:s25+$0xA200] =	vst v0;
	s19 =	smov.u32 s18;
	s18 =	sadd.s32 $0x40, s18  }
.Ltmp3:
0xb5: {  	[tilespmem:s25+$0xC980] =	vst v0;
	(pc) =	sbr.rel @p0 .LBB2_4-.Ltmp3, $2  }
0xb6: {  	_ =	sdelay $0x2  }
0xb7: {  	s25 =	sshra.s32 s19, $0x2  }
0xb8: {  	[tilespmem:s25+$0xA200] =	vst v0  }
0xb9: {  	[tilespmem:s25+$0xC980] =	vst v0;
	s18 =	simm.s32 $0x0;
	s16 =	rddreg [dreg:$0x5]  }
0xba: {  	[tilespmem:s18], [sflag:$0x1] =	stream.linear.gather [hbm4b:s16+s18], $0x50, $0x38;
	[tilespmem:$0xF100] =	vst v63  }
0xbb: {  	s25 =	rddreg [dreg:$0x6]  }
0xbc: {  	[tilespmem:s31], [sflag:$0x1] =	stream.linear.gather [hbm4b:s25+s18], $0x50, $0x38;
	[tilespmem:$0xF100] =	vst v63  }
0xbd: {  	s19 =	rddreg [dreg:$0x7]  }
0xbe: {  	[tilespmem:s0], [sflag:$0x1] =	stream.linear.gather [hbm4b:s19+s18], $0x50, $0x38;
	[tilespmem:$0xF100] =	vst v63  }
0xbf: {  	s25 =	rddreg [dreg:$0x8]  }
0xc0: {  	[tilespmem:s2], [sflag:$0x2] =	stream.linear.gather [hbm4b:s25+s18], $0x50, $0x38;
	[tilespmem:$0xF100] =	vst v63  }
0xc1: {  	s19 =	rddreg [dreg:$0x9]  }
0xc2: {  	[tilespmem:s6], [sflag:$0x2] =	stream.linear.gather [hbm4b:s19+s18], $0x50, $0x38;
	[tilespmem:$0xF100] =	vst v63  }
0xc3: {  	s25 =	rddreg [dreg:$0xa]  }
0xc4: {  	[tilespmem:s7], [sflag:$0x2] =	stream.linear.gather [hbm4b:s25+s18], $0x50, $0x38;
	[tilespmem:$0xF100] =	vst v63  }
0xc5: {  	s25 =	rddreg [dreg:$0x10]  }
.LBB2_6:
0xc6: {  	_ =	swait.ge [sflag:s8], $0x50  }
0xc7: {  	[sflag:s8] =	ssyncset.done $0x0  }
0xc8: {  	[sflag:s8] =	ssyncadd.s32 $0xFFFFFFB0  }
0xc9: {  	_ =	swait.ge [sflag:s8], $0x50  }
0xca: {  	[sflag:s8] =	ssyncset.done $0x0  }
0xcb: {  	[sflag:s8] =	ssyncadd.s32 $0xFFFFFFB0  }
0xcc: {  	_ =	swait.ge [sflag:s8], $0x50  }
0xcd: {  	p0 =	seq.s32 s18, $0x0;
	[sflag:s8] =	ssyncset.done $0x0  }
0xce: {  	s19 =	simm.s32 @!p0 $0x3;
	[sflag:s8] =	ssyncadd.s32 $0xFFFFFFB0  }
0xcf: {  	_ =	swait.ge @!p0 [sflag:s19], $0x50  }
0xd0: {  	[sflag:s19] =	ssyncset.done @!p0 $0x0  }
0xd1: {  	[sflag:s19] =	ssyncadd.s32 @!p0 $0xFFFFFFB0  }
0xd2: {  	v2 =	vld [tilespmem:$0x0]  }
0xd3: {  	v3 =	vld [tilespmem:$0x80];
	_ =	sdelay $0x1  }
0xd4: {  	v4 =	vld [tilespmem:$0x100];
	_ =	sdelay $0x4  }
0xd5: {  	v5 =	vld.idx.msk [tilespmem:v2+s26+$0x0], $0xffff  }
0xd6: {  	v6 =	vld.idx.msk [tilespmem:v3+s29+$0x0], $0xffff;
	_ =	sdelay $0x1  }
0xd7: {  	v4 =	vld.idx.msk [tilespmem:v4+s30+$0x0], $0xffff;
	_ =	sdelay $0x2  }
0xd8: {  	v5 =	vadd.f32 v6, v5;
	_ =	sdelay $0x1  }
0xd9: {  	v4 =	vadd.f32 v4, v5;
	_ =	sdelay $0x1  }
0xda: {  	v5 =	vmul.f32 $9.999999770e-03, v4  }
0xdb: {  	vm0 =	vge.f32 v4, $0.0e+00  }
0xdc: {  	v4 =	vsel vm0, v4, v5  }
0xdd: {  	v4 =	vsub.f32 $0.0e+00, v4;
	_ =	sdelay $0x1  }
0xde: {  	v4 =	vmul.f32 $1.442695020e+00, v4;
	_ =	sdelay $0x1  }
0xdf: {  	(erf) = vpow2.f32 v4;
	_ =	sdelay $0x8  }
0xe0: {  	v4 =	vpop (erf)  }
0xe1: {  	[tilespmem:$0x300] =	vst v4  }
0xe2: {  	[tilespmem:v2+s9+$0x0] =	vst.idx.add.f32.msk $0xffff, v4  }
0xe3: {  	[tilespmem:v3+s10+$0x0] =	vst.idx.add.f32.msk $0xffff, v4  }
0xe4: {  	[tilespmem:v3+s11+$0x0] =	vst.idx.add.f32.msk $0xffff, v1  }
0xe5: {  	v2 =	vld [tilespmem:$0x10]  }
0xe6: {  	v3 =	vld [tilespmem:$0x90];
	_ =	sdelay $0x1  }
0xe7: {  	v4 =	vld [tilespmem:$0x110];
	_ =	sdelay $0x4  }
0xe8: {  	v45 =	vld.idx.msk [tilespmem:v2+s26+$0x0], $0xffff  }
0xe9: {  	v46 =	vld.idx.msk [tilespmem:v3+s29+$0x0], $0xffff;
	_ =	sdelay $0x1  }
0xea: {  	v4 =	vld.idx.msk [tilespmem:v4+s30+$0x0], $0xffff;
	_ =	sdelay $0x2  }
0xeb: {  	v5 =	vadd.f32 v46, v45;
	_ =	sdelay $0x1  }
0xec: {  	v4 =	vadd.f32 v4, v5;
	_ =	sdelay $0x1  }
0xed: {  	v5 =	vmul.f32 $9.999999770e-03, v4  }
0xee: {  	vm7 =	vge.f32 v4, $0.0e+00  }
0xef: {  	v4 =	vsel vm7, v4, v5  }
0xf0: {  	v4 =	vsub.f32 $0.0e+00, v4;
	_ =	sdelay $0x1  }
0xf1: {  	v4 =	vmul.f32 $1.442695020e+00, v4;
	_ =	sdelay $0x1  }
0xf2: {  	(erf) = vpow2.f32 v4;
	_ =	sdelay $0x8  }
0xf3: {  	v4 =	vpop (erf)  }
0xf4: {  	[tilespmem:$0x310] =	vst v4  }
0xf5: {  	[tilespmem:v2+s9+$0x0] =	vst.idx.add.f32.msk $0xffff, v4  }
0xf6: {  	[tilespmem:v3+s10+$0x0] =	vst.idx.add.f32.msk $0xffff, v4  }
0xf7: {  	[tilespmem:v3+s11+$0x0] =	vst.idx.add.f32.msk $0xffff, v1  }
0xf8: {  	v2 =	vld [tilespmem:$0x20]  }
0xf9: {  	v3 =	vld [tilespmem:$0xA0];
	_ =	sdelay $0x1  }
0xfa: {  	v4 =	vld [tilespmem:$0x120];
	_ =	sdelay $0x4  }
0xfb: {  	v47 =	vld.idx.msk [tilespmem:v2+s26+$0x0], $0xffff  }
0xfc: {  	v48 =	vld.idx.msk [tilespmem:v3+s29+$0x0], $0xffff;
	_ =	sdelay $0x1  }
0xfd: {  	v4 =	vld.idx.msk [tilespmem:v4+s30+$0x0], $0xffff;
	_ =	sdelay $0x2  }
0xfe: {  	v5 =	vadd.f32 v48, v47;
	_ =	sdelay $0x1  }
0xff: {  	v4 =	vadd.f32 v4, v5;
	_ =	sdelay $0x1  }
0x100: {  	v5 =	vmul.f32 $9.999999770e-03, v4  }
0x101: {  	vm8 =	vge.f32 v4, $0.0e+00  }
0x102: {  	v4 =	vsel vm8, v4, v5  }
0x103: {  	v4 =	vsub.f32 $0.0e+00, v4;
	_ =	sdelay $0x1  }
0x104: {  	v4 =	vmul.f32 $1.442695020e+00, v4;
	_ =	sdelay $0x1  }
0x105: {  	(erf) = vpow2.f32 v4;
	_ =	sdelay $0x8  }
0x106: {  	v4 =	vpop (erf)  }
0x107: {  	[tilespmem:$0x320] =	vst v4  }
0x108: {  	[tilespmem:v2+s9+$0x0] =	vst.idx.add.f32.msk $0xffff, v4  }
0x109: {  	[tilespmem:v3+s10+$0x0] =	vst.idx.add.f32.msk $0xffff, v4  }
0x10a: {  	[tilespmem:v3+s11+$0x0] =	vst.idx.add.f32.msk $0xffff, v1  }
0x10b: {  	v2 =	vld [tilespmem:$0x30]  }
0x10c: {  	v3 =	vld [tilespmem:$0xB0];
	_ =	sdelay $0x1  }
0x10d: {  	v4 =	vld [tilespmem:$0x130];
	_ =	sdelay $0x4  }
0x10e: {  	v49 =	vld.idx.msk [tilespmem:v2+s26+$0x0], $0xffff  }
0x10f: {  	v50 =	vld.idx.msk [tilespmem:v3+s29+$0x0], $0xffff;
	_ =	sdelay $0x1  }
0x110: {  	v4 =	vld.idx.msk [tilespmem:v4+s30+$0x0], $0xffff;
	_ =	sdelay $0x2  }
0x111: {  	v5 =	vadd.f32 v50, v49;
	_ =	sdelay $0x1  }
0x112: {  	v4 =	vadd.f32 v4, v5;
	_ =	sdelay $0x1  }
0x113: {  	v5 =	vmul.f32 $9.999999770e-03, v4  }
0x114: {  	vm9 =	vge.f32 v4, $0.0e+00  }
0x115: {  	v4 =	vsel vm9, v4, v5  }
0x116: {  	v4 =	vsub.f32 $0.0e+00, v4;
	_ =	sdelay $0x1  }
0x117: {  	v4 =	vmul.f32 $1.442695020e+00, v4;
	_ =	sdelay $0x1  }
0x118: {  	(erf) = vpow2.f32 v4;
	_ =	sdelay $0x8  }
0x119: {  	v4 =	vpop (erf)  }
0x11a: {  	[tilespmem:$0x330] =	vst v4  }
0x11b: {  	[tilespmem:v2+s9+$0x0] =	vst.idx.add.f32.msk $0xffff, v4  }
0x11c: {  	[tilespmem:v3+s10+$0x0] =	vst.idx.add.f32.msk $0xffff, v4  }
0x11d: {  	[tilespmem:v3+s11+$0x0] =	vst.idx.add.f32.msk $0xffff, v1  }
0x11e: {  	v2 =	vld [tilespmem:$0x40]  }
0x11f: {  	v3 =	vld [tilespmem:$0xC0];
	_ =	sdelay $0x1  }
0x120: {  	v4 =	vld [tilespmem:$0x140];
	_ =	sdelay $0x4  }
0x121: {  	v51 =	vld.idx.msk [tilespmem:v2+s26+$0x0], $0xffff  }
0x122: {  	v52 =	vld.idx.msk [tilespmem:v3+s29+$0x0], $0xffff;
	_ =	sdelay $0x1  }
0x123: {  	v4 =	vld.idx.msk [tilespmem:v4+s30+$0x0], $0xffff;
	_ =	sdelay $0x2  }
0x124: {  	v5 =	vadd.f32 v52, v51;
	_ =	sdelay $0x1  }
0x125: {  	v4 =	vadd.f32 v4, v5;
	_ =	sdelay $0x1  }
0x126: {  	v5 =	vmul.f32 $9.999999770e-03, v4  }
0x127: {  	vm10 =	vge.f32 v4, $0.0e+00  }
0x128: {  	v4 =	vsel vm10, v4, v5  }
0x129: {  	v4 =	vsub.f32 $0.0e+00, v4;
	_ =	sdelay $0x1  }
0x12a: {  	v4 =	vmul.f32 $1.442695020e+00, v4;
	_ =	sdelay $0x1  }
0x12b: {  	(erf) = vpow2.f32 v4;
	_ =	sdelay $0x8  }
0x12c: {  	v4 =	vpop (erf)  }
0x12d: {  	[tilespmem:$0x340] =	vst v4  }
0x12e: {  	[tilespmem:v2+s9+$0x0] =	vst.idx.add.f32.msk $0xffff, v4  }
0x12f: {  	[tilespmem:v3+s10+$0x0] =	vst.idx.add.f32.msk $0xffff, v4  }
0x130: {  	s16 =	sadd.s32 s18, s22;
	s19 =	sshrl.u32 s25, $0x3;
	[tilespmem:v3+s11+$0x0] =	vst.idx.add.f32.msk $0xffff, v1  }
0x131: {  	[hbm4b:s16+s1] =	stream.linear.scatter [tilespmem:s12], [sflag:$0x3], $0x50, $0x38;
	[tilespmem:$0xF100] =	vst v63  }
0x132: {  	s16 =	sadd.s32 s3, s19  }
0x133: {  	[tilespmem:s1], [sflag:$0x1] =	stream.linear.gather [hbm4b:s16+s1], $0x50, $0x38;
	[tilespmem:$0xF100] =	vst v63  }
0x134: {  	s16 =	sadd.s32 s4, s19  }
0x135: {  	[tilespmem:s31], [sflag:$0x1] =	stream.linear.gather [hbm4b:s16+s1], $0x50, $0x38;
	[tilespmem:$0xF100] =	vst v63  }
0x136: {  	s19 =	sadd.s32 s5, s19  }
0x137: {  	[tilespmem:s0], [sflag:$0x1] =	stream.linear.gather [hbm4b:s19+s1], $0x50, $0x38;
	[tilespmem:$0xF100] =	vst v63  }
0x138: {  	_ =	swait.ge [sflag:s13], $0x50  }
0x139: {  	[sflag:s13] =	ssyncset.done $0x0  }
0x13a: {  	[sflag:s13] =	ssyncadd.s32 $0xFFFFFFB0  }
0x13b: {  	_ =	swait.ge [sflag:s13], $0x50  }
0x13c: {  	[sflag:s13] =	ssyncset.done $0x0  }
0x13d: {  	[sflag:s13] =	ssyncadd.s32 $0xFFFFFFB0  }
0x13e: {  	_ =	swait.ge [sflag:s13], $0x50  }
0x13f: {  	[sflag:s13] =	ssyncset.done $0x0  }
0x140: {  	s16 =	simm.s32 @!p0 $0x4;
	[sflag:s13] =	ssyncadd.s32 $0xFFFFFFB0  }
0x141: {  	_ =	swait.ge @!p0 [sflag:s16], $0x50  }
0x142: {  	[sflag:s16] =	ssyncset.done @!p0 $0x0  }
0x143: {  	[sflag:s16] =	ssyncadd.s32 @!p0 $0xFFFFFFB0  }
0x144: {  	v2 =	vld [tilespmem:$0x180]  }
0x145: {  	v3 =	vld [tilespmem:$0x200];
	_ =	sdelay $0x1  }
0x146: {  	v53 =	vld [tilespmem:$0x280];
	_ =	sdelay $0x4  }
0x147: {  	v54 =	vld.idx.msk [tilespmem:v2+s26+$0x0], $0xffff  }
0x148: {  	v55 =	vld.idx.msk [tilespmem:v3+s29+$0x0], $0xffff;
	_ =	sdelay $0x1  }
0x149: {  	v4 =	vld.idx.msk [tilespmem:v53+s30+$0x0], $0xffff;
	_ =	sdelay $0x2  }
0x14a: {  	v5 =	vadd.f32 v55, v54;
	_ =	sdelay $0x1  }
0x14b: {  	v4 =	vadd.f32 v4, v5;
	_ =	sdelay $0x1  }
0x14c: {  	v5 =	vmul.f32 $9.999999770e-03, v4  }
0x14d: {  	vm11 =	vge.f32 v4, $0.0e+00  }
0x14e: {  	v4 =	vsel vm11, v4, v5  }
0x14f: {  	v4 =	vsub.f32 $0.0e+00, v4;
	_ =	sdelay $0x1  }
0x150: {  	v4 =	vmul.f32 $1.442695020e+00, v4;
	_ =	sdelay $0x1  }
0x151: {  	(erf) = vpow2.f32 v4;
	_ =	sdelay $0x8  }
0x152: {  	v4 =	vpop (erf)  }
0x153: {  	[tilespmem:$0x380] =	vst v4  }
0x154: {  	[tilespmem:v2+s9+$0x0] =	vst.idx.add.f32.msk $0xffff, v4  }
0x155: {  	[tilespmem:v3+s10+$0x0] =	vst.idx.add.f32.msk $0xffff, v4  }
0x156: {  	[tilespmem:v3+s11+$0x0] =	vst.idx.add.f32.msk $0xffff, v1  }
0x157: {  	v2 =	vld [tilespmem:$0x190]  }
0x158: {  	v3 =	vld [tilespmem:$0x210];
	_ =	sdelay $0x1  }
0x159: {  	v4 =	vld [tilespmem:$0x290];
	_ =	sdelay $0x4  }
0x15a: {  	v56 =	vld.idx.msk [tilespmem:v2+s26+$0x0], $0xffff  }
0x15b: {  	v57 =	vld.idx.msk [tilespmem:v3+s29+$0x0], $0xffff;
	_ =	sdelay $0x1  }
0x15c: {  	v4 =	vld.idx.msk [tilespmem:v4+s30+$0x0], $0xffff;
	_ =	sdelay $0x2  }
0x15d: {  	v5 =	vadd.f32 v57, v56;
	_ =	sdelay $0x1  }
0x15e: {  	v4 =	vadd.f32 v4, v5;
	_ =	sdelay $0x1  }
0x15f: {  	v5 =	vmul.f32 $9.999999770e-03, v4  }
0x160: {  	vm12 =	vge.f32 v4, $0.0e+00  }
0x161: {  	v4 =	vsel vm12, v4, v5  }
0x162: {  	v4 =	vsub.f32 $0.0e+00, v4;
	_ =	sdelay $0x1  }
0x163: {  	v4 =	vmul.f32 $1.442695020e+00, v4;
	_ =	sdelay $0x1  }
0x164: {  	(erf) = vpow2.f32 v4;
	_ =	sdelay $0x8  }
0x165: {  	v4 =	vpop (erf)  }
0x166: {  	[tilespmem:$0x390] =	vst v4  }
0x167: {  	[tilespmem:v2+s9+$0x0] =	vst.idx.add.f32.msk $0xffff, v4  }
0x168: {  	[tilespmem:v3+s10+$0x0] =	vst.idx.add.f32.msk $0xffff, v4  }
0x169: {  	[tilespmem:v3+s11+$0x0] =	vst.idx.add.f32.msk $0xffff, v1  }
0x16a: {  	v2 =	vld [tilespmem:$0x1A0]  }
0x16b: {  	v3 =	vld [tilespmem:$0x220];
	_ =	sdelay $0x1  }
0x16c: {  	v4 =	vld [tilespmem:$0x2A0];
	_ =	sdelay $0x4  }
0x16d: {  	v58 =	vld.idx.msk [tilespmem:v2+s26+$0x0], $0xffff  }
0x16e: {  	v59 =	vld.idx.msk [tilespmem:v3+s29+$0x0], $0xffff;
	_ =	sdelay $0x1  }
0x16f: {  	v4 =	vld.idx.msk [tilespmem:v4+s30+$0x0], $0xffff;
	_ =	sdelay $0x2  }
0x170: {  	v5 =	vadd.f32 v59, v58;
	_ =	sdelay $0x1  }
0x171: {  	v4 =	vadd.f32 v4, v5;
	_ =	sdelay $0x1  }
0x172: {  	v5 =	vmul.f32 $9.999999770e-03, v4  }
0x173: {  	vm13 =	vge.f32 v4, $0.0e+00  }
0x174: {  	v4 =	vsel vm13, v4, v5  }
0x175: {  	v4 =	vsub.f32 $0.0e+00, v4;
	_ =	sdelay $0x1  }
0x176: {  	v4 =	vmul.f32 $1.442695020e+00, v4;
	_ =	sdelay $0x1  }
0x177: {  	(erf) = vpow2.f32 v4;
	_ =	sdelay $0x8  }
0x178: {  	v4 =	vpop (erf)  }
0x179: {  	[tilespmem:$0x3A0] =	vst v4  }
0x17a: {  	[tilespmem:v2+s9+$0x0] =	vst.idx.add.f32.msk $0xffff, v4  }
0x17b: {  	[tilespmem:v3+s10+$0x0] =	vst.idx.add.f32.msk $0xffff, v4  }
0x17c: {  	[tilespmem:v3+s11+$0x0] =	vst.idx.add.f32.msk $0xffff, v1  }
0x17d: {  	v2 =	vld [tilespmem:$0x1B0]  }
0x17e: {  	v3 =	vld [tilespmem:$0x230];
	_ =	sdelay $0x1  }
0x17f: {  	v4 =	vld [tilespmem:$0x2B0];
	_ =	sdelay $0x4  }
0x180: {  	v60 =	vld.idx.msk [tilespmem:v2+s26+$0x0], $0xffff  }
0x181: {  	v61 =	vld.idx.msk [tilespmem:v3+s29+$0x0], $0xffff;
	_ =	sdelay $0x1  }
0x182: {  	v4 =	vld.idx.msk [tilespmem:v4+s30+$0x0], $0xffff;
	_ =	sdelay $0x2  }
0x183: {  	v5 =	vadd.f32 v61, v60;
	_ =	sdelay $0x1  }
0x184: {  	v4 =	vadd.f32 v4, v5;
	_ =	sdelay $0x1  }
0x185: {  	v5 =	vmul.f32 $9.999999770e-03, v4  }
0x186: {  	vm14 =	vge.f32 v4, $0.0e+00  }
0x187: {  	v4 =	vsel vm14, v4, v5  }
0x188: {  	v4 =	vsub.f32 $0.0e+00, v4;
	_ =	sdelay $0x1  }
0x189: {  	v4 =	vmul.f32 $1.442695020e+00, v4;
	_ =	sdelay $0x1  }
0x18a: {  	(erf) = vpow2.f32 v4;
	_ =	sdelay $0x8  }
0x18b: {  	v4 =	vpop (erf)  }
0x18c: {  	[tilespmem:$0x3B0] =	vst v4  }
0x18d: {  	[tilespmem:v2+s9+$0x0] =	vst.idx.add.f32.msk $0xffff, v4  }
0x18e: {  	[tilespmem:v3+s10+$0x0] =	vst.idx.add.f32.msk $0xffff, v4  }
0x18f: {  	[tilespmem:v3+s11+$0x0] =	vst.idx.add.f32.msk $0xffff, v1  }
0x190: {  	v2 =	vld [tilespmem:$0x1C0]  }
0x191: {  	v3 =	vld [tilespmem:$0x240];
	_ =	sdelay $0x1  }
0x192: {  	v4 =	vld [tilespmem:$0x2C0];
	_ =	sdelay $0x4  }
0x193: {  	v62 =	vld.idx.msk [tilespmem:v2+s26+$0x0], $0xffff  }
0x194: {  	v63 =	vld.idx.msk [tilespmem:v3+s29+$0x0], $0xffff;
	_ =	sdelay $0x1  }
0x195: {  	v4 =	vld.idx.msk [tilespmem:v4+s30+$0x0], $0xffff;
	_ =	sdelay $0x2  }
0x196: {  	v5 =	vadd.f32 v63, v62;
	_ =	sdelay $0x1  }
0x197: {  	v4 =	vadd.f32 v4, v5;
	_ =	sdelay $0x1  }
0x198: {  	v5 =	vmul.f32 $9.999999770e-03, v4  }
0x199: {  	vm15 =	vge.f32 v4, $0.0e+00  }
0x19a: {  	v4 =	vsel vm15, v4, v5  }
0x19b: {  	v4 =	vsub.f32 $0.0e+00, v4;
	_ =	sdelay $0x1  }
0x19c: {  	v4 =	vmul.f32 $1.442695020e+00, v4;
	_ =	sdelay $0x1  }
0x19d: {  	(erf) = vpow2.f32 v4;
	_ =	sdelay $0x8  }
0x19e: {  	p0 =	seq.s32 s18, $0x4C4;
	v4 =	vpop (erf)  }
.Ltmp4:
0x19f: {  	[tilespmem:$0x3C0] =	vst v4;
	(pc) =	sbr.rel @p0 .LBB2_8-.Ltmp4, $4  }
0x1a0: {  	[tilespmem:v2+s9+$0x0] =	vst.idx.add.f32.msk $0xffff, v4  }
0x1a1: {  	[tilespmem:v3+s10+$0x0] =	vst.idx.add.f32.msk $0xffff, v4  }
0x1a2: {  	s19 =	sadd.s32 s18, s21;
	[tilespmem:v3+s11+$0x0] =	vst.idx.add.f32.msk $0xffff, v1  }
0x1a3: {  	[hbm4b:s19+s1] =	stream.linear.scatter [tilespmem:s14], [sflag:$0x4], $0x50, $0x38;
	[tilespmem:$0xF100] =	vst v63  }
0x1a4: {  	s16 =	sadd.s32 s18, s24  }
0x1a5: {  	[tilespmem:s2], [sflag:$0x2] =	stream.linear.gather [hbm4b:s16+s1], $0x50, $0x38;
	[tilespmem:$0xF100] =	vst v63  }
.Ltmp5:
0x1a6: {  	_ = 	snop;
	(pc) =	sbr.rel .LBB2_6-.Ltmp5, $4  }
0x1a7: {  	s19 =	sadd.s32 s18, s23  }
0x1a8: {  	[tilespmem:s6], [sflag:$0x2] =	stream.linear.gather [hbm4b:s19+s1], $0x50, $0x38;
	[tilespmem:$0xF100] =	vst v63  }
0x1a9: {  	s25 =	sadd.s32 $0xA0, s25;
	s19 =	sadd.s32 s18, s20;
	s18 =	sadd.s32 $0x14, s18  }
0x1aa: {  	[tilespmem:s7], [sflag:$0x2] =	stream.linear.gather [hbm4b:s19+s1], $0x50, $0x38;
	[tilespmem:$0xF100] =	vst v63  }
.LBB2_9:
0x1ab: {  	_ =	sfence.sel $0x180000  }
0x1ac: {  	[bflag:$0x0] =	sbarrier.arrive $0xFFFF  }
0x1ad: {  	_ =	strace $0x90000047  }
0x1ae: {  	s0 =	stileid.u32;
	[bflag:$0x2] =	sbarrier.arrive $0xFFFF  }
0x1af: {  	p0 =	sne.s32 s0, $0x0;
	s0 =	rddreg [dreg:$0x1]  }
0x1b0: {  	s0 =	sadd.s32 @!p0 $0x100000, s0  }
0x1b1: {  	[sflag:s0] =	ssyncadd.tile.s32 @!p0 $0x1;
	_ =	shalt  }
.Lfunc_end2:
_tile_overlayer_lowered:
.L_overlay_start_2:
0x1b2: {  	(tag) =	ssettag $0x2  }
0x1b3: {  	s0 =	rddreg [dreg:$0x0];
	s2 =	stileid.u32  }
0x1b4: {  	s1 =	rddreg [dreg:$0x1];
	p0 =	sne.s32 s2, $0x0  }
0x1b5: {  	s3 =	rddreg [dreg:$0x2];
	[bflag:$0x3] =	sbarrier.arrive $0xFFFF;
	s2 =	simm.s32 @!p0 $0x1C05  }
0x1b6: {  	[timem:s3], [sflag:s2] =	dma.local @!p0 [hbm:s0], s1  }
0x1b7: {  	s0 =	simm.s32 @!p0 $0x5  }
0x1b8: {  	_ =	swait.ge @!p0 [sflag:s0], s1  }
0x1b9: {  	s1 =	ssub.s32 @!p0 $0x0, s1;
	[sflag:s0] =	ssyncset.done @!p0 $0x0  }
0x1ba: {  	[sflag:s0] =	ssyncadd.s32 @!p0 s1  }
0x1bb: {  	[bflag:$0x3] =	sbarrier.arrive $0xFFFF  }
0x1bc: {  	_ =	shalt  }

</sc_bundles>
